<compile_context>
chip_gen: v7x
topology: tpu7x:2x2x1
jax: 0.10.2.dev20260603
libtpu: 0.0.44.dev20260713+nightly
codegen_flags: <defaults>
</compile_context>

<pallas_src>
import functools

import jax
import jax.numpy as jnp
from jax import lax
from jax.experimental import pallas as pl
from jax.experimental.pallas import tpu as pltpu
from jax.experimental.pallas import tpu_sc as plsc

N = 10000
D = 128
E = 320000
NP = 10240
K = 128
NW = 32
CH = 80
EPW = E // NW
PPW = CH * K - EPW
NSUB = 16
RPT = NP // NSUB

@functools.cache
def _get_sc_agg():
    mesh = plsc.VectorSubcoreMesh(core_axis_name="c", subcore_axis_name="s",
                                  num_cores=2, num_subcores=NSUB)

    @functools.partial(
        pl.kernel,
        out_type=jax.ShapeDtypeStruct((2, NP, D), jnp.float32),
        mesh=mesh,
        scratch_types=[
            pltpu.VMEM((CH // 2, K), jnp.int32),
            pltpu.VMEM((CH // 2, K), jnp.int32),
            pltpu.VMEM((K, D), jnp.float32),
            pltpu.VMEM((K, D), jnp.float32),
            pltpu.VMEM_SHARED((NP, D), jnp.float32),
            pltpu.SemaphoreType.DMA,
            pltpu.SemaphoreType.DMA,
        ],
    )
    def _sc_agg(h_hbm, src_hbm, dst_hbm, out_hbm, src_v, dst_v,
                buf0, buf1, acc_sh, sem0, sem1):
        cid = lax.axis_index("c")
        sid = lax.axis_index("s")
        wid = sid * 2 + cid
        hh = CH // 2
        pltpu.sync_copy(src_hbm.at[wid, pl.ds(0, hh)], src_v)
        pltpu.sync_copy(dst_hbm.at[wid, pl.ds(0, hh)], dst_v)
        pltpu.async_copy(h_hbm.at[src_v.at[0]], buf0, sem0)
        zv = jnp.zeros((16,), jnp.float32)

        @pl.loop(0, K)
        def _(r):
            for c in range(D // 16):
                buf1[r, c * 16:(c + 1) * 16] = zv

        for t in range(RPT // K):
            pltpu.sync_copy(buf1, acc_sh.at[pl.ds(sid * RPT + t * K, K)])
        plsc.subcore_barrier()

        for half in range(2):
            if half == 1:
                pltpu.sync_copy(src_hbm.at[wid, pl.ds(hh, hh)], src_v)
                pltpu.sync_copy(dst_hbm.at[wid, pl.ds(hh, hh)], dst_v)
                pltpu.async_copy(h_hbm.at[src_v.at[0]], buf0, sem0)


            @pl.loop(0, hh // 2)
            def _(i):
                j = 2 * i
                pltpu.async_copy(h_hbm.at[src_v.at[j + 1]], buf1, sem1)
                pltpu.make_async_copy(
                    h_hbm.at[src_v.at[j]], buf0, sem0).wait()
                pltpu.sync_copy(buf0, acc_sh.at[dst_v.at[j]], add=True)

                @pl.when(i < hh // 2 - 1)
                def _():
                    pltpu.async_copy(h_hbm.at[src_v.at[j + 2]], buf0, sem0)

                pltpu.make_async_copy(
                    h_hbm.at[src_v.at[j + 1]], buf1, sem1).wait()
                pltpu.sync_copy(buf1, acc_sh.at[dst_v.at[j + 1]], add=True)

        plsc.subcore_barrier()
        pltpu.sync_copy(acc_sh.at[pl.ds(sid * RPT, RPT)],
                        out_hbm.at[cid, pl.ds(sid * RPT, RPT)])

    return _sc_agg


BN = 5120
GRID = NP // BN


def _mlp_body(h_ref, agg_ref, w1_ref, b1_ref, w2_ref, b2_ref,
              out_ref, cs_ref):
    i = pl.program_id(0)
    xb = h_ref[...] + agg_ref[0] + agg_ref[1]
    t = jnp.dot(xb, w1_ref[...], preferred_element_type=jnp.float32)
    t = jnp.maximum(t + b1_ref[...], 0.0)
    hn = jnp.dot(t, w2_ref[...], preferred_element_type=jnp.float32)
    hn = hn + b2_ref[...]
    out_ref[...] = hn
    rows = i * BN + lax.broadcasted_iota(jnp.int32, (BN, 1), 0)
    contrib = jnp.sum(jnp.where(rows < N, hn, 0.0), axis=0, keepdims=True)

    @pl.when(i == 0)
    def _():
        cs_ref[...] = contrib

    @pl.when(i != 0)
    def _():
        cs_ref[...] = cs_ref[...] + contrib


def _mlp(h, agg, W1, b1, W2, b2):
    return pl.pallas_call(
        _mlp_body,
        grid=(GRID,),
        in_specs=[
            pl.BlockSpec((BN, D), lambda i: (i, 0)),
            pl.BlockSpec((2, BN, D), lambda i: (0, i, 0)),
            pl.BlockSpec((D, D), lambda i: (0, 0)),
            pl.BlockSpec((1, D), lambda i: (0, 0)),
            pl.BlockSpec((D, D), lambda i: (0, 0)),
            pl.BlockSpec((1, D), lambda i: (0, 0)),
        ],
        out_specs=[
            pl.BlockSpec((BN, D), lambda i: (i, 0)),
            pl.BlockSpec((1, D), lambda i: (0, 0)),
        ],
        out_shape=[
            jax.ShapeDtypeStruct((NP, D), jnp.float32),
            jax.ShapeDtypeStruct((1, D), jnp.float32),
        ],
    )(h, agg, W1, b1.reshape(1, D), W2, b2.reshape(1, D))


def _final_body(h2_ref, agg_ref, w1_ref, b1_ref, w2_ref, b2_ref,
                h1_ref, nw1_ref, nb1_ref, nw2_ref, nb2_ref,
                s1_ref, s2_ref, gw1_ref, gb1_ref, gw2_ref, gb2_ref,
                nlog_ref, glog_ref, cs_ref):
    i = pl.program_id(0)
    xb = h2_ref[...] + agg_ref[0] + agg_ref[1]
    t = jnp.dot(xb, w1_ref[...], preferred_element_type=jnp.float32)
    t = jnp.maximum(t + b1_ref[...], 0.0)
    h3 = jnp.dot(t, w2_ref[...], preferred_element_type=jnp.float32)
    h3 = h3 + b2_ref[...]
    rows = i * BN + lax.broadcasted_iota(jnp.int32, (BN, 1), 0)
    contrib = jnp.sum(jnp.where(rows < N, h3, 0.0), axis=0, keepdims=True)

    @pl.when(i == 0)
    def _():
        cs_ref[...] = contrib

    @pl.when(i != 0)
    def _():
        cs_ref[...] = cs_ref[...] + contrib

    emb = jnp.concatenate([h1_ref[...], h2_ref[...], h3], axis=1)
    t2 = jnp.dot(emb, nw1_ref[...], preferred_element_type=jnp.float32)
    t2 = jnp.maximum(t2 + nb1_ref[...], 0.0)
    nlog_ref[...] = (
        jnp.dot(t2, nw2_ref[...], preferred_element_type=jnp.float32)
        + nb2_ref[...])

    @pl.when(i == GRID - 1)
    def _():
        gemb = jnp.concatenate(
            [s1_ref[...], s2_ref[...], cs_ref[...]], axis=1) * (1.0 / N)
        g = jnp.dot(gemb, gw1_ref[...], preferred_element_type=jnp.float32)
        g = jnp.maximum(g + gb1_ref[...], 0.0)
        glog_ref[...] = (
            jnp.dot(g, gw2_ref[...], preferred_element_type=jnp.float32)
            + gb2_ref[...])


def _final(h2, agg, W1, b1, W2, b2, h1, nw1, nb1, nw2, nb2,
           s1, s2, gw1, gb1, gw2, gb2):
    return pl.pallas_call(
        _final_body,
        grid=(GRID,),
        in_specs=[
            pl.BlockSpec((BN, D), lambda i: (i, 0)),
            pl.BlockSpec((2, BN, D), lambda i: (0, i, 0)),
            pl.BlockSpec((D, D), lambda i: (0, 0)),
            pl.BlockSpec((1, D), lambda i: (0, 0)),
            pl.BlockSpec((D, D), lambda i: (0, 0)),
            pl.BlockSpec((1, D), lambda i: (0, 0)),
            pl.BlockSpec((BN, D), lambda i: (i, 0)),
            pl.BlockSpec((3 * D, 4 * D), lambda i: (0, 0)),
            pl.BlockSpec((1, 4 * D), lambda i: (0, 0)),
            pl.BlockSpec((4 * D, 8), lambda i: (0, 0)),
            pl.BlockSpec((1, 8), lambda i: (0, 0)),
            pl.BlockSpec((1, D), lambda i: (0, 0)),
            pl.BlockSpec((1, D), lambda i: (0, 0)),
            pl.BlockSpec((3 * D, D), lambda i: (0, 0)),
            pl.BlockSpec((1, D), lambda i: (0, 0)),
            pl.BlockSpec((D, 8), lambda i: (0, 0)),
            pl.BlockSpec((1, 8), lambda i: (0, 0)),
        ],
        out_specs=[
            pl.BlockSpec((BN, 8), lambda i: (i, 0)),
            pl.BlockSpec((1, 8), lambda i: (0, 0)),
        ],
        out_shape=[
            jax.ShapeDtypeStruct((NP, 8), jnp.float32),
            jax.ShapeDtypeStruct((1, 8), jnp.float32),
        ],
        scratch_shapes=[pltpu.VMEM((1, D), jnp.float32)],
    )(h2, agg, W1, b1.reshape(1, D), W2, b2.reshape(1, D), h1,
      nw1, nb1, nw2, nb2, s1, s2, gw1, gb1, gw2, gb2)


def kernel(x, edge_index,
           gW1_0, gb1_0, gW2_0, gb2_0,
           gW1_1, gb1_1, gW2_1, gb2_1,
           gW1_2, gb1_2, gW2_2, gb2_2,
           gcW1, gcb1, gcW2, gcb2,
           ncW1, ncb1, ncW2, ncb2):
    f32 = jnp.float32
    src = edge_index[0]
    dst = edge_index[1]
    padv = jnp.broadcast_to(N + jnp.arange(PPW, dtype=jnp.int32), (NW, PPW))
    srcp = jnp.concatenate([src.reshape(NW, EPW), padv], axis=1)
    srcp = srcp.reshape(NW, CH, K)
    dstp = jnp.concatenate([dst.reshape(NW, EPW), padv], axis=1)
    dstp = dstp.reshape(NW, CH, K)

    h0 = jnp.zeros((NP, D), f32).at[:N].set(x)
    agg1 = _get_sc_agg()(h0, srcp, dstp)
    h1, s1 = _mlp(h0, agg1, gW1_0, gb1_0, gW2_0, gb2_0)
    agg2 = _get_sc_agg()(h1, srcp, dstp)
    h2, s2 = _mlp(h1, agg2, gW1_1, gb1_1, gW2_1, gb2_1)
    agg3 = _get_sc_agg()(h2, srcp, dstp)

    w1all = ncW1.transpose(1, 0, 2).reshape(3 * D, 4 * D)
    b1all = ncb1.reshape(1, 4 * D)
    w2bd = jnp.zeros((4 * D, 8), f32)
    for c in range(4):
        w2bd = w2bd.at[c * D:(c + 1) * D, c].set(ncW2[c, :, 0])
    b2bd = jnp.zeros((1, 8), f32).at[0, :4].set(ncb2[:, 0])
    gw2p = jnp.zeros((D, 8), f32).at[:, :4].set(gcW2)
    gb2p = jnp.zeros((1, 8), f32).at[0, :4].set(gcb2)

    nlog, glog = _final(h2, agg3, gW1_2, gb1_2, gW2_2, gb2_2, h1,
                        w1all, b1all, w2bd, b2bd, s1, s2,
                        gcW1, gcb1.reshape(1, D), gw2p, gb2p)
    return glog[0, :4], nlog[:N, :4]

# --- scband reference (transcript-rebuilt; emitter-appended) ---
"""Pipeline reference for scband-weak-tissue-classifier-6837587936098 (READ-ONLY COPY).

The authoritative reference and input builder live on the scoring server;
editing this copy changes nothing except your own understanding.
"""

import jax, jax.numpy as jnp
import numpy as np

N = 10000
E = 320000
D = 128
H = 128
L = 3
C = 4
LATENT = D * L  # agg_operator='concat' -> output_dim * n_layers = 384


def setup_inputs(seed: int = 0) -> dict:
    key = jax.random.key(seed)
    ks = iter(jax.random.split(key, 64))
    inp = {}
    inp["x"] = jax.random.normal(next(ks), (N, D), dtype=jnp.float32)
    inp["edge_index"] = jax.random.randint(next(ks), (2, E), 0, N, dtype=jnp.int32)
    s = 0.05
    # GNN (GIN-style) layer params: 2-layer MLP per conv
    for i in range(L):
        in_dim = D if i == 0 else H
        inp[f"gW1_{i}"] = jax.random.normal(next(ks), (in_dim, H), dtype=jnp.float32) * s
        inp[f"gb1_{i}"] = jnp.zeros((H,), dtype=jnp.float32)
        inp[f"gW2_{i}"] = jax.random.normal(next(ks), (H, D), dtype=jnp.float32) * s
        inp[f"gb2_{i}"] = jnp.zeros((D,), dtype=jnp.float32)
    # graph classifier head: Linear(384,128)+ReLU+Linear(128,4)
    inp["gcW1"] = jax.random.normal(next(ks), (LATENT, 128), dtype=jnp.float32) * s
    inp["gcb1"] = jnp.zeros((128,), dtype=jnp.float32)
    inp["gcW2"] = jax.random.normal(next(ks), (128, C), dtype=jnp.float32) * s
    inp["gcb2"] = jnp.zeros((C,), dtype=jnp.float32)
    # node classifiers: C heads, each Linear(384,128)+ReLU+Linear(128,1), stacked
    inp["ncW1"] = jax.random.normal(next(ks), (C, LATENT, 128), dtype=jnp.float32) * s
    inp["ncb1"] = jnp.zeros((C, 128), dtype=jnp.float32)
    inp["ncW2"] = jax.random.normal(next(ks), (C, 128, 1), dtype=jnp.float32) * s
    inp["ncb2"] = jnp.zeros((C, 1), dtype=jnp.float32)
    return inp


def _gin_layer(h, src, dst, W1, b1, W2, b2):
    # message passing: gather from src, scatter-add (segment_sum) to dst
    msg = jnp.take(h, src, axis=0)
    agg = jax.ops.segment_sum(msg, dst, num_segments=N)
    h2 = h + agg  # GIN aggregation (eps=0)
    h2 = jax.nn.relu(h2 @ W1 + b1)
    h2 = h2 @ W2 + b2
    return h2


def reference(x, edge_index,
              gW1_0, gb1_0, gW2_0, gb2_0,
              gW1_1, gb1_1, gW2_1, gb2_1,
              gW1_2, gb1_2, gW2_2, gb2_2,
              gcW1, gcb1, gcW2, gcb2,
              ncW1, ncb1, ncW2, ncb2):
    src = edge_index[0]
    dst = edge_index[1]
    layer_params = [
        (gW1_0, gb1_0, gW2_0, gb2_0),
        (gW1_1, gb1_1, gW2_1, gb2_1),
        (gW1_2, gb1_2, gW2_2, gb2_2),
    ]
    h = x
    layer_outs = []
    for (W1, b1, W2, b2) in layer_params:
        h = _gin_layer(h, src, dst, W1, b1, W2, b2)
        layer_outs.append(h)
    # agg_operator == 'concat': node embedding is concat of per-layer outputs
    node_emb = jnp.concatenate(layer_outs, axis=1)  # [N, LATENT]
    # graph readout: mean over nodes
    graph_emb = jnp.mean(node_emb, axis=0)  # [LATENT]
    # graph classifier head
    g = jax.nn.relu(graph_emb @ gcW1 + gcb1)
    graph_logit = g @ gcW2 + gcb2  # [C]
    # node classifiers: one binary head per class
    hcn = jnp.einsum('nd,cdh->cnh', node_emb, ncW1) + ncb1[:, None, :]
    hcn = jax.nn.relu(hcn)
    nlog = jnp.einsum('cnh,cho->cno', hcn, ncW2) + ncb2[:, None, :]  # [C, N, 1]
    node_logit = jnp.transpose(nlog[:, :, 0])  # [N, C]
    return (graph_logit, node_logit)

if __name__ == "__main__":
    import jax
    _d = setup_inputs()
    print(jax.jit(kernel)(*tuple(_d.values())))

</pallas_src>

<mosaic_0001>
#map = affine_map<(d0, d1) -> (0, 0)>
#map1 = affine_map<(d0, d1) -> (0, 0, 0)>
module attributes {stable_mosaic.version = 14 : i64} {
  func.func @_sc_agg(%arg0: i32, %arg1: i32, %arg2: memref<10240x128xf32, #tpu.memory_space<hbm>>, %arg3: memref<32x80x128xi32, #tpu.memory_space<hbm>>, %arg4: memref<32x80x128xi32, #tpu.memory_space<hbm>>, %arg5: memref<2x10240x128xf32, #tpu.memory_space<hbm>>, %arg6: memref<40x128xi32, #tpu.memory_space<vmem>>, %arg7: memref<40x128xi32, #tpu.memory_space<vmem>>, %arg8: memref<128x128xf32, #tpu.memory_space<vmem>>, %arg9: memref<128x128xf32, #tpu.memory_space<vmem>>, %arg10: memref<10240x128xf32, #tpu.memory_space<vmem_shared>>, %arg11: memref<!tpu.dma_semaphore, #tpu.memory_space<semaphore_mem>>, %arg12: memref<!tpu.dma_semaphore, #tpu.memory_space<semaphore_mem>>) attributes {dimension_semantics = [#tpu.dimension_semantics<core_parallel>, #tpu.dimension_semantics<subcore_parallel>], iteration_bounds = array<i64: 2, 16>, scalar_prefetch = 0 : i64, scratch_operands = 7 : i64, tpu.core_type = #tpu.core_type<sc_vector_subcore>, window_params = [{transform_indices = #map}, {transform_indices = #map1}, {transform_indices = #map1}, {transform_indices = #map1}]} {
    %mul3A = arith.constant 2 : i32
    %mul3A_0 = arith.muli %arg1, %mul3A : i32
    %add3A = arith.addi %mul3A_0, %arg0 : i32
    "tpu.region"() ({
      %run_scoped3A = tpu.sem_alloc : memref<!tpu.dma_semaphore, #tpu.memory_space<semaphore_mem>>
      %dma_start3A_54 = arith.constant 0 : i32
      %dma_start3A_55 = arith.constant 0 : i32
      %dma_start3A_56 = tpu.memref_slice %arg3[%add3A, %dma_start3A_54, %dma_start3A_55] : memref<32x80x128xi32, #tpu.memory_space<hbm>> -> memref<1x40x128xi32, #tpu.memory_space<hbm>>
      %dma_start3A_57 = tpu.memref_squeeze %dma_start3A_56 : memref<1x40x128xi32, #tpu.memory_space<hbm>> -> memref<40x128xi32, #tpu.memory_space<hbm>>
      %dma_start3A_58 = arith.constant 0 : i32
      %dma_start3A_59 = arith.constant 0 : i32
      %dma_start3A_60 = tpu.memref_slice %arg3[%add3A, %dma_start3A_58, %dma_start3A_59] : memref<32x80x128xi32, #tpu.memory_space<hbm>> -> memref<1x40x128xi32, #tpu.memory_space<hbm>>
      %dma_start3A_61 = tpu.memref_squeeze %dma_start3A_60 : memref<1x40x128xi32, #tpu.memory_space<hbm>> -> memref<40x128xi32, #tpu.memory_space<hbm>>
      tpu.enqueue_dma source(%dma_start3A_61 : memref<40x128xi32, #tpu.memory_space<hbm>>) target(%arg6 : memref<40x128xi32, #tpu.memory_space<vmem>>) target_semaphore(%run_scoped3A : memref<!tpu.dma_semaphore, #tpu.memory_space<semaphore_mem>>)
      %dma_wait3A = arith.constant 0 : i32
      %dma_wait3A_62 = arith.constant 0 : i32
      %dma_wait3A_63 = tpu.memref_slice %arg3[%add3A, %dma_wait3A, %dma_wait3A_62] : memref<32x80x128xi32, #tpu.memory_space<hbm>> -> memref<1x40x128xi32, #tpu.memory_space<hbm>>
      %dma_wait3A_64 = tpu.memref_squeeze %dma_wait3A_63 : memref<1x40x128xi32, #tpu.memory_space<hbm>> -> memref<40x128xi32, #tpu.memory_space<hbm>>
      %dma_wait3A_65 = arith.constant 0 : i32
      %dma_wait3A_66 = arith.constant 0 : i32
      %dma_wait3A_67 = tpu.memref_slice %arg3[%add3A, %dma_wait3A_65, %dma_wait3A_66] : memref<32x80x128xi32, #tpu.memory_space<hbm>> -> memref<1x40x128xi32, #tpu.memory_space<hbm>>
      %dma_wait3A_68 = tpu.memref_squeeze %dma_wait3A_67 : memref<1x40x128xi32, #tpu.memory_space<hbm>> -> memref<40x128xi32, #tpu.memory_space<hbm>>
      tpu.wait_dma2 semaphore(%run_scoped3A : memref<!tpu.dma_semaphore, #tpu.memory_space<semaphore_mem>>) src(%dma_wait3A_68 : memref<40x128xi32, #tpu.memory_space<hbm>>) dst(%arg6 : memref<40x128xi32, #tpu.memory_space<vmem>>)
      tpu.yield
    }) : () -> ()
    "tpu.region"() ({
      %run_scoped3A = tpu.sem_alloc : memref<!tpu.dma_semaphore, #tpu.memory_space<semaphore_mem>>
      %dma_start3A_54 = arith.constant 0 : i32
      %dma_start3A_55 = arith.constant 0 : i32
      %dma_start3A_56 = tpu.memref_slice %arg4[%add3A, %dma_start3A_54, %dma_start3A_55] : memref<32x80x128xi32, #tpu.memory_space<hbm>> -> memref<1x40x128xi32, #tpu.memory_space<hbm>>
      %dma_start3A_57 = tpu.memref_squeeze %dma_start3A_56 : memref<1x40x128xi32, #tpu.memory_space<hbm>> -> memref<40x128xi32, #tpu.memory_space<hbm>>
      %dma_start3A_58 = arith.constant 0 : i32
      %dma_start3A_59 = arith.constant 0 : i32
      %dma_start3A_60 = tpu.memref_slice %arg4[%add3A, %dma_start3A_58, %dma_start3A_59] : memref<32x80x128xi32, #tpu.memory_space<hbm>> -> memref<1x40x128xi32, #tpu.memory_space<hbm>>
      %dma_start3A_61 = tpu.memref_squeeze %dma_start3A_60 : memref<1x40x128xi32, #tpu.memory_space<hbm>> -> memref<40x128xi32, #tpu.memory_space<hbm>>
      tpu.enqueue_dma source(%dma_start3A_61 : memref<40x128xi32, #tpu.memory_space<hbm>>) target(%arg7 : memref<40x128xi32, #tpu.memory_space<vmem>>) target_semaphore(%run_scoped3A : memref<!tpu.dma_semaphore, #tpu.memory_space<semaphore_mem>>)
      %dma_wait3A = arith.constant 0 : i32
      %dma_wait3A_62 = arith.constant 0 : i32
      %dma_wait3A_63 = tpu.memref_slice %arg4[%add3A, %dma_wait3A, %dma_wait3A_62] : memref<32x80x128xi32, #tpu.memory_space<hbm>> -> memref<1x40x128xi32, #tpu.memory_space<hbm>>
      %dma_wait3A_64 = tpu.memref_squeeze %dma_wait3A_63 : memref<1x40x128xi32, #tpu.memory_space<hbm>> -> memref<40x128xi32, #tpu.memory_space<hbm>>
      %dma_wait3A_65 = arith.constant 0 : i32
      %dma_wait3A_66 = arith.constant 0 : i32
      %dma_wait3A_67 = tpu.memref_slice %arg4[%add3A, %dma_wait3A_65, %dma_wait3A_66] : memref<32x80x128xi32, #tpu.memory_space<hbm>> -> memref<1x40x128xi32, #tpu.memory_space<hbm>>
      %dma_wait3A_68 = tpu.memref_squeeze %dma_wait3A_67 : memref<1x40x128xi32, #tpu.memory_space<hbm>> -> memref<40x128xi32, #tpu.memory_space<hbm>>
      tpu.wait_dma2 semaphore(%run_scoped3A : memref<!tpu.dma_semaphore, #tpu.memory_space<semaphore_mem>>) src(%dma_wait3A_68 : memref<40x128xi32, #tpu.memory_space<hbm>>) dst(%arg7 : memref<40x128xi32, #tpu.memory_space<vmem>>)
      tpu.yield
    }) : () -> ()
    %dma_start3A = arith.constant 0 : i32
    %dma_start3A_1 = arith.constant 0 : i32
    %dma_start3A_2 = tpu.memref_slice %arg6[%dma_start3A, %dma_start3A_1] : memref<40x128xi32, #tpu.memory_space<vmem>> -> memref<1x128xi32, #tpu.memory_space<vmem>>
    %dma_start3A_3 = tpu.memref_squeeze %dma_start3A_2 : memref<1x128xi32, #tpu.memory_space<vmem>> -> memref<128xi32, #tpu.memory_space<vmem>>
    %dma_start3A_4 = arith.constant 0 : i32
    %dma_start3A_5 = arith.constant 0 : i32
    %dma_start3A_6 = tpu.memref_slice %arg2[%dma_start3A_4, %dma_start3A_5] : memref<10240x128xf32, #tpu.memory_space<hbm>> -> memref<10240x128xf32, #tpu.memory_space<hbm>>
    tpu.enqueue_indirect_dma source(%dma_start3A_6 : memref<10240x128xf32, #tpu.memory_space<hbm>>) target(%arg8 : memref<128x128xf32, #tpu.memory_space<vmem>>) offsets(%dma_start3A_3 : memref<128xi32, #tpu.memory_space<vmem>>) semaphore(%arg11 : memref<!tpu.dma_semaphore, #tpu.memory_space<semaphore_mem>>)
    %broadcast_in_dim3A = arith.constant 0.000000e+00 : f32
    %broadcast_in_dim3A_7 = vector.broadcast %broadcast_in_dim3A : f32 to vector<16xf32>
    %scan3A = arith.constant 0 : i32
    %scan3A_8 = arith.constant 128 : i32
    %scan3A_9 = arith.addi %scan3A, %scan3A_8 : i32
    %scan3A_10 = arith.constant 1 : i32
    scf.for %scan3A_54 = %scan3A to %scan3A_9 step %scan3A_10  : i32 {
      %mul3A_55 = arith.constant 1 : i32
      %mul3A_56 = arith.muli %scan3A_54, %mul3A_55 : i32
      %add3A_57 = arith.constant 0 : i32
      %add3A_58 = arith.addi %add3A_57, %mul3A_56 : i32
      %swap3A = arith.index_cast %add3A_58 : i32 to index
      %swap3A_59 = arith.constant 0 : index
      %swap3A_60 = tpu.vector_load %arg9[%swap3A, %swap3A_59] {strides = array<i32>} : memref<128x128xf32, #tpu.memory_space<vmem>>, vector<1x16xf32>,
      %swap3A_61 = vector.shape_cast %swap3A_60 : vector<1x16xf32> to vector<16xf32>
      %swap3A_62 = vector.shape_cast %broadcast_in_dim3A_7 : vector<16xf32> to vector<1x16xf32>
      tpu.vector_store %arg9[%swap3A, %swap3A_59], %swap3A_62 {strides = array<i32>} : memref<128x128xf32, #tpu.memory_space<vmem>>, vector<1x16xf32>,
      %swap3A_63 = arith.index_cast %add3A_58 : i32 to index
      %swap3A_64 = arith.constant 16 : index
      %swap3A_65 = tpu.vector_load %arg9[%swap3A_63, %swap3A_64] {strides = array<i32>} : memref<128x128xf32, #tpu.memory_space<vmem>>, vector<1x16xf32>,
      %swap3A_66 = vector.shape_cast %swap3A_65 : vector<1x16xf32> to vector<16xf32>
      %swap3A_67 = vector.shape_cast %broadcast_in_dim3A_7 : vector<16xf32> to vector<1x16xf32>
      tpu.vector_store %arg9[%swap3A_63, %swap3A_64], %swap3A_67 {strides = array<i32>} : memref<128x128xf32, #tpu.memory_space<vmem>>, vector<1x16xf32>,
      %swap3A_68 = arith.index_cast %add3A_58 : i32 to index
      %swap3A_69 = arith.constant 32 : index
      %swap3A_70 = tpu.vector_load %arg9[%swap3A_68, %swap3A_69] {strides = array<i32>} : memref<128x128xf32, #tpu.memory_space<vmem>>, vector<1x16xf32>,
      %swap3A_71 = vector.shape_cast %swap3A_70 : vector<1x16xf32> to vector<16xf32>
      %swap3A_72 = vector.shape_cast %broadcast_in_dim3A_7 : vector<16xf32> to vector<1x16xf32>
      tpu.vector_store %arg9[%swap3A_68, %swap3A_69], %swap3A_72 {strides = array<i32>} : memref<128x128xf32, #tpu.memory_space<vmem>>, vector<1x16xf32>,
      %swap3A_73 = arith.index_cast %add3A_58 : i32 to index
      %swap3A_74 = arith.constant 48 : index
      %swap3A_75 = tpu.vector_load %arg9[%swap3A_73, %swap3A_74] {strides = array<i32>} : memref<128x128xf32, #tpu.memory_space<vmem>>, vector<1x16xf32>,
      %swap3A_76 = vector.shape_cast %swap3A_75 : vector<1x16xf32> to vector<16xf32>
      %swap3A_77 = vector.shape_cast %broadcast_in_dim3A_7 : vector<16xf32> to vector<1x16xf32>
      tpu.vector_store %arg9[%swap3A_73, %swap3A_74], %swap3A_77 {strides = array<i32>} : memref<128x128xf32, #tpu.memory_space<vmem>>, vector<1x16xf32>,
      %swap3A_78 = arith.index_cast %add3A_58 : i32 to index
      %swap3A_79 = arith.constant 64 : index
      %swap3A_80 = tpu.vector_load %arg9[%swap3A_78, %swap3A_79] {strides = array<i32>} : memref<128x128xf32, #tpu.memory_space<vmem>>, vector<1x16xf32>,
      %swap3A_81 = vector.shape_cast %swap3A_80 : vector<1x16xf32> to vector<16xf32>
      %swap3A_82 = vector.shape_cast %broadcast_in_dim3A_7 : vector<16xf32> to vector<1x16xf32>
      tpu.vector_store %arg9[%swap3A_78, %swap3A_79], %swap3A_82 {strides = array<i32>} : memref<128x128xf32, #tpu.memory_space<vmem>>, vector<1x16xf32>,
      %swap3A_83 = arith.index_cast %add3A_58 : i32 to index
      %swap3A_84 = arith.constant 80 : index
      %swap3A_85 = tpu.vector_load %arg9[%swap3A_83, %swap3A_84] {strides = array<i32>} : memref<128x128xf32, #tpu.memory_space<vmem>>, vector<1x16xf32>,
      %swap3A_86 = vector.shape_cast %swap3A_85 : vector<1x16xf32> to vector<16xf32>
      %swap3A_87 = vector.shape_cast %broadcast_in_dim3A_7 : vector<16xf32> to vector<1x16xf32>
      tpu.vector_store %arg9[%swap3A_83, %swap3A_84], %swap3A_87 {strides = array<i32>} : memref<128x128xf32, #tpu.memory_space<vmem>>, vector<1x16xf32>,
      %swap3A_88 = arith.index_cast %add3A_58 : i32 to index
      %swap3A_89 = arith.constant 96 : index
      %swap3A_90 = tpu.vector_load %arg9[%swap3A_88, %swap3A_89] {strides = array<i32>} : memref<128x128xf32, #tpu.memory_space<vmem>>, vector<1x16xf32>,
      %swap3A_91 = vector.shape_cast %swap3A_90 : vector<1x16xf32> to vector<16xf32>
      %swap3A_92 = vector.shape_cast %broadcast_in_dim3A_7 : vector<16xf32> to vector<1x16xf32>
      tpu.vector_store %arg9[%swap3A_88, %swap3A_89], %swap3A_92 {strides = array<i32>} : memref<128x128xf32, #tpu.memory_space<vmem>>, vector<1x16xf32>,
      %swap3A_93 = arith.index_cast %add3A_58 : i32 to index
      %swap3A_94 = arith.constant 112 : index
      %swap3A_95 = tpu.vector_load %arg9[%swap3A_93, %swap3A_94] {strides = array<i32>} : memref<128x128xf32, #tpu.memory_space<vmem>>, vector<1x16xf32>,
      %swap3A_96 = vector.shape_cast %swap3A_95 : vector<1x16xf32> to vector<16xf32>
      %swap3A_97 = vector.shape_cast %broadcast_in_dim3A_7 : vector<16xf32> to vector<1x16xf32>
      tpu.vector_store %arg9[%swap3A_93, %swap3A_94], %swap3A_97 {strides = array<i32>} : memref<128x128xf32, #tpu.memory_space<vmem>>, vector<1x16xf32>,
    }
    %scan3A_11 = arith.constant 128 : i32
    %mul3A_12 = arith.constant 640 : i32
    %mul3A_13 = arith.muli %arg1, %mul3A_12 : i32
    %add3A_14 = arith.constant 0 : i32
    %add3A_15 = arith.addi %mul3A_13, %add3A_14 : i32
    "tpu.region"() ({
      %run_scoped3A = tpu.sem_alloc : memref<!tpu.dma_semaphore, #tpu.memory_space<semaphore_mem>>
      %dma_start3A_54 = arith.constant 0 : i32
      %dma_start3A_55 = tpu.memref_slice %arg10[%add3A_15, %dma_start3A_54] : memref<10240x128xf32, #tpu.memory_space<vmem_shared>> -> memref<128x128xf32, #tpu.memory_space<vmem_shared>>
      %dma_start3A_56 = arith.constant 0 : i32
      %dma_start3A_57 = tpu.memref_slice %arg10[%add3A_15, %dma_start3A_56] : memref<10240x128xf32, #tpu.memory_space<vmem_shared>> -> memref<128x128xf32, #tpu.memory_space<vmem_shared>>
      tpu.enqueue_dma source(%arg9 : memref<128x128xf32, #tpu.memory_space<vmem>>) target(%dma_start3A_57 : memref<128x128xf32, #tpu.memory_space<vmem_shared>>) target_semaphore(%run_scoped3A : memref<!tpu.dma_semaphore, #tpu.memory_space<semaphore_mem>>)
      %dma_wait3A = arith.constant 0 : i32
      %dma_wait3A_58 = tpu.memref_slice %arg10[%add3A_15, %dma_wait3A] : memref<10240x128xf32, #tpu.memory_space<vmem_shared>> -> memref<128x128xf32, #tpu.memory_space<vmem_shared>>
      %dma_wait3A_59 = arith.constant 0 : i32
      %dma_wait3A_60 = tpu.memref_slice %arg10[%add3A_15, %dma_wait3A_59] : memref<10240x128xf32, #tpu.memory_space<vmem_shared>> -> memref<128x128xf32, #tpu.memory_space<vmem_shared>>
      tpu.wait_dma2 semaphore(%run_scoped3A : memref<!tpu.dma_semaphore, #tpu.memory_space<semaphore_mem>>) src(%arg9 : memref<128x128xf32, #tpu.memory_space<vmem>>) dst(%dma_wait3A_60 : memref<128x128xf32, #tpu.memory_space<vmem_shared>>)
      tpu.yield
    }) : () -> ()
    %mul3A_16 = arith.constant 640 : i32
    %mul3A_17 = arith.muli %arg1, %mul3A_16 : i32
    %add3A_18 = arith.constant 128 : i32
    %add3A_19 = arith.addi %mul3A_17, %add3A_18 : i32
    "tpu.region"() ({
      %run_scoped3A = tpu.sem_alloc : memref<!tpu.dma_semaphore, #tpu.memory_space<semaphore_mem>>
      %dma_start3A_54 = arith.constant 0 : i32
      %dma_start3A_55 = tpu.memref_slice %arg10[%add3A_19, %dma_start3A_54] : memref<10240x128xf32, #tpu.memory_space<vmem_shared>> -> memref<128x128xf32, #tpu.memory_space<vmem_shared>>
      %dma_start3A_56 = arith.constant 0 : i32
      %dma_start3A_57 = tpu.memref_slice %arg10[%add3A_19, %dma_start3A_56] : memref<10240x128xf32, #tpu.memory_space<vmem_shared>> -> memref<128x128xf32, #tpu.memory_space<vmem_shared>>
      tpu.enqueue_dma source(%arg9 : memref<128x128xf32, #tpu.memory_space<vmem>>) target(%dma_start3A_57 : memref<128x128xf32, #tpu.memory_space<vmem_shared>>) target_semaphore(%run_scoped3A : memref<!tpu.dma_semaphore, #tpu.memory_space<semaphore_mem>>)
      %dma_wait3A = arith.constant 0 : i32
      %dma_wait3A_58 = tpu.memref_slice %arg10[%add3A_19, %dma_wait3A] : memref<10240x128xf32, #tpu.memory_space<vmem_shared>> -> memref<128x128xf32, #tpu.memory_space<vmem_shared>>
      %dma_wait3A_59 = arith.constant 0 : i32
      %dma_wait3A_60 = tpu.memref_slice %arg10[%add3A_19, %dma_wait3A_59] : memref<10240x128xf32, #tpu.memory_space<vmem_shared>> -> memref<128x128xf32, #tpu.memory_space<vmem_shared>>
      tpu.wait_dma2 semaphore(%run_scoped3A : memref<!tpu.dma_semaphore, #tpu.memory_space<semaphore_mem>>) src(%arg9 : memref<128x128xf32, #tpu.memory_space<vmem>>) dst(%dma_wait3A_60 : memref<128x128xf32, #tpu.memory_space<vmem_shared>>)
      tpu.yield
    }) : () -> ()
    %mul3A_20 = arith.constant 640 : i32
    %mul3A_21 = arith.muli %arg1, %mul3A_20 : i32
    %add3A_22 = arith.constant 256 : i32
    %add3A_23 = arith.addi %mul3A_21, %add3A_22 : i32
    "tpu.region"() ({
      %run_scoped3A = tpu.sem_alloc : memref<!tpu.dma_semaphore, #tpu.memory_space<semaphore_mem>>
      %dma_start3A_54 = arith.constant 0 : i32
      %dma_start3A_55 = tpu.memref_slice %arg10[%add3A_23, %dma_start3A_54] : memref<10240x128xf32, #tpu.memory_space<vmem_shared>> -> memref<128x128xf32, #tpu.memory_space<vmem_shared>>
      %dma_start3A_56 = arith.constant 0 : i32
      %dma_start3A_57 = tpu.memref_slice %arg10[%add3A_23, %dma_start3A_56] : memref<10240x128xf32, #tpu.memory_space<vmem_shared>> -> memref<128x128xf32, #tpu.memory_space<vmem_shared>>
      tpu.enqueue_dma source(%arg9 : memref<128x128xf32, #tpu.memory_space<vmem>>) target(%dma_start3A_57 : memref<128x128xf32, #tpu.memory_space<vmem_shared>>) target_semaphore(%run_scoped3A : memref<!tpu.dma_semaphore, #tpu.memory_space<semaphore_mem>>)
      %dma_wait3A = arith.constant 0 : i32
      %dma_wait3A_58 = tpu.memref_slice %arg10[%add3A_23, %dma_wait3A] : memref<10240x128xf32, #tpu.memory_space<vmem_shared>> -> memref<128x128xf32, #tpu.memory_space<vmem_shared>>
      %dma_wait3A_59 = arith.constant 0 : i32
      %dma_wait3A_60 = tpu.memref_slice %arg10[%add3A_23, %dma_wait3A_59] : memref<10240x128xf32, #tpu.memory_space<vmem_shared>> -> memref<128x128xf32, #tpu.memory_space<vmem_shared>>
      tpu.wait_dma2 semaphore(%run_scoped3A : memref<!tpu.dma_semaphore, #tpu.memory_space<semaphore_mem>>) src(%arg9 : memref<128x128xf32, #tpu.memory_space<vmem>>) dst(%dma_wait3A_60 : memref<128x128xf32, #tpu.memory_space<vmem_shared>>)
      tpu.yield
    }) : () -> ()
    %mul3A_24 = arith.constant 640 : i32
    %mul3A_25 = arith.muli %arg1, %mul3A_24 : i32
    %add3A_26 = arith.constant 384 : i32
    %add3A_27 = arith.addi %mul3A_25, %add3A_26 : i32
    "tpu.region"() ({
      %run_scoped3A = tpu.sem_alloc : memref<!tpu.dma_semaphore, #tpu.memory_space<semaphore_mem>>
      %dma_start3A_54 = arith.constant 0 : i32
      %dma_start3A_55 = tpu.memref_slice %arg10[%add3A_27, %dma_start3A_54] : memref<10240x128xf32, #tpu.memory_space<vmem_shared>> -> memref<128x128xf32, #tpu.memory_space<vmem_shared>>
      %dma_start3A_56 = arith.constant 0 : i32
      %dma_start3A_57 = tpu.memref_slice %arg10[%add3A_27, %dma_start3A_56] : memref<10240x128xf32, #tpu.memory_space<vmem_shared>> -> memref<128x128xf32, #tpu.memory_space<vmem_shared>>
      tpu.enqueue_dma source(%arg9 : memref<128x128xf32, #tpu.memory_space<vmem>>) target(%dma_start3A_57 : memref<128x128xf32, #tpu.memory_space<vmem_shared>>) target_semaphore(%run_scoped3A : memref<!tpu.dma_semaphore, #tpu.memory_space<semaphore_mem>>)
      %dma_wait3A = arith.constant 0 : i32
      %dma_wait3A_58 = tpu.memref_slice %arg10[%add3A_27, %dma_wait3A] : memref<10240x128xf32, #tpu.memory_space<vmem_shared>> -> memref<128x128xf32, #tpu.memory_space<vmem_shared>>
      %dma_wait3A_59 = arith.constant 0 : i32
      %dma_wait3A_60 = tpu.memref_slice %arg10[%add3A_27, %dma_wait3A_59] : memref<10240x128xf32, #tpu.memory_space<vmem_shared>> -> memref<128x128xf32, #tpu.memory_space<vmem_shared>>
      tpu.wait_dma2 semaphore(%run_scoped3A : memref<!tpu.dma_semaphore, #tpu.memory_space<semaphore_mem>>) src(%arg9 : memref<128x128xf32, #tpu.memory_space<vmem>>) dst(%dma_wait3A_60 : memref<128x128xf32, #tpu.memory_space<vmem_shared>>)
      tpu.yield
    }) : () -> ()
    %mul3A_28 = arith.constant 640 : i32
    %mul3A_29 = arith.muli %arg1, %mul3A_28 : i32
    %add3A_30 = arith.constant 512 : i32
    %add3A_31 = arith.addi %mul3A_29, %add3A_30 : i32
    "tpu.region"() ({
      %run_scoped3A = tpu.sem_alloc : memref<!tpu.dma_semaphore, #tpu.memory_space<semaphore_mem>>
      %dma_start3A_54 = arith.constant 0 : i32
      %dma_start3A_55 = tpu.memref_slice %arg10[%add3A_31, %dma_start3A_54] : memref<10240x128xf32, #tpu.memory_space<vmem_shared>> -> memref<128x128xf32, #tpu.memory_space<vmem_shared>>
      %dma_start3A_56 = arith.constant 0 : i32
      %dma_start3A_57 = tpu.memref_slice %arg10[%add3A_31, %dma_start3A_56] : memref<10240x128xf32, #tpu.memory_space<vmem_shared>> -> memref<128x128xf32, #tpu.memory_space<vmem_shared>>
      tpu.enqueue_dma source(%arg9 : memref<128x128xf32, #tpu.memory_space<vmem>>) target(%dma_start3A_57 : memref<128x128xf32, #tpu.memory_space<vmem_shared>>) target_semaphore(%run_scoped3A : memref<!tpu.dma_semaphore, #tpu.memory_space<semaphore_mem>>)
      %dma_wait3A = arith.constant 0 : i32
      %dma_wait3A_58 = tpu.memref_slice %arg10[%add3A_31, %dma_wait3A] : memref<10240x128xf32, #tpu.memory_space<vmem_shared>> -> memref<128x128xf32, #tpu.memory_space<vmem_shared>>
      %dma_wait3A_59 = arith.constant 0 : i32
      %dma_wait3A_60 = tpu.memref_slice %arg10[%add3A_31, %dma_wait3A_59] : memref<10240x128xf32, #tpu.memory_space<vmem_shared>> -> memref<128x128xf32, #tpu.memory_space<vmem_shared>>
      tpu.wait_dma2 semaphore(%run_scoped3A : memref<!tpu.dma_semaphore, #tpu.memory_space<semaphore_mem>>) src(%arg9 : memref<128x128xf32, #tpu.memory_space<vmem>>) dst(%dma_wait3A_60 : memref<128x128xf32, #tpu.memory_space<vmem_shared>>)
      tpu.yield
    }) : () -> ()
    %barrier3A = arith.constant 0 : index
    tpu.barrier barrier_id(%barrier3A)
    %scan3A_32 = arith.constant 0 : i32
    %scan3A_33 = arith.constant 20 : i32
    %scan3A_34 = arith.addi %scan3A_32, %scan3A_33 : i32
    %scan3A_35 = arith.constant 1 : i32
    scf.for %scan3A_54 = %scan3A_32 to %scan3A_34 step %scan3A_35  : i32 {
      %mul3A_55 = arith.constant 1 : i32
      %mul3A_56 = arith.muli %scan3A_54, %mul3A_55 : i32
      %add3A_57 = arith.constant 0 : i32
      %add3A_58 = arith.addi %add3A_57, %mul3A_56 : i32
      %mul3A_59 = arith.constant 2 : i32
      %mul3A_60 = arith.muli %mul3A_59, %add3A_58 : i32
      %add3A_61 = arith.constant 1 : i32
      %add3A_62 = arith.addi %mul3A_60, %add3A_61 : i32
      %dma_start3A_63 = arith.constant 0 : i32
      %dma_start3A_64 = tpu.memref_slice %arg6[%add3A_62, %dma_start3A_63] : memref<40x128xi32, #tpu.memory_space<vmem>> -> memref<1x128xi32, #tpu.memory_space<vmem>>
      %dma_start3A_65 = tpu.memref_squeeze %dma_start3A_64 : memref<1x128xi32, #tpu.memory_space<vmem>> -> memref<128xi32, #tpu.memory_space<vmem>>
      %dma_start3A_66 = arith.constant 0 : i32
      %dma_start3A_67 = arith.constant 0 : i32
      %dma_start3A_68 = tpu.memref_slice %arg2[%dma_start3A_66, %dma_start3A_67] : memref<10240x128xf32, #tpu.memory_space<hbm>> -> memref<10240x128xf32, #tpu.memory_space<hbm>>
      tpu.enqueue_indirect_dma source(%dma_start3A_68 : memref<10240x128xf32, #tpu.memory_space<hbm>>) target(%arg9 : memref<128x128xf32, #tpu.memory_space<vmem>>) offsets(%dma_start3A_65 : memref<128xi32, #tpu.memory_space<vmem>>) semaphore(%arg12 : memref<!tpu.dma_semaphore, #tpu.memory_space<semaphore_mem>>)
      %dma_wait3A = arith.constant 0 : i32
      %dma_wait3A_69 = tpu.memref_slice %arg6[%mul3A_60, %dma_wait3A] : memref<40x128xi32, #tpu.memory_space<vmem>> -> memref<1x128xi32, #tpu.memory_space<vmem>>
      %dma_wait3A_70 = tpu.memref_squeeze %dma_wait3A_69 : memref<1x128xi32, #tpu.memory_space<vmem>> -> memref<128xi32, #tpu.memory_space<vmem>>
      %dma_wait3A_71 = arith.constant 0 : i32
      %dma_wait3A_72 = arith.constant 0 : i32
      %dma_wait3A_73 = tpu.memref_slice %arg2[%dma_wait3A_71, %dma_wait3A_72] : memref<10240x128xf32, #tpu.memory_space<hbm>> -> memref<10240x128xf32, #tpu.memory_space<hbm>>
      tpu.wait_indirect_dma semaphore(%arg11 : memref<!tpu.dma_semaphore, #tpu.memory_space<semaphore_mem>>) src(%dma_wait3A_73 : memref<10240x128xf32, #tpu.memory_space<hbm>>) dst(%arg8 : memref<128x128xf32, #tpu.memory_space<vmem>>)
      "tpu.region"() ({
        %run_scoped3A = tpu.sem_alloc : memref<!tpu.dma_semaphore, #tpu.memory_space<semaphore_mem>>
        %dma_start3A_86 = arith.constant 0 : i32
        %dma_start3A_87 = tpu.memref_slice %arg7[%mul3A_60, %dma_start3A_86] : memref<40x128xi32, #tpu.memory_space<vmem>> -> memref<1x128xi32, #tpu.memory_space<vmem>>
        %dma_start3A_88 = tpu.memref_squeeze %dma_start3A_87 : memref<1x128xi32, #tpu.memory_space<vmem>> -> memref<128xi32, #tpu.memory_space<vmem>>
        %dma_start3A_89 = arith.constant 0 : i32
        %dma_start3A_90 = arith.constant 0 : i32
        %dma_start3A_91 = tpu.memref_slice %arg10[%dma_start3A_89, %dma_start3A_90] : memref<10240x128xf32, #tpu.memory_space<vmem_shared>> -> memref<10240x128xf32, #tpu.memory_space<vmem_shared>>
        tpu.enqueue_indirect_dma source(%arg8 : memref<128x128xf32, #tpu.memory_space<vmem>>) target(%dma_start3A_91 : memref<10240x128xf32, #tpu.memory_space<vmem_shared>>) offsets(%dma_start3A_88 : memref<128xi32, #tpu.memory_space<vmem>>) semaphore(%run_scoped3A : memref<!tpu.dma_semaphore, #tpu.memory_space<semaphore_mem>>) {add = true}
        %dma_wait3A_92 = arith.constant 0 : i32
        %dma_wait3A_93 = tpu.memref_slice %arg7[%mul3A_60, %dma_wait3A_92] : memref<40x128xi32, #tpu.memory_space<vmem>> -> memref<1x128xi32, #tpu.memory_space<vmem>>
        %dma_wait3A_94 = tpu.memref_squeeze %dma_wait3A_93 : memref<1x128xi32, #tpu.memory_space<vmem>> -> memref<128xi32, #tpu.memory_space<vmem>>
        %dma_wait3A_95 = arith.constant 0 : i32
        %dma_wait3A_96 = arith.constant 0 : i32
        %dma_wait3A_97 = tpu.memref_slice %arg10[%dma_wait3A_95, %dma_wait3A_96] : memref<10240x128xf32, #tpu.memory_space<vmem_shared>> -> memref<10240x128xf32, #tpu.memory_space<vmem_shared>>
        tpu.wait_indirect_dma semaphore(%run_scoped3A : memref<!tpu.dma_semaphore, #tpu.memory_space<semaphore_mem>>) src(%arg8 : memref<128x128xf32, #tpu.memory_space<vmem>>) dst(%dma_wait3A_97 : memref<10240x128xf32, #tpu.memory_space<vmem_shared>>)
        tpu.yield
      }) : () -> ()
      %lt3A = arith.constant 19 : i32
      %lt3A_74 = arith.cmpi slt, %add3A_58, %lt3A : i32
      %convert_element_type3A = arith.extui %lt3A_74 : i1 to i32
      %cond3A = arith.constant 0 : i32
      %cond3A_75 = arith.cmpi ne, %convert_element_type3A, %cond3A : i32
      scf.if %cond3A_75 {
        %add3A_86 = arith.constant 2 : i32
        %add3A_87 = arith.addi %mul3A_60, %add3A_86 : i32
        %dma_start3A_88 = arith.constant 0 : i32
        %dma_start3A_89 = tpu.memref_slice %arg6[%add3A_87, %dma_start3A_88] : memref<40x128xi32, #tpu.memory_space<vmem>> -> memref<1x128xi32, #tpu.memory_space<vmem>>
        %dma_start3A_90 = tpu.memref_squeeze %dma_start3A_89 : memref<1x128xi32, #tpu.memory_space<vmem>> -> memref<128xi32, #tpu.memory_space<vmem>>
        %dma_start3A_91 = arith.constant 0 : i32
        %dma_start3A_92 = arith.constant 0 : i32
        %dma_start3A_93 = tpu.memref_slice %arg2[%dma_start3A_91, %dma_start3A_92] : memref<10240x128xf32, #tpu.memory_space<hbm>> -> memref<10240x128xf32, #tpu.memory_space<hbm>>
        tpu.enqueue_indirect_dma source(%dma_start3A_93 : memref<10240x128xf32, #tpu.memory_space<hbm>>) target(%arg8 : memref<128x128xf32, #tpu.memory_space<vmem>>) offsets(%dma_start3A_90 : memref<128xi32, #tpu.memory_space<vmem>>) semaphore(%arg11 : memref<!tpu.dma_semaphore, #tpu.memory_space<semaphore_mem>>)
      } else {
      }
      %add3A_76 = arith.constant 1 : i32
      %add3A_77 = arith.addi %mul3A_60, %add3A_76 : i32
      %dma_wait3A_78 = arith.constant 0 : i32
      %dma_wait3A_79 = tpu.memref_slice %arg6[%add3A_77, %dma_wait3A_78] : memref<40x128xi32, #tpu.memory_space<vmem>> -> memref<1x128xi32, #tpu.memory_space<vmem>>
      %dma_wait3A_80 = tpu.memref_squeeze %dma_wait3A_79 : memref<1x128xi32, #tpu.memory_space<vmem>> -> memref<128xi32, #tpu.memory_space<vmem>>
      %dma_wait3A_81 = arith.constant 0 : i32
      %dma_wait3A_82 = arith.constant 0 : i32
      %dma_wait3A_83 = tpu.memref_slice %arg2[%dma_wait3A_81, %dma_wait3A_82] : memref<10240x128xf32, #tpu.memory_space<hbm>> -> memref<10240x128xf32, #tpu.memory_space<hbm>>
      tpu.wait_indirect_dma semaphore(%arg12 : memref<!tpu.dma_semaphore, #tpu.memory_space<semaphore_mem>>) src(%dma_wait3A_83 : memref<10240x128xf32, #tpu.memory_space<hbm>>) dst(%arg9 : memref<128x128xf32, #tpu.memory_space<vmem>>)
      %add3A_84 = arith.constant 1 : i32
      %add3A_85 = arith.addi %mul3A_60, %add3A_84 : i32
      "tpu.region"() ({
        %run_scoped3A = tpu.sem_alloc : memref<!tpu.dma_semaphore, #tpu.memory_space<semaphore_mem>>
        %dma_start3A_86 = arith.constant 0 : i32
        %dma_start3A_87 = tpu.memref_slice %arg7[%add3A_85, %dma_start3A_86] : memref<40x128xi32, #tpu.memory_space<vmem>> -> memref<1x128xi32, #tpu.memory_space<vmem>>
        %dma_start3A_88 = tpu.memref_squeeze %dma_start3A_87 : memref<1x128xi32, #tpu.memory_space<vmem>> -> memref<128xi32, #tpu.memory_space<vmem>>
        %dma_start3A_89 = arith.constant 0 : i32
        %dma_start3A_90 = arith.constant 0 : i32
        %dma_start3A_91 = tpu.memref_slice %arg10[%dma_start3A_89, %dma_start3A_90] : memref<10240x128xf32, #tpu.memory_space<vmem_shared>> -> memref<10240x128xf32, #tpu.memory_space<vmem_shared>>
        tpu.enqueue_indirect_dma source(%arg9 : memref<128x128xf32, #tpu.memory_space<vmem>>) target(%dma_start3A_91 : memref<10240x128xf32, #tpu.memory_space<vmem_shared>>) offsets(%dma_start3A_88 : memref<128xi32, #tpu.memory_space<vmem>>) semaphore(%run_scoped3A : memref<!tpu.dma_semaphore, #tpu.memory_space<semaphore_mem>>) {add = true}
        %dma_wait3A_92 = arith.constant 0 : i32
        %dma_wait3A_93 = tpu.memref_slice %arg7[%add3A_85, %dma_wait3A_92] : memref<40x128xi32, #tpu.memory_space<vmem>> -> memref<1x128xi32, #tpu.memory_space<vmem>>
        %dma_wait3A_94 = tpu.memref_squeeze %dma_wait3A_93 : memref<1x128xi32, #tpu.memory_space<vmem>> -> memref<128xi32, #tpu.memory_space<vmem>>
        %dma_wait3A_95 = arith.constant 0 : i32
        %dma_wait3A_96 = arith.constant 0 : i32
        %dma_wait3A_97 = tpu.memref_slice %arg10[%dma_wait3A_95, %dma_wait3A_96] : memref<10240x128xf32, #tpu.memory_space<vmem_shared>> -> memref<10240x128xf32, #tpu.memory_space<vmem_shared>>
        tpu.wait_indirect_dma semaphore(%run_scoped3A : memref<!tpu.dma_semaphore, #tpu.memory_space<semaphore_mem>>) src(%arg9 : memref<128x128xf32, #tpu.memory_space<vmem>>) dst(%dma_wait3A_97 : memref<10240x128xf32, #tpu.memory_space<vmem_shared>>)
        tpu.yield
      }) : () -> ()
    }
    %scan3A_36 = arith.constant 20 : i32
    "tpu.region"() ({
      %run_scoped3A = tpu.sem_alloc : memref<!tpu.dma_semaphore, #tpu.memory_space<semaphore_mem>>
      %dma_start3A_54 = arith.constant 40 : i32
      %dma_start3A_55 = arith.constant 0 : i32
      %dma_start3A_56 = tpu.memref_slice %arg3[%add3A, %dma_start3A_54, %dma_start3A_55] : memref<32x80x128xi32, #tpu.memory_space<hbm>> -> memref<1x40x128xi32, #tpu.memory_space<hbm>>
      %dma_start3A_57 = tpu.memref_squeeze %dma_start3A_56 : memref<1x40x128xi32, #tpu.memory_space<hbm>> -> memref<40x128xi32, #tpu.memory_space<hbm>>
      %dma_start3A_58 = arith.constant 40 : i32
      %dma_start3A_59 = arith.constant 0 : i32
      %dma_start3A_60 = tpu.memref_slice %arg3[%add3A, %dma_start3A_58, %dma_start3A_59] : memref<32x80x128xi32, #tpu.memory_space<hbm>> -> memref<1x40x128xi32, #tpu.memory_space<hbm>>
      %dma_start3A_61 = tpu.memref_squeeze %dma_start3A_60 : memref<1x40x128xi32, #tpu.memory_space<hbm>> -> memref<40x128xi32, #tpu.memory_space<hbm>>
      tpu.enqueue_dma source(%dma_start3A_61 : memref<40x128xi32, #tpu.memory_space<hbm>>) target(%arg6 : memref<40x128xi32, #tpu.memory_space<vmem>>) target_semaphore(%run_scoped3A : memref<!tpu.dma_semaphore, #tpu.memory_space<semaphore_mem>>)
      %dma_wait3A = arith.constant 40 : i32
      %dma_wait3A_62 = arith.constant 0 : i32
      %dma_wait3A_63 = tpu.memref_slice %arg3[%add3A, %dma_wait3A, %dma_wait3A_62] : memref<32x80x128xi32, #tpu.memory_space<hbm>> -> memref<1x40x128xi32, #tpu.memory_space<hbm>>
      %dma_wait3A_64 = tpu.memref_squeeze %dma_wait3A_63 : memref<1x40x128xi32, #tpu.memory_space<hbm>> -> memref<40x128xi32, #tpu.memory_space<hbm>>
      %dma_wait3A_65 = arith.constant 40 : i32
      %dma_wait3A_66 = arith.constant 0 : i32
      %dma_wait3A_67 = tpu.memref_slice %arg3[%add3A, %dma_wait3A_65, %dma_wait3A_66] : memref<32x80x128xi32, #tpu.memory_space<hbm>> -> memref<1x40x128xi32, #tpu.memory_space<hbm>>
      %dma_wait3A_68 = tpu.memref_squeeze %dma_wait3A_67 : memref<1x40x128xi32, #tpu.memory_space<hbm>> -> memref<40x128xi32, #tpu.memory_space<hbm>>
      tpu.wait_dma2 semaphore(%run_scoped3A : memref<!tpu.dma_semaphore, #tpu.memory_space<semaphore_mem>>) src(%dma_wait3A_68 : memref<40x128xi32, #tpu.memory_space<hbm>>) dst(%arg6 : memref<40x128xi32, #tpu.memory_space<vmem>>)
      tpu.yield
    }) : () -> ()
    "tpu.region"() ({
      %run_scoped3A = tpu.sem_alloc : memref<!tpu.dma_semaphore, #tpu.memory_space<semaphore_mem>>
      %dma_start3A_54 = arith.constant 40 : i32
      %dma_start3A_55 = arith.constant 0 : i32
      %dma_start3A_56 = tpu.memref_slice %arg4[%add3A, %dma_start3A_54, %dma_start3A_55] : memref<32x80x128xi32, #tpu.memory_space<hbm>> -> memref<1x40x128xi32, #tpu.memory_space<hbm>>
      %dma_start3A_57 = tpu.memref_squeeze %dma_start3A_56 : memref<1x40x128xi32, #tpu.memory_space<hbm>> -> memref<40x128xi32, #tpu.memory_space<hbm>>
      %dma_start3A_58 = arith.constant 40 : i32
      %dma_start3A_59 = arith.constant 0 : i32
      %dma_start3A_60 = tpu.memref_slice %arg4[%add3A, %dma_start3A_58, %dma_start3A_59] : memref<32x80x128xi32, #tpu.memory_space<hbm>> -> memref<1x40x128xi32, #tpu.memory_space<hbm>>
      %dma_start3A_61 = tpu.memref_squeeze %dma_start3A_60 : memref<1x40x128xi32, #tpu.memory_space<hbm>> -> memref<40x128xi32, #tpu.memory_space<hbm>>
      tpu.enqueue_dma source(%dma_start3A_61 : memref<40x128xi32, #tpu.memory_space<hbm>>) target(%arg7 : memref<40x128xi32, #tpu.memory_space<vmem>>) target_semaphore(%run_scoped3A : memref<!tpu.dma_semaphore, #tpu.memory_space<semaphore_mem>>)
      %dma_wait3A = arith.constant 40 : i32
      %dma_wait3A_62 = arith.constant 0 : i32
      %dma_wait3A_63 = tpu.memref_slice %arg4[%add3A, %dma_wait3A, %dma_wait3A_62] : memref<32x80x128xi32, #tpu.memory_space<hbm>> -> memref<1x40x128xi32, #tpu.memory_space<hbm>>
      %dma_wait3A_64 = tpu.memref_squeeze %dma_wait3A_63 : memref<1x40x128xi32, #tpu.memory_space<hbm>> -> memref<40x128xi32, #tpu.memory_space<hbm>>
      %dma_wait3A_65 = arith.constant 40 : i32
      %dma_wait3A_66 = arith.constant 0 : i32
      %dma_wait3A_67 = tpu.memref_slice %arg4[%add3A, %dma_wait3A_65, %dma_wait3A_66] : memref<32x80x128xi32, #tpu.memory_space<hbm>> -> memref<1x40x128xi32, #tpu.memory_space<hbm>>
      %dma_wait3A_68 = tpu.memref_squeeze %dma_wait3A_67 : memref<1x40x128xi32, #tpu.memory_space<hbm>> -> memref<40x128xi32, #tpu.memory_space<hbm>>
      tpu.wait_dma2 semaphore(%run_scoped3A : memref<!tpu.dma_semaphore, #tpu.memory_space<semaphore_mem>>) src(%dma_wait3A_68 : memref<40x128xi32, #tpu.memory_space<hbm>>) dst(%arg7 : memref<40x128xi32, #tpu.memory_space<vmem>>)
      tpu.yield
    }) : () -> ()
    %dma_start3A_37 = arith.constant 0 : i32
    %dma_start3A_38 = arith.constant 0 : i32
    %dma_start3A_39 = tpu.memref_slice %arg6[%dma_start3A_37, %dma_start3A_38] : memref<40x128xi32, #tpu.memory_space<vmem>> -> memref<1x128xi32, #tpu.memory_space<vmem>>
    %dma_start3A_40 = tpu.memref_squeeze %dma_start3A_39 : memref<1x128xi32, #tpu.memory_space<vmem>> -> memref<128xi32, #tpu.memory_space<vmem>>
    %dma_start3A_41 = arith.constant 0 : i32
    %dma_start3A_42 = arith.constant 0 : i32
    %dma_start3A_43 = tpu.memref_slice %arg2[%dma_start3A_41, %dma_start3A_42] : memref<10240x128xf32, #tpu.memory_space<hbm>> -> memref<10240x128xf32, #tpu.memory_space<hbm>>
    tpu.enqueue_indirect_dma source(%dma_start3A_43 : memref<10240x128xf32, #tpu.memory_space<hbm>>) target(%arg8 : memref<128x128xf32, #tpu.memory_space<vmem>>) offsets(%dma_start3A_40 : memref<128xi32, #tpu.memory_space<vmem>>) semaphore(%arg11 : memref<!tpu.dma_semaphore, #tpu.memory_space<semaphore_mem>>)
    %scan3A_44 = arith.constant 0 : i32
    %scan3A_45 = arith.constant 20 : i32
    %scan3A_46 = arith.addi %scan3A_44, %scan3A_45 : i32
    %scan3A_47 = arith.constant 1 : i32
    scf.for %scan3A_54 = %scan3A_44 to %scan3A_46 step %scan3A_47  : i32 {
      %mul3A_55 = arith.constant 1 : i32
      %mul3A_56 = arith.muli %scan3A_54, %mul3A_55 : i32
      %add3A_57 = arith.constant 0 : i32
      %add3A_58 = arith.addi %add3A_57, %mul3A_56 : i32
      %mul3A_59 = arith.constant 2 : i32
      %mul3A_60 = arith.muli %mul3A_59, %add3A_58 : i32
      %add3A_61 = arith.constant 1 : i32
      %add3A_62 = arith.addi %mul3A_60, %add3A_61 : i32
      %dma_start3A_63 = arith.constant 0 : i32
      %dma_start3A_64 = tpu.memref_slice %arg6[%add3A_62, %dma_start3A_63] : memref<40x128xi32, #tpu.memory_space<vmem>> -> memref<1x128xi32, #tpu.memory_space<vmem>>
      %dma_start3A_65 = tpu.memref_squeeze %dma_start3A_64 : memref<1x128xi32, #tpu.memory_space<vmem>> -> memref<128xi32, #tpu.memory_space<vmem>>
      %dma_start3A_66 = arith.constant 0 : i32
      %dma_start3A_67 = arith.constant 0 : i32
      %dma_start3A_68 = tpu.memref_slice %arg2[%dma_start3A_66, %dma_start3A_67] : memref<10240x128xf32, #tpu.memory_space<hbm>> -> memref<10240x128xf32, #tpu.memory_space<hbm>>
      tpu.enqueue_indirect_dma source(%dma_start3A_68 : memref<10240x128xf32, #tpu.memory_space<hbm>>) target(%arg9 : memref<128x128xf32, #tpu.memory_space<vmem>>) offsets(%dma_start3A_65 : memref<128xi32, #tpu.memory_space<vmem>>) semaphore(%arg12 : memref<!tpu.dma_semaphore, #tpu.memory_space<semaphore_mem>>)
      %dma_wait3A = arith.constant 0 : i32
      %dma_wait3A_69 = tpu.memref_slice %arg6[%mul3A_60, %dma_wait3A] : memref<40x128xi32, #tpu.memory_space<vmem>> -> memref<1x128xi32, #tpu.memory_space<vmem>>
      %dma_wait3A_70 = tpu.memref_squeeze %dma_wait3A_69 : memref<1x128xi32, #tpu.memory_space<vmem>> -> memref<128xi32, #tpu.memory_space<vmem>>
      %dma_wait3A_71 = arith.constant 0 : i32
      %dma_wait3A_72 = arith.constant 0 : i32
      %dma_wait3A_73 = tpu.memref_slice %arg2[%dma_wait3A_71, %dma_wait3A_72] : memref<10240x128xf32, #tpu.memory_space<hbm>> -> memref<10240x128xf32, #tpu.memory_space<hbm>>
      tpu.wait_indirect_dma semaphore(%arg11 : memref<!tpu.dma_semaphore, #tpu.memory_space<semaphore_mem>>) src(%dma_wait3A_73 : memref<10240x128xf32, #tpu.memory_space<hbm>>) dst(%arg8 : memref<128x128xf32, #tpu.memory_space<vmem>>)
      "tpu.region"() ({
        %run_scoped3A = tpu.sem_alloc : memref<!tpu.dma_semaphore, #tpu.memory_space<semaphore_mem>>
        %dma_start3A_86 = arith.constant 0 : i32
        %dma_start3A_87 = tpu.memref_slice %arg7[%mul3A_60, %dma_start3A_86] : memref<40x128xi32, #tpu.memory_space<vmem>> -> memref<1x128xi32, #tpu.memory_space<vmem>>
        %dma_start3A_88 = tpu.memref_squeeze %dma_start3A_87 : memref<1x128xi32, #tpu.memory_space<vmem>> -> memref<128xi32, #tpu.memory_space<vmem>>
        %dma_start3A_89 = arith.constant 0 : i32
        %dma_start3A_90 = arith.constant 0 : i32
        %dma_start3A_91 = tpu.memref_slice %arg10[%dma_start3A_89, %dma_start3A_90] : memref<10240x128xf32, #tpu.memory_space<vmem_shared>> -> memref<10240x128xf32, #tpu.memory_space<vmem_shared>>
        tpu.enqueue_indirect_dma source(%arg8 : memref<128x128xf32, #tpu.memory_space<vmem>>) target(%dma_start3A_91 : memref<10240x128xf32, #tpu.memory_space<vmem_shared>>) offsets(%dma_start3A_88 : memref<128xi32, #tpu.memory_space<vmem>>) semaphore(%run_scoped3A : memref<!tpu.dma_semaphore, #tpu.memory_space<semaphore_mem>>) {add = true}
        %dma_wait3A_92 = arith.constant 0 : i32
        %dma_wait3A_93 = tpu.memref_slice %arg7[%mul3A_60, %dma_wait3A_92] : memref<40x128xi32, #tpu.memory_space<vmem>> -> memref<1x128xi32, #tpu.memory_space<vmem>>
        %dma_wait3A_94 = tpu.memref_squeeze %dma_wait3A_93 : memref<1x128xi32, #tpu.memory_space<vmem>> -> memref<128xi32, #tpu.memory_space<vmem>>
        %dma_wait3A_95 = arith.constant 0 : i32
        %dma_wait3A_96 = arith.constant 0 : i32
        %dma_wait3A_97 = tpu.memref_slice %arg10[%dma_wait3A_95, %dma_wait3A_96] : memref<10240x128xf32, #tpu.memory_space<vmem_shared>> -> memref<10240x128xf32, #tpu.memory_space<vmem_shared>>
        tpu.wait_indirect_dma semaphore(%run_scoped3A : memref<!tpu.dma_semaphore, #tpu.memory_space<semaphore_mem>>) src(%arg8 : memref<128x128xf32, #tpu.memory_space<vmem>>) dst(%dma_wait3A_97 : memref<10240x128xf32, #tpu.memory_space<vmem_shared>>)
        tpu.yield
      }) : () -> ()
      %lt3A = arith.constant 19 : i32
      %lt3A_74 = arith.cmpi slt, %add3A_58, %lt3A : i32
      %convert_element_type3A = arith.extui %lt3A_74 : i1 to i32
      %cond3A = arith.constant 0 : i32
      %cond3A_75 = arith.cmpi ne, %convert_element_type3A, %cond3A : i32
      scf.if %cond3A_75 {
        %add3A_86 = arith.constant 2 : i32
        %add3A_87 = arith.addi %mul3A_60, %add3A_86 : i32
        %dma_start3A_88 = arith.constant 0 : i32
        %dma_start3A_89 = tpu.memref_slice %arg6[%add3A_87, %dma_start3A_88] : memref<40x128xi32, #tpu.memory_space<vmem>> -> memref<1x128xi32, #tpu.memory_space<vmem>>
        %dma_start3A_90 = tpu.memref_squeeze %dma_start3A_89 : memref<1x128xi32, #tpu.memory_space<vmem>> -> memref<128xi32, #tpu.memory_space<vmem>>
        %dma_start3A_91 = arith.constant 0 : i32
        %dma_start3A_92 = arith.constant 0 : i32
        %dma_start3A_93 = tpu.memref_slice %arg2[%dma_start3A_91, %dma_start3A_92] : memref<10240x128xf32, #tpu.memory_space<hbm>> -> memref<10240x128xf32, #tpu.memory_space<hbm>>
        tpu.enqueue_indirect_dma source(%dma_start3A_93 : memref<10240x128xf32, #tpu.memory_space<hbm>>) target(%arg8 : memref<128x128xf32, #tpu.memory_space<vmem>>) offsets(%dma_start3A_90 : memref<128xi32, #tpu.memory_space<vmem>>) semaphore(%arg11 : memref<!tpu.dma_semaphore, #tpu.memory_space<semaphore_mem>>)
      } else {
      }
      %add3A_76 = arith.constant 1 : i32
      %add3A_77 = arith.addi %mul3A_60, %add3A_76 : i32
      %dma_wait3A_78 = arith.constant 0 : i32
      %dma_wait3A_79 = tpu.memref_slice %arg6[%add3A_77, %dma_wait3A_78] : memref<40x128xi32, #tpu.memory_space<vmem>> -> memref<1x128xi32, #tpu.memory_space<vmem>>
      %dma_wait3A_80 = tpu.memref_squeeze %dma_wait3A_79 : memref<1x128xi32, #tpu.memory_space<vmem>> -> memref<128xi32, #tpu.memory_space<vmem>>
      %dma_wait3A_81 = arith.constant 0 : i32
      %dma_wait3A_82 = arith.constant 0 : i32
      %dma_wait3A_83 = tpu.memref_slice %arg2[%dma_wait3A_81, %dma_wait3A_82] : memref<10240x128xf32, #tpu.memory_space<hbm>> -> memref<10240x128xf32, #tpu.memory_space<hbm>>
      tpu.wait_indirect_dma semaphore(%arg12 : memref<!tpu.dma_semaphore, #tpu.memory_space<semaphore_mem>>) src(%dma_wait3A_83 : memref<10240x128xf32, #tpu.memory_space<hbm>>) dst(%arg9 : memref<128x128xf32, #tpu.memory_space<vmem>>)
      %add3A_84 = arith.constant 1 : i32
      %add3A_85 = arith.addi %mul3A_60, %add3A_84 : i32
      "tpu.region"() ({
        %run_scoped3A = tpu.sem_alloc : memref<!tpu.dma_semaphore, #tpu.memory_space<semaphore_mem>>
        %dma_start3A_86 = arith.constant 0 : i32
        %dma_start3A_87 = tpu.memref_slice %arg7[%add3A_85, %dma_start3A_86] : memref<40x128xi32, #tpu.memory_space<vmem>> -> memref<1x128xi32, #tpu.memory_space<vmem>>
        %dma_start3A_88 = tpu.memref_squeeze %dma_start3A_87 : memref<1x128xi32, #tpu.memory_space<vmem>> -> memref<128xi32, #tpu.memory_space<vmem>>
        %dma_start3A_89 = arith.constant 0 : i32
        %dma_start3A_90 = arith.constant 0 : i32
        %dma_start3A_91 = tpu.memref_slice %arg10[%dma_start3A_89, %dma_start3A_90] : memref<10240x128xf32, #tpu.memory_space<vmem_shared>> -> memref<10240x128xf32, #tpu.memory_space<vmem_shared>>
        tpu.enqueue_indirect_dma source(%arg9 : memref<128x128xf32, #tpu.memory_space<vmem>>) target(%dma_start3A_91 : memref<10240x128xf32, #tpu.memory_space<vmem_shared>>) offsets(%dma_start3A_88 : memref<128xi32, #tpu.memory_space<vmem>>) semaphore(%run_scoped3A : memref<!tpu.dma_semaphore, #tpu.memory_space<semaphore_mem>>) {add = true}
        %dma_wait3A_92 = arith.constant 0 : i32
        %dma_wait3A_93 = tpu.memref_slice %arg7[%add3A_85, %dma_wait3A_92] : memref<40x128xi32, #tpu.memory_space<vmem>> -> memref<1x128xi32, #tpu.memory_space<vmem>>
        %dma_wait3A_94 = tpu.memref_squeeze %dma_wait3A_93 : memref<1x128xi32, #tpu.memory_space<vmem>> -> memref<128xi32, #tpu.memory_space<vmem>>
        %dma_wait3A_95 = arith.constant 0 : i32
        %dma_wait3A_96 = arith.constant 0 : i32
        %dma_wait3A_97 = tpu.memref_slice %arg10[%dma_wait3A_95, %dma_wait3A_96] : memref<10240x128xf32, #tpu.memory_space<vmem_shared>> -> memref<10240x128xf32, #tpu.memory_space<vmem_shared>>
        tpu.wait_indirect_dma semaphore(%run_scoped3A : memref<!tpu.dma_semaphore, #tpu.memory_space<semaphore_mem>>) src(%arg9 : memref<128x128xf32, #tpu.memory_space<vmem>>) dst(%dma_wait3A_97 : memref<10240x128xf32, #tpu.memory_space<vmem_shared>>)
        tpu.yield
      }) : () -> ()
    }
    %scan3A_48 = arith.constant 20 : i32
    %barrier3A_49 = arith.constant 0 : index
    tpu.barrier barrier_id(%barrier3A_49)
    %mul3A_50 = arith.constant 640 : i32
    %mul3A_51 = arith.muli %arg1, %mul3A_50 : i32
    %mul3A_52 = arith.constant 640 : i32
    %mul3A_53 = arith.muli %arg1, %mul3A_52 : i32
    "tpu.region"() ({
      %run_scoped3A = tpu.sem_alloc : memref<!tpu.dma_semaphore, #tpu.memory_space<semaphore_mem>>
      %dma_start3A_54 = arith.constant 0 : i32
      %dma_start3A_55 = tpu.memref_slice %arg5[%arg0, %mul3A_53, %dma_start3A_54] : memref<2x10240x128xf32, #tpu.memory_space<hbm>> -> memref<1x640x128xf32, #tpu.memory_space<hbm>>
      %dma_start3A_56 = tpu.memref_squeeze %dma_start3A_55 : memref<1x640x128xf32, #tpu.memory_space<hbm>> -> memref<640x128xf32, #tpu.memory_space<hbm>>
      %dma_start3A_57 = arith.constant 0 : i32
      %dma_start3A_58 = tpu.memref_slice %arg10[%mul3A_51, %dma_start3A_57] : memref<10240x128xf32, #tpu.memory_space<vmem_shared>> -> memref<640x128xf32, #tpu.memory_space<vmem_shared>>
      tpu.enqueue_dma source(%dma_start3A_58 : memref<640x128xf32, #tpu.memory_space<vmem_shared>>) target(%dma_start3A_56 : memref<640x128xf32, #tpu.memory_space<hbm>>) target_semaphore(%run_scoped3A : memref<!tpu.dma_semaphore, #tpu.memory_space<semaphore_mem>>)
      %dma_wait3A = arith.constant 0 : i32
      %dma_wait3A_59 = tpu.memref_slice %arg5[%arg0, %mul3A_53, %dma_wait3A] : memref<2x10240x128xf32, #tpu.memory_space<hbm>> -> memref<1x640x128xf32, #tpu.memory_space<hbm>>
      %dma_wait3A_60 = tpu.memref_squeeze %dma_wait3A_59 : memref<1x640x128xf32, #tpu.memory_space<hbm>> -> memref<640x128xf32, #tpu.memory_space<hbm>>
      %dma_wait3A_61 = arith.constant 0 : i32
      %dma_wait3A_62 = tpu.memref_slice %arg10[%mul3A_51, %dma_wait3A_61] : memref<10240x128xf32, #tpu.memory_space<vmem_shared>> -> memref<640x128xf32, #tpu.memory_space<vmem_shared>>
      tpu.wait_dma2 semaphore(%run_scoped3A : memref<!tpu.dma_semaphore, #tpu.memory_space<semaphore_mem>>) src(%dma_wait3A_62 : memref<640x128xf32, #tpu.memory_space<vmem_shared>>) dst(%dma_wait3A_60 : memref<640x128xf32, #tpu.memory_space<hbm>>)
      tpu.yield
    }) : () -> ()
    return
  }
}

#map = affine_map<(d0, d1) -> (0, 0)>
#map1 = affine_map<(d0, d1) -> (0, 0, 0)>
module attributes {stable_mosaic.version = 14 : i64} {
  func.func @_sc_agg(%arg0: i32, %arg1: i32, %arg2: memref<10240x128xf32, #tpu.memory_space<hbm>>, %arg3: memref<32x80x128xi32, #tpu.memory_space<hbm>>, %arg4: memref<32x80x128xi32, #tpu.memory_space<hbm>>, %arg5: memref<2x10240x128xf32, #tpu.memory_space<hbm>>, %arg6: memref<40x128xi32, #tpu.memory_space<vmem>>, %arg7: memref<40x128xi32, #tpu.memory_space<vmem>>, %arg8: memref<128x128xf32, #tpu.memory_space<vmem>>, %arg9: memref<128x128xf32, #tpu.memory_space<vmem>>, %arg10: memref<10240x128xf32, #tpu.memory_space<vmem_shared>>, %arg11: memref<!tpu.dma_semaphore, #tpu.memory_space<semaphore_mem>>, %arg12: memref<!tpu.dma_semaphore, #tpu.memory_space<semaphore_mem>>) attributes {dimension_semantics = [#tpu.dimension_semantics<core_parallel>, #tpu.dimension_semantics<subcore_parallel>], iteration_bounds = array<i64: 2, 16>, scalar_prefetch = 0 : i64, scratch_operands = 7 : i64, tpu.core_type = #tpu.core_type<sc_vector_subcore>, window_params = [{transform_indices = #map}, {transform_indices = #map1}, {transform_indices = #map1}, {transform_indices = #map1}]} {
    %mul3A = arith.constant 2 : i32
    %mul3A_0 = arith.muli %arg1, %mul3A : i32
    %add3A = arith.addi %mul3A_0, %arg0 : i32
    "tpu.region"() ({
      %run_scoped3A = tpu.sem_alloc : memref<!tpu.dma_semaphore, #tpu.memory_space<semaphore_mem>>
      %dma_start3A_54 = arith.constant 0 : i32
      %dma_start3A_55 = arith.constant 0 : i32
      %dma_start3A_56 = tpu.memref_slice %arg3[%add3A, %dma_start3A_54, %dma_start3A_55] : memref<32x80x128xi32, #tpu.memory_space<hbm>> -> memref<1x40x128xi32, #tpu.memory_space<hbm>>
      %dma_start3A_57 = tpu.memref_squeeze %dma_start3A_56 : memref<1x40x128xi32, #tpu.memory_space<hbm>> -> memref<40x128xi32, #tpu.memory_space<hbm>>
      %dma_start3A_58 = arith.constant 0 : i32
      %dma_start3A_59 = arith.constant 0 : i32
      %dma_start3A_60 = tpu.memref_slice %arg3[%add3A, %dma_start3A_58, %dma_start3A_59] : memref<32x80x128xi32, #tpu.memory_space<hbm>> -> memref<1x40x128xi32, #tpu.memory_space<hbm>>
      %dma_start3A_61 = tpu.memref_squeeze %dma_start3A_60 : memref<1x40x128xi32, #tpu.memory_space<hbm>> -> memref<40x128xi32, #tpu.memory_space<hbm>>
      tpu.enqueue_dma source(%dma_start3A_61 : memref<40x128xi32, #tpu.memory_space<hbm>>) target(%arg6 : memref<40x128xi32, #tpu.memory_space<vmem>>) target_semaphore(%run_scoped3A : memref<!tpu.dma_semaphore, #tpu.memory_space<semaphore_mem>>)
      %dma_wait3A = arith.constant 0 : i32
      %dma_wait3A_62 = arith.constant 0 : i32
      %dma_wait3A_63 = tpu.memref_slice %arg3[%add3A, %dma_wait3A, %dma_wait3A_62] : memref<32x80x128xi32, #tpu.memory_space<hbm>> -> memref<1x40x128xi32, #tpu.memory_space<hbm>>
      %dma_wait3A_64 = tpu.memref_squeeze %dma_wait3A_63 : memref<1x40x128xi32, #tpu.memory_space<hbm>> -> memref<40x128xi32, #tpu.memory_space<hbm>>
      %dma_wait3A_65 = arith.constant 0 : i32
      %dma_wait3A_66 = arith.constant 0 : i32
      %dma_wait3A_67 = tpu.memref_slice %arg3[%add3A, %dma_wait3A_65, %dma_wait3A_66] : memref<32x80x128xi32, #tpu.memory_space<hbm>> -> memref<1x40x128xi32, #tpu.memory_space<hbm>>
      %dma_wait3A_68 = tpu.memref_squeeze %dma_wait3A_67 : memref<1x40x128xi32, #tpu.memory_space<hbm>> -> memref<40x128xi32, #tpu.memory_space<hbm>>
      tpu.wait_dma2 semaphore(%run_scoped3A : memref<!tpu.dma_semaphore, #tpu.memory_space<semaphore_mem>>) src(%dma_wait3A_68 : memref<40x128xi32, #tpu.memory_space<hbm>>) dst(%arg6 : memref<40x128xi32, #tpu.memory_space<vmem>>)
      tpu.yield
    }) : () -> ()
    "tpu.region"() ({
      %run_scoped3A = tpu.sem_alloc : memref<!tpu.dma_semaphore, #tpu.memory_space<semaphore_mem>>
      %dma_start3A_54 = arith.constant 0 : i32
      %dma_start3A_55 = arith.constant 0 : i32
      %dma_start3A_56 = tpu.memref_slice %arg4[%add3A, %dma_start3A_54, %dma_start3A_55] : memref<32x80x128xi32, #tpu.memory_space<hbm>> -> memref<1x40x128xi32, #tpu.memory_space<hbm>>
      %dma_start3A_57 = tpu.memref_squeeze %dma_start3A_56 : memref<1x40x128xi32, #tpu.memory_space<hbm>> -> memref<40x128xi32, #tpu.memory_space<hbm>>
      %dma_start3A_58 = arith.constant 0 : i32
      %dma_start3A_59 = arith.constant 0 : i32
      %dma_start3A_60 = tpu.memref_slice %arg4[%add3A, %dma_start3A_58, %dma_start3A_59] : memref<32x80x128xi32, #tpu.memory_space<hbm>> -> memref<1x40x128xi32, #tpu.memory_space<hbm>>
      %dma_start3A_61 = tpu.memref_squeeze %dma_start3A_60 : memref<1x40x128xi32, #tpu.memory_space<hbm>> -> memref<40x128xi32, #tpu.memory_space<hbm>>
      tpu.enqueue_dma source(%dma_start3A_61 : memref<40x128xi32, #tpu.memory_space<hbm>>) target(%arg7 : memref<40x128xi32, #tpu.memory_space<vmem>>) target_semaphore(%run_scoped3A : memref<!tpu.dma_semaphore, #tpu.memory_space<semaphore_mem>>)
      %dma_wait3A = arith.constant 0 : i32
      %dma_wait3A_62 = arith.constant 0 : i32
      %dma_wait3A_63 = tpu.memref_slice %arg4[%add3A, %dma_wait3A, %dma_wait3A_62] : memref<32x80x128xi32, #tpu.memory_space<hbm>> -> memref<1x40x128xi32, #tpu.memory_space<hbm>>
      %dma_wait3A_64 = tpu.memref_squeeze %dma_wait3A_63 : memref<1x40x128xi32, #tpu.memory_space<hbm>> -> memref<40x128xi32, #tpu.memory_space<hbm>>
      %dma_wait3A_65 = arith.constant 0 : i32
      %dma_wait3A_66 = arith.constant 0 : i32
      %dma_wait3A_67 = tpu.memref_slice %arg4[%add3A, %dma_wait3A_65, %dma_wait3A_66] : memref<32x80x128xi32, #tpu.memory_space<hbm>> -> memref<1x40x128xi32, #tpu.memory_space<hbm>>
      %dma_wait3A_68 = tpu.memref_squeeze %dma_wait3A_67 : memref<1x40x128xi32, #tpu.memory_space<hbm>> -> memref<40x128xi32, #tpu.memory_space<hbm>>
      tpu.wait_dma2 semaphore(%run_scoped3A : memref<!tpu.dma_semaphore, #tpu.memory_space<semaphore_mem>>) src(%dma_wait3A_68 : memref<40x128xi32, #tpu.memory_space<hbm>>) dst(%arg7 : memref<40x128xi32, #tpu.memory_space<vmem>>)
      tpu.yield
    }) : () -> ()
    %dma_start3A = arith.constant 0 : i32
    %dma_start3A_1 = arith.constant 0 : i32
    %dma_start3A_2 = tpu.memref_slice %arg6[%dma_start3A, %dma_start3A_1] : memref<40x128xi32, #tpu.memory_space<vmem>> -> memref<1x128xi32, #tpu.memory_space<vmem>>
    %dma_start3A_3 = tpu.memref_squeeze %dma_start3A_2 : memref<1x128xi32, #tpu.memory_space<vmem>> -> memref<128xi32, #tpu.memory_space<vmem>>
    %dma_start3A_4 = arith.constant 0 : i32
    %dma_start3A_5 = arith.constant 0 : i32
    %dma_start3A_6 = tpu.memref_slice %arg2[%dma_start3A_4, %dma_start3A_5] : memref<10240x128xf32, #tpu.memory_space<hbm>> -> memref<10240x128xf32, #tpu.memory_space<hbm>>
    tpu.enqueue_indirect_dma source(%dma_start3A_6 : memref<10240x128xf32, #tpu.memory_space<hbm>>) target(%arg8 : memref<128x128xf32, #tpu.memory_space<vmem>>) offsets(%dma_start3A_3 : memref<128xi32, #tpu.memory_space<vmem>>) semaphore(%arg11 : memref<!tpu.dma_semaphore, #tpu.memory_space<semaphore_mem>>)
    %broadcast_in_dim3A = arith.constant 0.000000e+00 : f32
    %broadcast_in_dim3A_7 = vector.broadcast %broadcast_in_dim3A : f32 to vector<16xf32>
    %scan3A = arith.constant 0 : i32
    %scan3A_8 = arith.constant 128 : i32
    %scan3A_9 = arith.addi %scan3A, %scan3A_8 : i32
    %scan3A_10 = arith.constant 1 : i32
    scf.for %scan3A_54 = %scan3A to %scan3A_9 step %scan3A_10  : i32 {
      %mul3A_55 = arith.constant 1 : i32
      %mul3A_56 = arith.muli %scan3A_54, %mul3A_55 : i32
      %add3A_57 = arith.constant 0 : i32
      %add3A_58 = arith.addi %add3A_57, %mul3A_56 : i32
      %swap3A = arith.index_cast %add3A_58 : i32 to index
      %swap3A_59 = arith.constant 0 : index
      %swap3A_60 = tpu.vector_load %arg9[%swap3A, %swap3A_59] {strides = array<i32>} : memref<128x128xf32, #tpu.memory_space<vmem>>, vector<1x16xf32>,
      %swap3A_61 = vector.shape_cast %swap3A_60 : vector<1x16xf32> to vector<16xf32>
      %swap3A_62 = vector.shape_cast %broadcast_in_dim3A_7 : vector<16xf32> to vector<1x16xf32>
      tpu.vector_store %arg9[%swap3A, %swap3A_59], %swap3A_62 {strides = array<i32>} : memref<128x128xf32, #tpu.memory_space<vmem>>, vector<1x16xf32>,
      %swap3A_63 = arith.index_cast %add3A_58 : i32 to index
      %swap3A_64 = arith.constant 16 : index
      %swap3A_65 = tpu.vector_load %arg9[%swap3A_63, %swap3A_64] {strides = array<i32>} : memref<128x128xf32, #tpu.memory_space<vmem>>, vector<1x16xf32>,
      %swap3A_66 = vector.shape_cast %swap3A_65 : vector<1x16xf32> to vector<16xf32>
      %swap3A_67 = vector.shape_cast %broadcast_in_dim3A_7 : vector<16xf32> to vector<1x16xf32>
      tpu.vector_store %arg9[%swap3A_63, %swap3A_64], %swap3A_67 {strides = array<i32>} : memref<128x128xf32, #tpu.memory_space<vmem>>, vector<1x16xf32>,
      %swap3A_68 = arith.index_cast %add3A_58 : i32 to index
      %swap3A_69 = arith.constant 32 : index
      %swap3A_70 = tpu.vector_load %arg9[%swap3A_68, %swap3A_69] {strides = array<i32>} : memref<128x128xf32, #tpu.memory_space<vmem>>, vector<1x16xf32>,
      %swap3A_71 = vector.shape_cast %swap3A_70 : vector<1x16xf32> to vector<16xf32>
      %swap3A_72 = vector.shape_cast %broadcast_in_dim3A_7 : vector<16xf32> to vector<1x16xf32>
      tpu.vector_store %arg9[%swap3A_68, %swap3A_69], %swap3A_72 {strides = array<i32>} : memref<128x128xf32, #tpu.memory_space<vmem>>, vector<1x16xf32>,
      %swap3A_73 = arith.index_cast %add3A_58 : i32 to index
      %swap3A_74 = arith.constant 48 : index
      %swap3A_75 = tpu.vector_load %arg9[%swap3A_73, %swap3A_74] {strides = array<i32>} : memref<128x128xf32, #tpu.memory_space<vmem>>, vector<1x16xf32>,
      %swap3A_76 = vector.shape_cast %swap3A_75 : vector<1x16xf32> to vector<16xf32>
      %swap3A_77 = vector.shape_cast %broadcast_in_dim3A_7 : vector<16xf32> to vector<1x16xf32>
      tpu.vector_store %arg9[%swap3A_73, %swap3A_74], %swap3A_77 {strides = array<i32>} : memref<128x128xf32, #tpu.memory_space<vmem>>, vector<1x16xf32>,
      %swap3A_78 = arith.index_cast %add3A_58 : i32 to index
      %swap3A_79 = arith.constant 64 : index
      %swap3A_80 = tpu.vector_load %arg9[%swap3A_78, %swap3A_79] {strides = array<i32>} : memref<128x128xf32, #tpu.memory_space<vmem>>, vector<1x16xf32>,
      %swap3A_81 = vector.shape_cast %swap3A_80 : vector<1x16xf32> to vector<16xf32>
      %swap3A_82 = vector.shape_cast %broadcast_in_dim3A_7 : vector<16xf32> to vector<1x16xf32>
      tpu.vector_store %arg9[%swap3A_78, %swap3A_79], %swap3A_82 {strides = array<i32>} : memref<128x128xf32, #tpu.memory_space<vmem>>, vector<1x16xf32>,
      %swap3A_83 = arith.index_cast %add3A_58 : i32 to index
      %swap3A_84 = arith.constant 80 : index
      %swap3A_85 = tpu.vector_load %arg9[%swap3A_83, %swap3A_84] {strides = array<i32>} : memref<128x128xf32, #tpu.memory_space<vmem>>, vector<1x16xf32>,
      %swap3A_86 = vector.shape_cast %swap3A_85 : vector<1x16xf32> to vector<16xf32>
      %swap3A_87 = vector.shape_cast %broadcast_in_dim3A_7 : vector<16xf32> to vector<1x16xf32>
      tpu.vector_store %arg9[%swap3A_83, %swap3A_84], %swap3A_87 {strides = array<i32>} : memref<128x128xf32, #tpu.memory_space<vmem>>, vector<1x16xf32>,
      %swap3A_88 = arith.index_cast %add3A_58 : i32 to index
      %swap3A_89 = arith.constant 96 : index
      %swap3A_90 = tpu.vector_load %arg9[%swap3A_88, %swap3A_89] {strides = array<i32>} : memref<128x128xf32, #tpu.memory_space<vmem>>, vector<1x16xf32>,
      %swap3A_91 = vector.shape_cast %swap3A_90 : vector<1x16xf32> to vector<16xf32>
      %swap3A_92 = vector.shape_cast %broadcast_in_dim3A_7 : vector<16xf32> to vector<1x16xf32>
      tpu.vector_store %arg9[%swap3A_88, %swap3A_89], %swap3A_92 {strides = array<i32>} : memref<128x128xf32, #tpu.memory_space<vmem>>, vector<1x16xf32>,
      %swap3A_93 = arith.index_cast %add3A_58 : i32 to index
      %swap3A_94 = arith.constant 112 : index
      %swap3A_95 = tpu.vector_load %arg9[%swap3A_93, %swap3A_94] {strides = array<i32>} : memref<128x128xf32, #tpu.memory_space<vmem>>, vector<1x16xf32>,
      %swap3A_96 = vector.shape_cast %swap3A_95 : vector<1x16xf32> to vector<16xf32>
      %swap3A_97 = vector.shape_cast %broadcast_in_dim3A_7 : vector<16xf32> to vector<1x16xf32>
      tpu.vector_store %arg9[%swap3A_93, %swap3A_94], %swap3A_97 {strides = array<i32>} : memref<128x128xf32, #tpu.memory_space<vmem>>, vector<1x16xf32>,
    }
    %scan3A_11 = arith.constant 128 : i32
    %mul3A_12 = arith.constant 640 : i32
    %mul3A_13 = arith.muli %arg1, %mul3A_12 : i32
    %add3A_14 = arith.constant 0 : i32
    %add3A_15 = arith.addi %mul3A_13, %add3A_14 : i32
    "tpu.region"() ({
      %run_scoped3A = tpu.sem_alloc : memref<!tpu.dma_semaphore, #tpu.memory_space<semaphore_mem>>
      %dma_start3A_54 = arith.constant 0 : i32
      %dma_start3A_55 = tpu.memref_slice %arg10[%add3A_15, %dma_start3A_54] : memref<10240x128xf32, #tpu.memory_space<vmem_shared>> -> memref<128x128xf32, #tpu.memory_space<vmem_shared>>
      %dma_start3A_56 = arith.constant 0 : i32
      %dma_start3A_57 = tpu.memref_slice %arg10[%add3A_15, %dma_start3A_56] : memref<10240x128xf32, #tpu.memory_space<vmem_shared>> -> memref<128x128xf32, #tpu.memory_space<vmem_shared>>
      tpu.enqueue_dma source(%arg9 : memref<128x128xf32, #tpu.memory_space<vmem>>) target(%dma_start3A_57 : memref<128x128xf32, #tpu.memory_space<vmem_shared>>) target_semaphore(%run_scoped3A : memref<!tpu.dma_semaphore, #tpu.memory_space<semaphore_mem>>)
      %dma_wait3A = arith.constant 0 : i32
      %dma_wait3A_58 = tpu.memref_slice %arg10[%add3A_15, %dma_wait3A] : memref<10240x128xf32, #tpu.memory_space<vmem_shared>> -> memref<128x128xf32, #tpu.memory_space<vmem_shared>>
      %dma_wait3A_59 = arith.constant 0 : i32
      %dma_wait3A_60 = tpu.memref_slice %arg10[%add3A_15, %dma_wait3A_59] : memref<10240x128xf32, #tpu.memory_space<vmem_shared>> -> memref<128x128xf32, #tpu.memory_space<vmem_shared>>
      tpu.wait_dma2 semaphore(%run_scoped3A : memref<!tpu.dma_semaphore, #tpu.memory_space<semaphore_mem>>) src(%arg9 : memref<128x128xf32, #tpu.memory_space<vmem>>) dst(%dma_wait3A_60 : memref<128x128xf32, #tpu.memory_space<vmem_shared>>)
      tpu.yield
    }) : () -> ()
    %mul3A_16 = arith.constant 640 : i32
    %mul3A_17 = arith.muli %arg1, %mul3A_16 : i32
    %add3A_18 = arith.constant 128 : i32
    %add3A_19 = arith.addi %mul3A_17, %add3A_18 : i32
    "tpu.region"() ({
      %run_scoped3A = tpu.sem_alloc : memref<!tpu.dma_semaphore, #tpu.memory_space<semaphore_mem>>
      %dma_start3A_54 = arith.constant 0 : i32
      %dma_start3A_55 = tpu.memref_slice %arg10[%add3A_19, %dma_start3A_54] : memref<10240x128xf32, #tpu.memory_space<vmem_shared>> -> memref<128x128xf32, #tpu.memory_space<vmem_shared>>
      %dma_start3A_56 = arith.constant 0 : i32
      %dma_start3A_57 = tpu.memref_slice %arg10[%add3A_19, %dma_start3A_56] : memref<10240x128xf32, #tpu.memory_space<vmem_shared>> -> memref<128x128xf32, #tpu.memory_space<vmem_shared>>
      tpu.enqueue_dma source(%arg9 : memref<128x128xf32, #tpu.memory_space<vmem>>) target(%dma_start3A_57 : memref<128x128xf32, #tpu.memory_space<vmem_shared>>) target_semaphore(%run_scoped3A : memref<!tpu.dma_semaphore, #tpu.memory_space<semaphore_mem>>)
      %dma_wait3A = arith.constant 0 : i32
      %dma_wait3A_58 = tpu.memref_slice %arg10[%add3A_19, %dma_wait3A] : memref<10240x128xf32, #tpu.memory_space<vmem_shared>> -> memref<128x128xf32, #tpu.memory_space<vmem_shared>>
      %dma_wait3A_59 = arith.constant 0 : i32
      %dma_wait3A_60 = tpu.memref_slice %arg10[%add3A_19, %dma_wait3A_59] : memref<10240x128xf32, #tpu.memory_space<vmem_shared>> -> memref<128x128xf32, #tpu.memory_space<vmem_shared>>
      tpu.wait_dma2 semaphore(%run_scoped3A : memref<!tpu.dma_semaphore, #tpu.memory_space<semaphore_mem>>) src(%arg9 : memref<128x128xf32, #tpu.memory_space<vmem>>) dst(%dma_wait3A_60 : memref<128x128xf32, #tpu.memory_space<vmem_shared>>)
      tpu.yield
    }) : () -> ()
    %mul3A_20 = arith.constant 640 : i32
    %mul3A_21 = arith.muli %arg1, %mul3A_20 : i32
    %add3A_22 = arith.constant 256 : i32
    %add3A_23 = arith.addi %mul3A_21, %add3A_22 : i32
    "tpu.region"() ({
      %run_scoped3A = tpu.sem_alloc : memref<!tpu.dma_semaphore, #tpu.memory_space<semaphore_mem>>
      %dma_start3A_54 = arith.constant 0 : i32
      %dma_start3A_55 = tpu.memref_slice %arg10[%add3A_23, %dma_start3A_54] : memref<10240x128xf32, #tpu.memory_space<vmem_shared>> -> memref<128x128xf32, #tpu.memory_space<vmem_shared>>
      %dma_start3A_56 = arith.constant 0 : i32
      %dma_start3A_57 = tpu.memref_slice %arg10[%add3A_23, %dma_start3A_56] : memref<10240x128xf32, #tpu.memory_space<vmem_shared>> -> memref<128x128xf32, #tpu.memory_space<vmem_shared>>
      tpu.enqueue_dma source(%arg9 : memref<128x128xf32, #tpu.memory_space<vmem>>) target(%dma_start3A_57 : memref<128x128xf32, #tpu.memory_space<vmem_shared>>) target_semaphore(%run_scoped3A : memref<!tpu.dma_semaphore, #tpu.memory_space<semaphore_mem>>)
      %dma_wait3A = arith.constant 0 : i32
      %dma_wait3A_58 = tpu.memref_slice %arg10[%add3A_23, %dma_wait3A] : memref<10240x128xf32, #tpu.memory_space<vmem_shared>> -> memref<128x128xf32, #tpu.memory_space<vmem_shared>>
      %dma_wait3A_59 = arith.constant 0 : i32
      %dma_wait3A_60 = tpu.memref_slice %arg10[%add3A_23, %dma_wait3A_59] : memref<10240x128xf32, #tpu.memory_space<vmem_shared>> -> memref<128x128xf32, #tpu.memory_space<vmem_shared>>
      tpu.wait_dma2 semaphore(%run_scoped3A : memref<!tpu.dma_semaphore, #tpu.memory_space<semaphore_mem>>) src(%arg9 : memref<128x128xf32, #tpu.memory_space<vmem>>) dst(%dma_wait3A_60 : memref<128x128xf32, #tpu.memory_space<vmem_shared>>)
      tpu.yield
    }) : () -> ()
    %mul3A_24 = arith.constant 640 : i32
    %mul3A_25 = arith.muli %arg1, %mul3A_24 : i32
    %add3A_26 = arith.constant 384 : i32
    %add3A_27 = arith.addi %mul3A_25, %add3A_26 : i32
    "tpu.region"() ({
      %run_scoped3A = tpu.sem_alloc : memref<!tpu.dma_semaphore, #tpu.memory_space<semaphore_mem>>
      %dma_start3A_54 = arith.constant 0 : i32
      %dma_start3A_55 = tpu.memref_slice %arg10[%add3A_27, %dma_start3A_54] : memref<10240x128xf32, #tpu.memory_space<vmem_shared>> -> memref<128x128xf32, #tpu.memory_space<vmem_shared>>
      %dma_start3A_56 = arith.constant 0 : i32
      %dma_start3A_57 = tpu.memref_slice %arg10[%add3A_27, %dma_start3A_56] : memref<10240x128xf32, #tpu.memory_space<vmem_shared>> -> memref<128x128xf32, #tpu.memory_space<vmem_shared>>
      tpu.enqueue_dma source(%arg9 : memref<128x128xf32, #tpu.memory_space<vmem>>) target(%dma_start3A_57 : memref<128x128xf32, #tpu.memory_space<vmem_shared>>) target_semaphore(%run_scoped3A : memref<!tpu.dma_semaphore, #tpu.memory_space<semaphore_mem>>)
      %dma_wait3A = arith.constant 0 : i32
      %dma_wait3A_58 = tpu.memref_slice %arg10[%add3A_27, %dma_wait3A] : memref<10240x128xf32, #tpu.memory_space<vmem_shared>> -> memref<128x128xf32, #tpu.memory_space<vmem_shared>>
      %dma_wait3A_59 = arith.constant 0 : i32
      %dma_wait3A_60 = tpu.memref_slice %arg10[%add3A_27, %dma_wait3A_59] : memref<10240x128xf32, #tpu.memory_space<vmem_shared>> -> memref<128x128xf32, #tpu.memory_space<vmem_shared>>
      tpu.wait_dma2 semaphore(%run_scoped3A : memref<!tpu.dma_semaphore, #tpu.memory_space<semaphore_mem>>) src(%arg9 : memref<128x128xf32, #tpu.memory_space<vmem>>) dst(%dma_wait3A_60 : memref<128x128xf32, #tpu.memory_space<vmem_shared>>)
      tpu.yield
    }) : () -> ()
    %mul3A_28 = arith.constant 640 : i32
    %mul3A_29 = arith.muli %arg1, %mul3A_28 : i32
    %add3A_30 = arith.constant 512 : i32
    %add3A_31 = arith.addi %mul3A_29, %add3A_30 : i32
    "tpu.region"() ({
      %run_scoped3A = tpu.sem_alloc : memref<!tpu.dma_semaphore, #tpu.memory_space<semaphore_mem>>
      %dma_start3A_54 = arith.constant 0 : i32
      %dma_start3A_55 = tpu.memref_slice %arg10[%add3A_31, %dma_start3A_54] : memref<10240x128xf32, #tpu.memory_space<vmem_shared>> -> memref<128x128xf32, #tpu.memory_space<vmem_shared>>
      %dma_start3A_56 = arith.constant 0 : i32
      %dma_start3A_57 = tpu.memref_slice %arg10[%add3A_31, %dma_start3A_56] : memref<10240x128xf32, #tpu.memory_space<vmem_shared>> -> memref<128x128xf32, #tpu.memory_space<vmem_shared>>
      tpu.enqueue_dma source(%arg9 : memref<128x128xf32, #tpu.memory_space<vmem>>) target(%dma_start3A_57 : memref<128x128xf32, #tpu.memory_space<vmem_shared>>) target_semaphore(%run_scoped3A : memref<!tpu.dma_semaphore, #tpu.memory_space<semaphore_mem>>)
      %dma_wait3A = arith.constant 0 : i32
      %dma_wait3A_58 = tpu.memref_slice %arg10[%add3A_31, %dma_wait3A] : memref<10240x128xf32, #tpu.memory_space<vmem_shared>> -> memref<128x128xf32, #tpu.memory_space<vmem_shared>>
      %dma_wait3A_59 = arith.constant 0 : i32
      %dma_wait3A_60 = tpu.memref_slice %arg10[%add3A_31, %dma_wait3A_59] : memref<10240x128xf32, #tpu.memory_space<vmem_shared>> -> memref<128x128xf32, #tpu.memory_space<vmem_shared>>
      tpu.wait_dma2 semaphore(%run_scoped3A : memref<!tpu.dma_semaphore, #tpu.memory_space<semaphore_mem>>) src(%arg9 : memref<128x128xf32, #tpu.memory_space<vmem>>) dst(%dma_wait3A_60 : memref<128x128xf32, #tpu.memory_space<vmem_shared>>)
      tpu.yield
    }) : () -> ()
    %barrier3A = arith.constant 0 : index
    tpu.barrier barrier_id(%barrier3A)
    %scan3A_32 = arith.constant 0 : i32
    %scan3A_33 = arith.constant 20 : i32
    %scan3A_34 = arith.addi %scan3A_32, %scan3A_33 : i32
    %scan3A_35 = arith.constant 1 : i32
    scf.for %scan3A_54 = %scan3A_32 to %scan3A_34 step %scan3A_35  : i32 {
      %mul3A_55 = arith.constant 1 : i32
      %mul3A_56 = arith.muli %scan3A_54, %mul3A_55 : i32
      %add3A_57 = arith.constant 0 : i32
      %add3A_58 = arith.addi %add3A_57, %mul3A_56 : i32
      %mul3A_59 = arith.constant 2 : i32
      %mul3A_60 = arith.muli %mul3A_59, %add3A_58 : i32
      %add3A_61 = arith.constant 1 : i32
      %add3A_62 = arith.addi %mul3A_60, %add3A_61 : i32
      %dma_start3A_63 = arith.constant 0 : i32
      %dma_start3A_64 = tpu.memref_slice %arg6[%add3A_62, %dma_start3A_63] : memref<40x128xi32, #tpu.memory_space<vmem>> -> memref<1x128xi32, #tpu.memory_space<vmem>>
      %dma_start3A_65 = tpu.memref_squeeze %dma_start3A_64 : memref<1x128xi32, #tpu.memory_space<vmem>> -> memref<128xi32, #tpu.memory_space<vmem>>
      %dma_start3A_66 = arith.constant 0 : i32
      %dma_start3A_67 = arith.constant 0 : i32
      %dma_start3A_68 = tpu.memref_slice %arg2[%dma_start3A_66, %dma_start3A_67] : memref<10240x128xf32, #tpu.memory_space<hbm>> -> memref<10240x128xf32, #tpu.memory_space<hbm>>
      tpu.enqueue_indirect_dma source(%dma_start3A_68 : memref<10240x128xf32, #tpu.memory_space<hbm>>) target(%arg9 : memref<128x128xf32, #tpu.memory_space<vmem>>) offsets(%dma_start3A_65 : memref<128xi32, #tpu.memory_space<vmem>>) semaphore(%arg12 : memref<!tpu.dma_semaphore, #tpu.memory_space<semaphore_mem>>)
      %dma_wait3A = arith.constant 0 : i32
      %dma_wait3A_69 = tpu.memref_slice %arg6[%mul3A_60, %dma_wait3A] : memref<40x128xi32, #tpu.memory_space<vmem>> -> memref<1x128xi32, #tpu.memory_space<vmem>>
      %dma_wait3A_70 = tpu.memref_squeeze %dma_wait3A_69 : memref<1x128xi32, #tpu.memory_space<vmem>> -> memref<128xi32, #tpu.memory_space<vmem>>
      %dma_wait3A_71 = arith.constant 0 : i32
      %dma_wait3A_72 = arith.constant 0 : i32
      %dma_wait3A_73 = tpu.memref_slice %arg2[%dma_wait3A_71, %dma_wait3A_72] : memref<10240x128xf32, #tpu.memory_space<hbm>> -> memref<10240x128xf32, #tpu.memory_space<hbm>>
      tpu.wait_indirect_dma semaphore(%arg11 : memref<!tpu.dma_semaphore, #tpu.memory_space<semaphore_mem>>) src(%dma_wait3A_73 : memref<10240x128xf32, #tpu.memory_space<hbm>>) dst(%arg8 : memref<128x128xf32, #tpu.memory_space<vmem>>)
      "tpu.region"() ({
        %run_scoped3A = tpu.sem_alloc : memref<!tpu.dma_semaphore, #tpu.memory_space<semaphore_mem>>
        %dma_start3A_86 = arith.constant 0 : i32
        %dma_start3A_87 = tpu.memref_slice %arg7[%mul3A_60, %dma_start3A_86] : memref<40x128xi32, #tpu.memory_space<vmem>> -> memref<1x128xi32, #tpu.memory_space<vmem>>
        %dma_start3A_88 = tpu.memref_squeeze %dma_start3A_87 : memref<1x128xi32, #tpu.memory_space<vmem>> -> memref<128xi32, #tpu.memory_space<vmem>>
        %dma_start3A_89 = arith.constant 0 : i32
        %dma_start3A_90 = arith.constant 0 : i32
        %dma_start3A_91 = tpu.memref_slice %arg10[%dma_start3A_89, %dma_start3A_90] : memref<10240x128xf32, #tpu.memory_space<vmem_shared>> -> memref<10240x128xf32, #tpu.memory_space<vmem_shared>>
        tpu.enqueue_indirect_dma source(%arg8 : memref<128x128xf32, #tpu.memory_space<vmem>>) target(%dma_start3A_91 : memref<10240x128xf32, #tpu.memory_space<vmem_shared>>) offsets(%dma_start3A_88 : memref<128xi32, #tpu.memory_space<vmem>>) semaphore(%run_scoped3A : memref<!tpu.dma_semaphore, #tpu.memory_space<semaphore_mem>>) {add = true}
        %dma_wait3A_92 = arith.constant 0 : i32
        %dma_wait3A_93 = tpu.memref_slice %arg7[%mul3A_60, %dma_wait3A_92] : memref<40x128xi32, #tpu.memory_space<vmem>> -> memref<1x128xi32, #tpu.memory_space<vmem>>
        %dma_wait3A_94 = tpu.memref_squeeze %dma_wait3A_93 : memref<1x128xi32, #tpu.memory_space<vmem>> -> memref<128xi32, #tpu.memory_space<vmem>>
        %dma_wait3A_95 = arith.constant 0 : i32
        %dma_wait3A_96 = arith.constant 0 : i32
        %dma_wait3A_97 = tpu.memref_slice %arg10[%dma_wait3A_95, %dma_wait3A_96] : memref<10240x128xf32, #tpu.memory_space<vmem_shared>> -> memref<10240x128xf32, #tpu.memory_space<vmem_shared>>
        tpu.wait_indirect_dma semaphore(%run_scoped3A : memref<!tpu.dma_semaphore, #tpu.memory_space<semaphore_mem>>) src(%arg8 : memref<128x128xf32, #tpu.memory_space<vmem>>) dst(%dma_wait3A_97 : memref<10240x128xf32, #tpu.memory_space<vmem_shared>>)
        tpu.yield
      }) : () -> ()
      %lt3A = arith.constant 19 : i32
      %lt3A_74 = arith.cmpi slt, %add3A_58, %lt3A : i32
      %convert_element_type3A = arith.extui %lt3A_74 : i1 to i32
      %cond3A = arith.constant 0 : i32
      %cond3A_75 = arith.cmpi ne, %convert_element_type3A, %cond3A : i32
      scf.if %cond3A_75 {
        %add3A_86 = arith.constant 2 : i32
        %add3A_87 = arith.addi %mul3A_60, %add3A_86 : i32
        %dma_start3A_88 = arith.constant 0 : i32
        %dma_start3A_89 = tpu.memref_slice %arg6[%add3A_87, %dma_start3A_88] : memref<40x128xi32, #tpu.memory_space<vmem>> -> memref<1x128xi32, #tpu.memory_space<vmem>>
        %dma_start3A_90 = tpu.memref_squeeze %dma_start3A_89 : memref<1x128xi32, #tpu.memory_space<vmem>> -> memref<128xi32, #tpu.memory_space<vmem>>
        %dma_start3A_91 = arith.constant 0 : i32
        %dma_start3A_92 = arith.constant 0 : i32
        %dma_start3A_93 = tpu.memref_slice %arg2[%dma_start3A_91, %dma_start3A_92] : memref<10240x128xf32, #tpu.memory_space<hbm>> -> memref<10240x128xf32, #tpu.memory_space<hbm>>
        tpu.enqueue_indirect_dma source(%dma_start3A_93 : memref<10240x128xf32, #tpu.memory_space<hbm>>) target(%arg8 : memref<128x128xf32, #tpu.memory_space<vmem>>) offsets(%dma_start3A_90 : memref<128xi32, #tpu.memory_space<vmem>>) semaphore(%arg11 : memref<!tpu.dma_semaphore, #tpu.memory_space<semaphore_mem>>)
      } else {
      }
      %add3A_76 = arith.constant 1 : i32
      %add3A_77 = arith.addi %mul3A_60, %add3A_76 : i32
      %dma_wait3A_78 = arith.constant 0 : i32
      %dma_wait3A_79 = tpu.memref_slice %arg6[%add3A_77, %dma_wait3A_78] : memref<40x128xi32, #tpu.memory_space<vmem>> -> memref<1x128xi32, #tpu.memory_space<vmem>>
      %dma_wait3A_80 = tpu.memref_squeeze %dma_wait3A_79 : memref<1x128xi32, #tpu.memory_space<vmem>> -> memref<128xi32, #tpu.memory_space<vmem>>
      %dma_wait3A_81 = arith.constant 0 : i32
      %dma_wait3A_82 = arith.constant 0 : i32
      %dma_wait3A_83 = tpu.memref_slice %arg2[%dma_wait3A_81, %dma_wait3A_82] : memref<10240x128xf32, #tpu.memory_space<hbm>> -> memref<10240x128xf32, #tpu.memory_space<hbm>>
      tpu.wait_indirect_dma semaphore(%arg12 : memref<!tpu.dma_semaphore, #tpu.memory_space<semaphore_mem>>) src(%dma_wait3A_83 : memref<10240x128xf32, #tpu.memory_space<hbm>>) dst(%arg9 : memref<128x128xf32, #tpu.memory_space<vmem>>)
      %add3A_84 = arith.constant 1 : i32
      %add3A_85 = arith.addi %mul3A_60, %add3A_84 : i32
      "tpu.region"() ({
        %run_scoped3A = tpu.sem_alloc : memref<!tpu.dma_semaphore, #tpu.memory_space<semaphore_mem>>
        %dma_start3A_86 = arith.constant 0 : i32
        %dma_start3A_87 = tpu.memref_slice %arg7[%add3A_85, %dma_start3A_86] : memref<40x128xi32, #tpu.memory_space<vmem>> -> memref<1x128xi32, #tpu.memory_space<vmem>>
        %dma_start3A_88 = tpu.memref_squeeze %dma_start3A_87 : memref<1x128xi32, #tpu.memory_space<vmem>> -> memref<128xi32, #tpu.memory_space<vmem>>
        %dma_start3A_89 = arith.constant 0 : i32
        %dma_start3A_90 = arith.constant 0 : i32
        %dma_start3A_91 = tpu.memref_slice %arg10[%dma_start3A_89, %dma_start3A_90] : memref<10240x128xf32, #tpu.memory_space<vmem_shared>> -> memref<10240x128xf32, #tpu.memory_space<vmem_shared>>
        tpu.enqueue_indirect_dma source(%arg9 : memref<128x128xf32, #tpu.memory_space<vmem>>) target(%dma_start3A_91 : memref<10240x128xf32, #tpu.memory_space<vmem_shared>>) offsets(%dma_start3A_88 : memref<128xi32, #tpu.memory_space<vmem>>) semaphore(%run_scoped3A : memref<!tpu.dma_semaphore, #tpu.memory_space<semaphore_mem>>) {add = true}
        %dma_wait3A_92 = arith.constant 0 : i32
        %dma_wait3A_93 = tpu.memref_slice %arg7[%add3A_85, %dma_wait3A_92] : memref<40x128xi32, #tpu.memory_space<vmem>> -> memref<1x128xi32, #tpu.memory_space<vmem>>
        %dma_wait3A_94 = tpu.memref_squeeze %dma_wait3A_93 : memref<1x128xi32, #tpu.memory_space<vmem>> -> memref<128xi32, #tpu.memory_space<vmem>>
        %dma_wait3A_95 = arith.constant 0 : i32
        %dma_wait3A_96 = arith.constant 0 : i32
        %dma_wait3A_97 = tpu.memref_slice %arg10[%dma_wait3A_95, %dma_wait3A_96] : memref<10240x128xf32, #tpu.memory_space<vmem_shared>> -> memref<10240x128xf32, #tpu.memory_space<vmem_shared>>
        tpu.wait_indirect_dma semaphore(%run_scoped3A : memref<!tpu.dma_semaphore, #tpu.memory_space<semaphore_mem>>) src(%arg9 : memref<128x128xf32, #tpu.memory_space<vmem>>) dst(%dma_wait3A_97 : memref<10240x128xf32, #tpu.memory_space<vmem_shared>>)
        tpu.yield
      }) : () -> ()
    }
    %scan3A_36 = arith.constant 20 : i32
    "tpu.region"() ({
      %run_scoped3A = tpu.sem_alloc : memref<!tpu.dma_semaphore, #tpu.memory_space<semaphore_mem>>
      %dma_start3A_54 = arith.constant 40 : i32
      %dma_start3A_55 = arith.constant 0 : i32
      %dma_start3A_56 = tpu.memref_slice %arg3[%add3A, %dma_start3A_54, %dma_start3A_55] : memref<32x80x128xi32, #tpu.memory_space<hbm>> -> memref<1x40x128xi32, #tpu.memory_space<hbm>>
      %dma_start3A_57 = tpu.memref_squeeze %dma_start3A_56 : memref<1x40x128xi32, #tpu.memory_space<hbm>> -> memref<40x128xi32, #tpu.memory_space<hbm>>
      %dma_start3A_58 = arith.constant 40 : i32
      %dma_start3A_59 = arith.constant 0 : i32
      %dma_start3A_60 = tpu.memref_slice %arg3[%add3A, %dma_start3A_58, %dma_start3A_59] : memref<32x80x128xi32, #tpu.memory_space<hbm>> -> memref<1x40x128xi32, #tpu.memory_space<hbm>>
      %dma_start3A_61 = tpu.memref_squeeze %dma_start3A_60 : memref<1x40x128xi32, #tpu.memory_space<hbm>> -> memref<40x128xi32, #tpu.memory_space<hbm>>
      tpu.enqueue_dma source(%dma_start3A_61 : memref<40x128xi32, #tpu.memory_space<hbm>>) target(%arg6 : memref<40x128xi32, #tpu.memory_space<vmem>>) target_semaphore(%run_scoped3A : memref<!tpu.dma_semaphore, #tpu.memory_space<semaphore_mem>>)
      %dma_wait3A = arith.constant 40 : i32
      %dma_wait3A_62 = arith.constant 0 : i32
      %dma_wait3A_63 = tpu.memref_slice %arg3[%add3A, %dma_wait3A, %dma_wait3A_62] : memref<32x80x128xi32, #tpu.memory_space<hbm>> -> memref<1x40x128xi32, #tpu.memory_space<hbm>>
      %dma_wait3A_64 = tpu.memref_squeeze %dma_wait3A_63 : memref<1x40x128xi32, #tpu.memory_space<hbm>> -> memref<40x128xi32, #tpu.memory_space<hbm>>
      %dma_wait3A_65 = arith.constant 40 : i32
      %dma_wait3A_66 = arith.constant 0 : i32
      %dma_wait3A_67 = tpu.memref_slice %arg3[%add3A, %dma_wait3A_65, %dma_wait3A_66] : memref<32x80x128xi32, #tpu.memory_space<hbm>> -> memref<1x40x128xi32, #tpu.memory_space<hbm>>
      %dma_wait3A_68 = tpu.memref_squeeze %dma_wait3A_67 : memref<1x40x128xi32, #tpu.memory_space<hbm>> -> memref<40x128xi32, #tpu.memory_space<hbm>>
      tpu.wait_dma2 semaphore(%run_scoped3A : memref<!tpu.dma_semaphore, #tpu.memory_space<semaphore_mem>>) src(%dma_wait3A_68 : memref<40x128xi32, #tpu.memory_space<hbm>>) dst(%arg6 : memref<40x128xi32, #tpu.memory_space<vmem>>)
      tpu.yield
    }) : () -> ()
    "tpu.region"() ({
      %run_scoped3A = tpu.sem_alloc : memref<!tpu.dma_semaphore, #tpu.memory_space<semaphore_mem>>
      %dma_start3A_54 = arith.constant 40 : i32
      %dma_start3A_55 = arith.constant 0 : i32
      %dma_start3A_56 = tpu.memref_slice %arg4[%add3A, %dma_start3A_54, %dma_start3A_55] : memref<32x80x128xi32, #tpu.memory_space<hbm>> -> memref<1x40x128xi32, #tpu.memory_space<hbm>>
      %dma_start3A_57 = tpu.memref_squeeze %dma_start3A_56 : memref<1x40x128xi32, #tpu.memory_space<hbm>> -> memref<40x128xi32, #tpu.memory_space<hbm>>
      %dma_start3A_58 = arith.constant 40 : i32
      %dma_start3A_59 = arith.constant 0 : i32
      %dma_start3A_60 = tpu.memref_slice %arg4[%add3A, %dma_start3A_58, %dma_start3A_59] : memref<32x80x128xi32, #tpu.memory_space<hbm>> -> memref<1x40x128xi32, #tpu.memory_space<hbm>>
      %dma_start3A_61 = tpu.memref_squeeze %dma_start3A_60 : memref<1x40x128xi32, #tpu.memory_space<hbm>> -> memref<40x128xi32, #tpu.memory_space<hbm>>
      tpu.enqueue_dma source(%dma_start3A_61 : memref<40x128xi32, #tpu.memory_space<hbm>>) target(%arg7 : memref<40x128xi32, #tpu.memory_space<vmem>>) target_semaphore(%run_scoped3A : memref<!tpu.dma_semaphore, #tpu.memory_space<semaphore_mem>>)
      %dma_wait3A = arith.constant 40 : i32
      %dma_wait3A_62 = arith.constant 0 : i32
      %dma_wait3A_63 = tpu.memref_slice %arg4[%add3A, %dma_wait3A, %dma_wait3A_62] : memref<32x80x128xi32, #tpu.memory_space<hbm>> -> memref<1x40x128xi32, #tpu.memory_space<hbm>>
      %dma_wait3A_64 = tpu.memref_squeeze %dma_wait3A_63 : memref<1x40x128xi32, #tpu.memory_space<hbm>> -> memref<40x128xi32, #tpu.memory_space<hbm>>
      %dma_wait3A_65 = arith.constant 40 : i32
      %dma_wait3A_66 = arith.constant 0 : i32
      %dma_wait3A_67 = tpu.memref_slice %arg4[%add3A, %dma_wait3A_65, %dma_wait3A_66] : memref<32x80x128xi32, #tpu.memory_space<hbm>> -> memref<1x40x128xi32, #tpu.memory_space<hbm>>
      %dma_wait3A_68 = tpu.memref_squeeze %dma_wait3A_67 : memref<1x40x128xi32, #tpu.memory_space<hbm>> -> memref<40x128xi32, #tpu.memory_space<hbm>>
      tpu.wait_dma2 semaphore(%run_scoped3A : memref<!tpu.dma_semaphore, #tpu.memory_space<semaphore_mem>>) src(%dma_wait3A_68 : memref<40x128xi32, #tpu.memory_space<hbm>>) dst(%arg7 : memref<40x128xi32, #tpu.memory_space<vmem>>)
      tpu.yield
    }) : () -> ()
    %dma_start3A_37 = arith.constant 0 : i32
    %dma_start3A_38 = arith.constant 0 : i32
    %dma_start3A_39 = tpu.memref_slice %arg6[%dma_start3A_37, %dma_start3A_38] : memref<40x128xi32, #tpu.memory_space<vmem>> -> memref<1x128xi32, #tpu.memory_space<vmem>>
    %dma_start3A_40 = tpu.memref_squeeze %dma_start3A_39 : memref<1x128xi32, #tpu.memory_space<vmem>> -> memref<128xi32, #tpu.memory_space<vmem>>
    %dma_start3A_41 = arith.constant 0 : i32
    %dma_start3A_42 = arith.constant 0 : i32
    %dma_start3A_43 = tpu.memref_slice %arg2[%dma_start3A_41, %dma_start3A_42] : memref<10240x128xf32, #tpu.memory_space<hbm>> -> memref<10240x128xf32, #tpu.memory_space<hbm>>
    tpu.enqueue_indirect_dma source(%dma_start3A_43 : memref<10240x128xf32, #tpu.memory_space<hbm>>) target(%arg8 : memref<128x128xf32, #tpu.memory_space<vmem>>) offsets(%dma_start3A_40 : memref<128xi32, #tpu.memory_space<vmem>>) semaphore(%arg11 : memref<!tpu.dma_semaphore, #tpu.memory_space<semaphore_mem>>)
    %scan3A_44 = arith.constant 0 : i32
    %scan3A_45 = arith.constant 20 : i32
    %scan3A_46 = arith.addi %scan3A_44, %scan3A_45 : i32
    %scan3A_47 = arith.constant 1 : i32
    scf.for %scan3A_54 = %scan3A_44 to %scan3A_46 step %scan3A_47  : i32 {
      %mul3A_55 = arith.constant 1 : i32
      %mul3A_56 = arith.muli %scan3A_54, %mul3A_55 : i32
      %add3A_57 = arith.constant 0 : i32
      %add3A_58 = arith.addi %add3A_57, %mul3A_56 : i32
      %mul3A_59 = arith.constant 2 : i32
      %mul3A_60 = arith.muli %mul3A_59, %add3A_58 : i32
      %add3A_61 = arith.constant 1 : i32
      %add3A_62 = arith.addi %mul3A_60, %add3A_61 : i32
      %dma_start3A_63 = arith.constant 0 : i32
      %dma_start3A_64 = tpu.memref_slice %arg6[%add3A_62, %dma_start3A_63] : memref<40x128xi32, #tpu.memory_space<vmem>> -> memref<1x128xi32, #tpu.memory_space<vmem>>
      %dma_start3A_65 = tpu.memref_squeeze %dma_start3A_64 : memref<1x128xi32, #tpu.memory_space<vmem>> -> memref<128xi32, #tpu.memory_space<vmem>>
      %dma_start3A_66 = arith.constant 0 : i32
      %dma_start3A_67 = arith.constant 0 : i32
      %dma_start3A_68 = tpu.memref_slice %arg2[%dma_start3A_66, %dma_start3A_67] : memref<10240x128xf32, #tpu.memory_space<hbm>> -> memref<10240x128xf32, #tpu.memory_space<hbm>>
      tpu.enqueue_indirect_dma source(%dma_start3A_68 : memref<10240x128xf32, #tpu.memory_space<hbm>>) target(%arg9 : memref<128x128xf32, #tpu.memory_space<vmem>>) offsets(%dma_start3A_65 : memref<128xi32, #tpu.memory_space<vmem>>) semaphore(%arg12 : memref<!tpu.dma_semaphore, #tpu.memory_space<semaphore_mem>>)
      %dma_wait3A = arith.constant 0 : i32
      %dma_wait3A_69 = tpu.memref_slice %arg6[%mul3A_60, %dma_wait3A] : memref<40x128xi32, #tpu.memory_space<vmem>> -> memref<1x128xi32, #tpu.memory_space<vmem>>
      %dma_wait3A_70 = tpu.memref_squeeze %dma_wait3A_69 : memref<1x128xi32, #tpu.memory_space<vmem>> -> memref<128xi32, #tpu.memory_space<vmem>>
      %dma_wait3A_71 = arith.constant 0 : i32
      %dma_wait3A_72 = arith.constant 0 : i32
      %dma_wait3A_73 = tpu.memref_slice %arg2[%dma_wait3A_71, %dma_wait3A_72] : memref<10240x128xf32, #tpu.memory_space<hbm>> -> memref<10240x128xf32, #tpu.memory_space<hbm>>
      tpu.wait_indirect_dma semaphore(%arg11 : memref<!tpu.dma_semaphore, #tpu.memory_space<semaphore_mem>>) src(%dma_wait3A_73 : memref<10240x128xf32, #tpu.memory_space<hbm>>) dst(%arg8 : memref<128x128xf32, #tpu.memory_space<vmem>>)
      "tpu.region"() ({
        %run_scoped3A = tpu.sem_alloc : memref<!tpu.dma_semaphore, #tpu.memory_space<semaphore_mem>>
        %dma_start3A_86 = arith.constant 0 : i32
        %dma_start3A_87 = tpu.memref_slice %arg7[%mul3A_60, %dma_start3A_86] : memref<40x128xi32, #tpu.memory_space<vmem>> -> memref<1x128xi32, #tpu.memory_space<vmem>>
        %dma_start3A_88 = tpu.memref_squeeze %dma_start3A_87 : memref<1x128xi32, #tpu.memory_space<vmem>> -> memref<128xi32, #tpu.memory_space<vmem>>
        %dma_start3A_89 = arith.constant 0 : i32
        %dma_start3A_90 = arith.constant 0 : i32
        %dma_start3A_91 = tpu.memref_slice %arg10[%dma_start3A_89, %dma_start3A_90] : memref<10240x128xf32, #tpu.memory_space<vmem_shared>> -> memref<10240x128xf32, #tpu.memory_space<vmem_shared>>
        tpu.enqueue_indirect_dma source(%arg8 : memref<128x128xf32, #tpu.memory_space<vmem>>) target(%dma_start3A_91 : memref<10240x128xf32, #tpu.memory_space<vmem_shared>>) offsets(%dma_start3A_88 : memref<128xi32, #tpu.memory_space<vmem>>) semaphore(%run_scoped3A : memref<!tpu.dma_semaphore, #tpu.memory_space<semaphore_mem>>) {add = true}
        %dma_wait3A_92 = arith.constant 0 : i32
        %dma_wait3A_93 = tpu.memref_slice %arg7[%mul3A_60, %dma_wait3A_92] : memref<40x128xi32, #tpu.memory_space<vmem>> -> memref<1x128xi32, #tpu.memory_space<vmem>>
        %dma_wait3A_94 = tpu.memref_squeeze %dma_wait3A_93 : memref<1x128xi32, #tpu.memory_space<vmem>> -> memref<128xi32, #tpu.memory_space<vmem>>
        %dma_wait3A_95 = arith.constant 0 : i32
        %dma_wait3A_96 = arith.constant 0 : i32
        %dma_wait3A_97 = tpu.memref_slice %arg10[%dma_wait3A_95, %dma_wait3A_96] : memref<10240x128xf32, #tpu.memory_space<vmem_shared>> -> memref<10240x128xf32, #tpu.memory_space<vmem_shared>>
        tpu.wait_indirect_dma semaphore(%run_scoped3A : memref<!tpu.dma_semaphore, #tpu.memory_space<semaphore_mem>>) src(%arg8 : memref<128x128xf32, #tpu.memory_space<vmem>>) dst(%dma_wait3A_97 : memref<10240x128xf32, #tpu.memory_space<vmem_shared>>)
        tpu.yield
      }) : () -> ()
      %lt3A = arith.constant 19 : i32
      %lt3A_74 = arith.cmpi slt, %add3A_58, %lt3A : i32
      %convert_element_type3A = arith.extui %lt3A_74 : i1 to i32
      %cond3A = arith.constant 0 : i32
      %cond3A_75 = arith.cmpi ne, %convert_element_type3A, %cond3A : i32
      scf.if %cond3A_75 {
        %add3A_86 = arith.constant 2 : i32
        %add3A_87 = arith.addi %mul3A_60, %add3A_86 : i32
        %dma_start3A_88 = arith.constant 0 : i32
        %dma_start3A_89 = tpu.memref_slice %arg6[%add3A_87, %dma_start3A_88] : memref<40x128xi32, #tpu.memory_space<vmem>> -> memref<1x128xi32, #tpu.memory_space<vmem>>
        %dma_start3A_90 = tpu.memref_squeeze %dma_start3A_89 : memref<1x128xi32, #tpu.memory_space<vmem>> -> memref<128xi32, #tpu.memory_space<vmem>>
        %dma_start3A_91 = arith.constant 0 : i32
        %dma_start3A_92 = arith.constant 0 : i32
        %dma_start3A_93 = tpu.memref_slice %arg2[%dma_start3A_91, %dma_start3A_92] : memref<10240x128xf32, #tpu.memory_space<hbm>> -> memref<10240x128xf32, #tpu.memory_space<hbm>>
        tpu.enqueue_indirect_dma source(%dma_start3A_93 : memref<10240x128xf32, #tpu.memory_space<hbm>>) target(%arg8 : memref<128x128xf32, #tpu.memory_space<vmem>>) offsets(%dma_start3A_90 : memref<128xi32, #tpu.memory_space<vmem>>) semaphore(%arg11 : memref<!tpu.dma_semaphore, #tpu.memory_space<semaphore_mem>>)
      } else {
      }
      %add3A_76 = arith.constant 1 : i32
      %add3A_77 = arith.addi %mul3A_60, %add3A_76 : i32
      %dma_wait3A_78 = arith.constant 0 : i32
      %dma_wait3A_79 = tpu.memref_slice %arg6[%add3A_77, %dma_wait3A_78] : memref<40x128xi32, #tpu.memory_space<vmem>> -> memref<1x128xi32, #tpu.memory_space<vmem>>
      %dma_wait3A_80 = tpu.memref_squeeze %dma_wait3A_79 : memref<1x128xi32, #tpu.memory_space<vmem>> -> memref<128xi32, #tpu.memory_space<vmem>>
      %dma_wait3A_81 = arith.constant 0 : i32
      %dma_wait3A_82 = arith.constant 0 : i32
      %dma_wait3A_83 = tpu.memref_slice %arg2[%dma_wait3A_81, %dma_wait3A_82] : memref<10240x128xf32, #tpu.memory_space<hbm>> -> memref<10240x128xf32, #tpu.memory_space<hbm>>
      tpu.wait_indirect_dma semaphore(%arg12 : memref<!tpu.dma_semaphore, #tpu.memory_space<semaphore_mem>>) src(%dma_wait3A_83 : memref<10240x128xf32, #tpu.memory_space<hbm>>) dst(%arg9 : memref<128x128xf32, #tpu.memory_space<vmem>>)
      %add3A_84 = arith.constant 1 : i32
      %add3A_85 = arith.addi %mul3A_60, %add3A_84 : i32
      "tpu.region"() ({
        %run_scoped3A = tpu.sem_alloc : memref<!tpu.dma_semaphore, #tpu.memory_space<semaphore_mem>>
        %dma_start3A_86 = arith.constant 0 : i32
        %dma_start3A_87 = tpu.memref_slice %arg7[%add3A_85, %dma_start3A_86] : memref<40x128xi32, #tpu.memory_space<vmem>> -> memref<1x128xi32, #tpu.memory_space<vmem>>
        %dma_start3A_88 = tpu.memref_squeeze %dma_start3A_87 : memref<1x128xi32, #tpu.memory_space<vmem>> -> memref<128xi32, #tpu.memory_space<vmem>>
        %dma_start3A_89 = arith.constant 0 : i32
        %dma_start3A_90 = arith.constant 0 : i32
        %dma_start3A_91 = tpu.memref_slice %arg10[%dma_start3A_89, %dma_start3A_90] : memref<10240x128xf32, #tpu.memory_space<vmem_shared>> -> memref<10240x128xf32, #tpu.memory_space<vmem_shared>>
        tpu.enqueue_indirect_dma source(%arg9 : memref<128x128xf32, #tpu.memory_space<vmem>>) target(%dma_start3A_91 : memref<10240x128xf32, #tpu.memory_space<vmem_shared>>) offsets(%dma_start3A_88 : memref<128xi32, #tpu.memory_space<vmem>>) semaphore(%run_scoped3A : memref<!tpu.dma_semaphore, #tpu.memory_space<semaphore_mem>>) {add = true}
        %dma_wait3A_92 = arith.constant 0 : i32
        %dma_wait3A_93 = tpu.memref_slice %arg7[%add3A_85, %dma_wait3A_92] : memref<40x128xi32, #tpu.memory_space<vmem>> -> memref<1x128xi32, #tpu.memory_space<vmem>>
        %dma_wait3A_94 = tpu.memref_squeeze %dma_wait3A_93 : memref<1x128xi32, #tpu.memory_space<vmem>> -> memref<128xi32, #tpu.memory_space<vmem>>
        %dma_wait3A_95 = arith.constant 0 : i32
        %dma_wait3A_96 = arith.constant 0 : i32
        %dma_wait3A_97 = tpu.memref_slice %arg10[%dma_wait3A_95, %dma_wait3A_96] : memref<10240x128xf32, #tpu.memory_space<vmem_shared>> -> memref<10240x128xf32, #tpu.memory_space<vmem_shared>>
        tpu.wait_indirect_dma semaphore(%run_scoped3A : memref<!tpu.dma_semaphore, #tpu.memory_space<semaphore_mem>>) src(%arg9 : memref<128x128xf32, #tpu.memory_space<vmem>>) dst(%dma_wait3A_97 : memref<10240x128xf32, #tpu.memory_space<vmem_shared>>)
        tpu.yield
      }) : () -> ()
    }
    %scan3A_48 = arith.constant 20 : i32
    %barrier3A_49 = arith.constant 0 : index
    tpu.barrier barrier_id(%barrier3A_49)
    %mul3A_50 = arith.constant 640 : i32
    %mul3A_51 = arith.muli %arg1, %mul3A_50 : i32
    %mul3A_52 = arith.constant 640 : i32
    %mul3A_53 = arith.muli %arg1, %mul3A_52 : i32
    "tpu.region"() ({
      %run_scoped3A = tpu.sem_alloc : memref<!tpu.dma_semaphore, #tpu.memory_space<semaphore_mem>>
      %dma_start3A_54 = arith.constant 0 : i32
      %dma_start3A_55 = tpu.memref_slice %arg5[%arg0, %mul3A_53, %dma_start3A_54] : memref<2x10240x128xf32, #tpu.memory_space<hbm>> -> memref<1x640x128xf32, #tpu.memory_space<hbm>>
      %dma_start3A_56 = tpu.memref_squeeze %dma_start3A_55 : memref<1x640x128xf32, #tpu.memory_space<hbm>> -> memref<640x128xf32, #tpu.memory_space<hbm>>
      %dma_start3A_57 = arith.constant 0 : i32
      %dma_start3A_58 = tpu.memref_slice %arg10[%mul3A_51, %dma_start3A_57] : memref<10240x128xf32, #tpu.memory_space<vmem_shared>> -> memref<640x128xf32, #tpu.memory_space<vmem_shared>>
      tpu.enqueue_dma source(%dma_start3A_58 : memref<640x128xf32, #tpu.memory_space<vmem_shared>>) target(%dma_start3A_56 : memref<640x128xf32, #tpu.memory_space<hbm>>) target_semaphore(%run_scoped3A : memref<!tpu.dma_semaphore, #tpu.memory_space<semaphore_mem>>)
      %dma_wait3A = arith.constant 0 : i32
      %dma_wait3A_59 = tpu.memref_slice %arg5[%arg0, %mul3A_53, %dma_wait3A] : memref<2x10240x128xf32, #tpu.memory_space<hbm>> -> memref<1x640x128xf32, #tpu.memory_space<hbm>>
      %dma_wait3A_60 = tpu.memref_squeeze %dma_wait3A_59 : memref<1x640x128xf32, #tpu.memory_space<hbm>> -> memref<640x128xf32, #tpu.memory_space<hbm>>
      %dma_wait3A_61 = arith.constant 0 : i32
      %dma_wait3A_62 = tpu.memref_slice %arg10[%mul3A_51, %dma_wait3A_61] : memref<10240x128xf32, #tpu.memory_space<vmem_shared>> -> memref<640x128xf32, #tpu.memory_space<vmem_shared>>
      tpu.wait_dma2 semaphore(%run_scoped3A : memref<!tpu.dma_semaphore, #tpu.memory_space<semaphore_mem>>) src(%dma_wait3A_62 : memref<640x128xf32, #tpu.memory_space<vmem_shared>>) dst(%dma_wait3A_60 : memref<640x128xf32, #tpu.memory_space<hbm>>)
      tpu.yield
    }) : () -> ()
    return
  }
}

#map = affine_map<(d0, d1) -> (0, 0)>
#map1 = affine_map<(d0, d1) -> (0, 0, 0)>
module attributes {stable_mosaic.version = 14 : i64} {
  func.func @_sc_agg(%arg0: i32, %arg1: i32, %arg2: memref<10240x128xf32, #tpu.memory_space<hbm>>, %arg3: memref<32x80x128xi32, #tpu.memory_space<hbm>>, %arg4: memref<32x80x128xi32, #tpu.memory_space<hbm>>, %arg5: memref<2x10240x128xf32, #tpu.memory_space<hbm>>, %arg6: memref<40x128xi32, #tpu.memory_space<vmem>>, %arg7: memref<40x128xi32, #tpu.memory_space<vmem>>, %arg8: memref<128x128xf32, #tpu.memory_space<vmem>>, %arg9: memref<128x128xf32, #tpu.memory_space<vmem>>, %arg10: memref<10240x128xf32, #tpu.memory_space<vmem_shared>>, %arg11: memref<!tpu.dma_semaphore, #tpu.memory_space<semaphore_mem>>, %arg12: memref<!tpu.dma_semaphore, #tpu.memory_space<semaphore_mem>>) attributes {dimension_semantics = [#tpu.dimension_semantics<core_parallel>, #tpu.dimension_semantics<subcore_parallel>], iteration_bounds = array<i64: 2, 16>, scalar_prefetch = 0 : i64, scratch_operands = 7 : i64, tpu.core_type = #tpu.core_type<sc_vector_subcore>, window_params = [{transform_indices = #map}, {transform_indices = #map1}, {transform_indices = #map1}, {transform_indices = #map1}]} {
    %mul3A = arith.constant 2 : i32
    %mul3A_0 = arith.muli %arg1, %mul3A : i32
    %add3A = arith.addi %mul3A_0, %arg0 : i32
    "tpu.region"() ({
      %run_scoped3A = tpu.sem_alloc : memref<!tpu.dma_semaphore, #tpu.memory_space<semaphore_mem>>
      %dma_start3A_54 = arith.constant 0 : i32
      %dma_start3A_55 = arith.constant 0 : i32
      %dma_start3A_56 = tpu.memref_slice %arg3[%add3A, %dma_start3A_54, %dma_start3A_55] : memref<32x80x128xi32, #tpu.memory_space<hbm>> -> memref<1x40x128xi32, #tpu.memory_space<hbm>>
      %dma_start3A_57 = tpu.memref_squeeze %dma_start3A_56 : memref<1x40x128xi32, #tpu.memory_space<hbm>> -> memref<40x128xi32, #tpu.memory_space<hbm>>
      %dma_start3A_58 = arith.constant 0 : i32
      %dma_start3A_59 = arith.constant 0 : i32
      %dma_start3A_60 = tpu.memref_slice %arg3[%add3A, %dma_start3A_58, %dma_start3A_59] : memref<32x80x128xi32, #tpu.memory_space<hbm>> -> memref<1x40x128xi32, #tpu.memory_space<hbm>>
      %dma_start3A_61 = tpu.memref_squeeze %dma_start3A_60 : memref<1x40x128xi32, #tpu.memory_space<hbm>> -> memref<40x128xi32, #tpu.memory_space<hbm>>
      tpu.enqueue_dma source(%dma_start3A_61 : memref<40x128xi32, #tpu.memory_space<hbm>>) target(%arg6 : memref<40x128xi32, #tpu.memory_space<vmem>>) target_semaphore(%run_scoped3A : memref<!tpu.dma_semaphore, #tpu.memory_space<semaphore_mem>>)
      %dma_wait3A = arith.constant 0 : i32
      %dma_wait3A_62 = arith.constant 0 : i32
      %dma_wait3A_63 = tpu.memref_slice %arg3[%add3A, %dma_wait3A, %dma_wait3A_62] : memref<32x80x128xi32, #tpu.memory_space<hbm>> -> memref<1x40x128xi32, #tpu.memory_space<hbm>>
      %dma_wait3A_64 = tpu.memref_squeeze %dma_wait3A_63 : memref<1x40x128xi32, #tpu.memory_space<hbm>> -> memref<40x128xi32, #tpu.memory_space<hbm>>
      %dma_wait3A_65 = arith.constant 0 : i32
      %dma_wait3A_66 = arith.constant 0 : i32
      %dma_wait3A_67 = tpu.memref_slice %arg3[%add3A, %dma_wait3A_65, %dma_wait3A_66] : memref<32x80x128xi32, #tpu.memory_space<hbm>> -> memref<1x40x128xi32, #tpu.memory_space<hbm>>
      %dma_wait3A_68 = tpu.memref_squeeze %dma_wait3A_67 : memref<1x40x128xi32, #tpu.memory_space<hbm>> -> memref<40x128xi32, #tpu.memory_space<hbm>>
      tpu.wait_dma2 semaphore(%run_scoped3A : memref<!tpu.dma_semaphore, #tpu.memory_space<semaphore_mem>>) src(%dma_wait3A_68 : memref<40x128xi32, #tpu.memory_space<hbm>>) dst(%arg6 : memref<40x128xi32, #tpu.memory_space<vmem>>)
      tpu.yield
    }) : () -> ()
    "tpu.region"() ({
      %run_scoped3A = tpu.sem_alloc : memref<!tpu.dma_semaphore, #tpu.memory_space<semaphore_mem>>
      %dma_start3A_54 = arith.constant 0 : i32
      %dma_start3A_55 = arith.constant 0 : i32
      %dma_start3A_56 = tpu.memref_slice %arg4[%add3A, %dma_start3A_54, %dma_start3A_55] : memref<32x80x128xi32, #tpu.memory_space<hbm>> -> memref<1x40x128xi32, #tpu.memory_space<hbm>>
      %dma_start3A_57 = tpu.memref_squeeze %dma_start3A_56 : memref<1x40x128xi32, #tpu.memory_space<hbm>> -> memref<40x128xi32, #tpu.memory_space<hbm>>
      %dma_start3A_58 = arith.constant 0 : i32
      %dma_start3A_59 = arith.constant 0 : i32
      %dma_start3A_60 = tpu.memref_slice %arg4[%add3A, %dma_start3A_58, %dma_start3A_59] : memref<32x80x128xi32, #tpu.memory_space<hbm>> -> memref<1x40x128xi32, #tpu.memory_space<hbm>>
      %dma_start3A_61 = tpu.memref_squeeze %dma_start3A_60 : memref<1x40x128xi32, #tpu.memory_space<hbm>> -> memref<40x128xi32, #tpu.memory_space<hbm>>
      tpu.enqueue_dma source(%dma_start3A_61 : memref<40x128xi32, #tpu.memory_space<hbm>>) target(%arg7 : memref<40x128xi32, #tpu.memory_space<vmem>>) target_semaphore(%run_scoped3A : memref<!tpu.dma_semaphore, #tpu.memory_space<semaphore_mem>>)
      %dma_wait3A = arith.constant 0 : i32
      %dma_wait3A_62 = arith.constant 0 : i32
      %dma_wait3A_63 = tpu.memref_slice %arg4[%add3A, %dma_wait3A, %dma_wait3A_62] : memref<32x80x128xi32, #tpu.memory_space<hbm>> -> memref<1x40x128xi32, #tpu.memory_space<hbm>>
      %dma_wait3A_64 = tpu.memref_squeeze %dma_wait3A_63 : memref<1x40x128xi32, #tpu.memory_space<hbm>> -> memref<40x128xi32, #tpu.memory_space<hbm>>
      %dma_wait3A_65 = arith.constant 0 : i32
      %dma_wait3A_66 = arith.constant 0 : i32
      %dma_wait3A_67 = tpu.memref_slice %arg4[%add3A, %dma_wait3A_65, %dma_wait3A_66] : memref<32x80x128xi32, #tpu.memory_space<hbm>> -> memref<1x40x128xi32, #tpu.memory_space<hbm>>
      %dma_wait3A_68 = tpu.memref_squeeze %dma_wait3A_67 : memref<1x40x128xi32, #tpu.memory_space<hbm>> -> memref<40x128xi32, #tpu.memory_space<hbm>>
      tpu.wait_dma2 semaphore(%run_scoped3A : memref<!tpu.dma_semaphore, #tpu.memory_space<semaphore_mem>>) src(%dma_wait3A_68 : memref<40x128xi32, #tpu.memory_space<hbm>>) dst(%arg7 : memref<40x128xi32, #tpu.memory_space<vmem>>)
      tpu.yield
    }) : () -> ()
    %dma_start3A = arith.constant 0 : i32
    %dma_start3A_1 = arith.constant 0 : i32
    %dma_start3A_2 = tpu.memref_slice %arg6[%dma_start3A, %dma_start3A_1] : memref<40x128xi32, #tpu.memory_space<vmem>> -> memref<1x128xi32, #tpu.memory_space<vmem>>
    %dma_start3A_3 = tpu.memref_squeeze %dma_start3A_2 : memref<1x128xi32, #tpu.memory_space<vmem>> -> memref<128xi32, #tpu.memory_space<vmem>>
    %dma_start3A_4 = arith.constant 0 : i32
    %dma_start3A_5 = arith.constant 0 : i32
    %dma_start3A_6 = tpu.memref_slice %arg2[%dma_start3A_4, %dma_start3A_5] : memref<10240x128xf32, #tpu.memory_space<hbm>> -> memref<10240x128xf32, #tpu.memory_space<hbm>>
    tpu.enqueue_indirect_dma source(%dma_start3A_6 : memref<10240x128xf32, #tpu.memory_space<hbm>>) target(%arg8 : memref<128x128xf32, #tpu.memory_space<vmem>>) offsets(%dma_start3A_3 : memref<128xi32, #tpu.memory_space<vmem>>) semaphore(%arg11 : memref<!tpu.dma_semaphore, #tpu.memory_space<semaphore_mem>>)
    %broadcast_in_dim3A = arith.constant 0.000000e+00 : f32
    %broadcast_in_dim3A_7 = vector.broadcast %broadcast_in_dim3A : f32 to vector<16xf32>
    %scan3A = arith.constant 0 : i32
    %scan3A_8 = arith.constant 128 : i32
    %scan3A_9 = arith.addi %scan3A, %scan3A_8 : i32
    %scan3A_10 = arith.constant 1 : i32
    scf.for %scan3A_54 = %scan3A to %scan3A_9 step %scan3A_10  : i32 {
      %mul3A_55 = arith.constant 1 : i32
      %mul3A_56 = arith.muli %scan3A_54, %mul3A_55 : i32
      %add3A_57 = arith.constant 0 : i32
      %add3A_58 = arith.addi %add3A_57, %mul3A_56 : i32
      %swap3A = arith.index_cast %add3A_58 : i32 to index
      %swap3A_59 = arith.constant 0 : index
      %swap3A_60 = tpu.vector_load %arg9[%swap3A, %swap3A_59] {strides = array<i32>} : memref<128x128xf32, #tpu.memory_space<vmem>>, vector<1x16xf32>,
      %swap3A_61 = vector.shape_cast %swap3A_60 : vector<1x16xf32> to vector<16xf32>
      %swap3A_62 = vector.shape_cast %broadcast_in_dim3A_7 : vector<16xf32> to vector<1x16xf32>
      tpu.vector_store %arg9[%swap3A, %swap3A_59], %swap3A_62 {strides = array<i32>} : memref<128x128xf32, #tpu.memory_space<vmem>>, vector<1x16xf32>,
      %swap3A_63 = arith.index_cast %add3A_58 : i32 to index
      %swap3A_64 = arith.constant 16 : index
      %swap3A_65 = tpu.vector_load %arg9[%swap3A_63, %swap3A_64] {strides = array<i32>} : memref<128x128xf32, #tpu.memory_space<vmem>>, vector<1x16xf32>,
      %swap3A_66 = vector.shape_cast %swap3A_65 : vector<1x16xf32> to vector<16xf32>
      %swap3A_67 = vector.shape_cast %broadcast_in_dim3A_7 : vector<16xf32> to vector<1x16xf32>
      tpu.vector_store %arg9[%swap3A_63, %swap3A_64], %swap3A_67 {strides = array<i32>} : memref<128x128xf32, #tpu.memory_space<vmem>>, vector<1x16xf32>,
      %swap3A_68 = arith.index_cast %add3A_58 : i32 to index
      %swap3A_69 = arith.constant 32 : index
      %swap3A_70 = tpu.vector_load %arg9[%swap3A_68, %swap3A_69] {strides = array<i32>} : memref<128x128xf32, #tpu.memory_space<vmem>>, vector<1x16xf32>,
      %swap3A_71 = vector.shape_cast %swap3A_70 : vector<1x16xf32> to vector<16xf32>
      %swap3A_72 = vector.shape_cast %broadcast_in_dim3A_7 : vector<16xf32> to vector<1x16xf32>
      tpu.vector_store %arg9[%swap3A_68, %swap3A_69], %swap3A_72 {strides = array<i32>} : memref<128x128xf32, #tpu.memory_space<vmem>>, vector<1x16xf32>,
      %swap3A_73 = arith.index_cast %add3A_58 : i32 to index
      %swap3A_74 = arith.constant 48 : index
      %swap3A_75 = tpu.vector_load %arg9[%swap3A_73, %swap3A_74] {strides = array<i32>} : memref<128x128xf32, #tpu.memory_space<vmem>>, vector<1x16xf32>,
      %swap3A_76 = vector.shape_cast %swap3A_75 : vector<1x16xf32> to vector<16xf32>
      %swap3A_77 = vector.shape_cast %broadcast_in_dim3A_7 : vector<16xf32> to vector<1x16xf32>
      tpu.vector_store %arg9[%swap3A_73, %swap3A_74], %swap3A_77 {strides = array<i32>} : memref<128x128xf32, #tpu.memory_space<vmem>>, vector<1x16xf32>,
      %swap3A_78 = arith.index_cast %add3A_58 : i32 to index
      %swap3A_79 = arith.constant 64 : index
      %swap3A_80 = tpu.vector_load %arg9[%swap3A_78, %swap3A_79] {strides = array<i32>} : memref<128x128xf32, #tpu.memory_space<vmem>>, vector<1x16xf32>,
      %swap3A_81 = vector.shape_cast %swap3A_80 : vector<1x16xf32> to vector<16xf32>
      %swap3A_82 = vector.shape_cast %broadcast_in_dim3A_7 : vector<16xf32> to vector<1x16xf32>
      tpu.vector_store %arg9[%swap3A_78, %swap3A_79], %swap3A_82 {strides = array<i32>} : memref<128x128xf32, #tpu.memory_space<vmem>>, vector<1x16xf32>,
      %swap3A_83 = arith.index_cast %add3A_58 : i32 to index
      %swap3A_84 = arith.constant 80 : index
      %swap3A_85 = tpu.vector_load %arg9[%swap3A_83, %swap3A_84] {strides = array<i32>} : memref<128x128xf32, #tpu.memory_space<vmem>>, vector<1x16xf32>,
      %swap3A_86 = vector.shape_cast %swap3A_85 : vector<1x16xf32> to vector<16xf32>
      %swap3A_87 = vector.shape_cast %broadcast_in_dim3A_7 : vector<16xf32> to vector<1x16xf32>
      tpu.vector_store %arg9[%swap3A_83, %swap3A_84], %swap3A_87 {strides = array<i32>} : memref<128x128xf32, #tpu.memory_space<vmem>>, vector<1x16xf32>,
      %swap3A_88 = arith.index_cast %add3A_58 : i32 to index
      %swap3A_89 = arith.constant 96 : index
      %swap3A_90 = tpu.vector_load %arg9[%swap3A_88, %swap3A_89] {strides = array<i32>} : memref<128x128xf32, #tpu.memory_space<vmem>>, vector<1x16xf32>,
      %swap3A_91 = vector.shape_cast %swap3A_90 : vector<1x16xf32> to vector<16xf32>
      %swap3A_92 = vector.shape_cast %broadcast_in_dim3A_7 : vector<16xf32> to vector<1x16xf32>
      tpu.vector_store %arg9[%swap3A_88, %swap3A_89], %swap3A_92 {strides = array<i32>} : memref<128x128xf32, #tpu.memory_space<vmem>>, vector<1x16xf32>,
      %swap3A_93 = arith.index_cast %add3A_58 : i32 to index
      %swap3A_94 = arith.constant 112 : index
      %swap3A_95 = tpu.vector_load %arg9[%swap3A_93, %swap3A_94] {strides = array<i32>} : memref<128x128xf32, #tpu.memory_space<vmem>>, vector<1x16xf32>,
      %swap3A_96 = vector.shape_cast %swap3A_95 : vector<1x16xf32> to vector<16xf32>
      %swap3A_97 = vector.shape_cast %broadcast_in_dim3A_7 : vector<16xf32> to vector<1x16xf32>
      tpu.vector_store %arg9[%swap3A_93, %swap3A_94], %swap3A_97 {strides = array<i32>} : memref<128x128xf32, #tpu.memory_space<vmem>>, vector<1x16xf32>,
    }
    %scan3A_11 = arith.constant 128 : i32
    %mul3A_12 = arith.constant 640 : i32
    %mul3A_13 = arith.muli %arg1, %mul3A_12 : i32
    %add3A_14 = arith.constant 0 : i32
    %add3A_15 = arith.addi %mul3A_13, %add3A_14 : i32
    "tpu.region"() ({
      %run_scoped3A = tpu.sem_alloc : memref<!tpu.dma_semaphore, #tpu.memory_space<semaphore_mem>>
      %dma_start3A_54 = arith.constant 0 : i32
      %dma_start3A_55 = tpu.memref_slice %arg10[%add3A_15, %dma_start3A_54] : memref<10240x128xf32, #tpu.memory_space<vmem_shared>> -> memref<128x128xf32, #tpu.memory_space<vmem_shared>>
      %dma_start3A_56 = arith.constant 0 : i32
      %dma_start3A_57 = tpu.memref_slice %arg10[%add3A_15, %dma_start3A_56] : memref<10240x128xf32, #tpu.memory_space<vmem_shared>> -> memref<128x128xf32, #tpu.memory_space<vmem_shared>>
      tpu.enqueue_dma source(%arg9 : memref<128x128xf32, #tpu.memory_space<vmem>>) target(%dma_start3A_57 : memref<128x128xf32, #tpu.memory_space<vmem_shared>>) target_semaphore(%run_scoped3A : memref<!tpu.dma_semaphore, #tpu.memory_space<semaphore_mem>>)
      %dma_wait3A = arith.constant 0 : i32
      %dma_wait3A_58 = tpu.memref_slice %arg10[%add3A_15, %dma_wait3A] : memref<10240x128xf32, #tpu.memory_space<vmem_shared>> -> memref<128x128xf32, #tpu.memory_space<vmem_shared>>
      %dma_wait3A_59 = arith.constant 0 : i32
      %dma_wait3A_60 = tpu.memref_slice %arg10[%add3A_15, %dma_wait3A_59] : memref<10240x128xf32, #tpu.memory_space<vmem_shared>> -> memref<128x128xf32, #tpu.memory_space<vmem_shared>>
      tpu.wait_dma2 semaphore(%run_scoped3A : memref<!tpu.dma_semaphore, #tpu.memory_space<semaphore_mem>>) src(%arg9 : memref<128x128xf32, #tpu.memory_space<vmem>>) dst(%dma_wait3A_60 : memref<128x128xf32, #tpu.memory_space<vmem_shared>>)
      tpu.yield
    }) : () -> ()
    %mul3A_16 = arith.constant 640 : i32
    %mul3A_17 = arith.muli %arg1, %mul3A_16 : i32
    %add3A_18 = arith.constant 128 : i32
    %add3A_19 = arith.addi %mul3A_17, %add3A_18 : i32
    "tpu.region"() ({
      %run_scoped3A = tpu.sem_alloc : memref<!tpu.dma_semaphore, #tpu.memory_space<semaphore_mem>>
      %dma_start3A_54 = arith.constant 0 : i32
      %dma_start3A_55 = tpu.memref_slice %arg10[%add3A_19, %dma_start3A_54] : memref<10240x128xf32, #tpu.memory_space<vmem_shared>> -> memref<128x128xf32, #tpu.memory_space<vmem_shared>>
      %dma_start3A_56 = arith.constant 0 : i32
      %dma_start3A_57 = tpu.memref_slice %arg10[%add3A_19, %dma_start3A_56] : memref<10240x128xf32, #tpu.memory_space<vmem_shared>> -> memref<128x128xf32, #tpu.memory_space<vmem_shared>>
      tpu.enqueue_dma source(%arg9 : memref<128x128xf32, #tpu.memory_space<vmem>>) target(%dma_start3A_57 : memref<128x128xf32, #tpu.memory_space<vmem_shared>>) target_semaphore(%run_scoped3A : memref<!tpu.dma_semaphore, #tpu.memory_space<semaphore_mem>>)
      %dma_wait3A = arith.constant 0 : i32
      %dma_wait3A_58 = tpu.memref_slice %arg10[%add3A_19, %dma_wait3A] : memref<10240x128xf32, #tpu.memory_space<vmem_shared>> -> memref<128x128xf32, #tpu.memory_space<vmem_shared>>
      %dma_wait3A_59 = arith.constant 0 : i32
      %dma_wait3A_60 = tpu.memref_slice %arg10[%add3A_19, %dma_wait3A_59] : memref<10240x128xf32, #tpu.memory_space<vmem_shared>> -> memref<128x128xf32, #tpu.memory_space<vmem_shared>>
      tpu.wait_dma2 semaphore(%run_scoped3A : memref<!tpu.dma_semaphore, #tpu.memory_space<semaphore_mem>>) src(%arg9 : memref<128x128xf32, #tpu.memory_space<vmem>>) dst(%dma_wait3A_60 : memref<128x128xf32, #tpu.memory_space<vmem_shared>>)
      tpu.yield
    }) : () -> ()
    %mul3A_20 = arith.constant 640 : i32
    %mul3A_21 = arith.muli %arg1, %mul3A_20 : i32
    %add3A_22 = arith.constant 256 : i32
    %add3A_23 = arith.addi %mul3A_21, %add3A_22 : i32
    "tpu.region"() ({
      %run_scoped3A = tpu.sem_alloc : memref<!tpu.dma_semaphore, #tpu.memory_space<semaphore_mem>>
      %dma_start3A_54 = arith.constant 0 : i32
      %dma_start3A_55 = tpu.memref_slice %arg10[%add3A_23, %dma_start3A_54] : memref<10240x128xf32, #tpu.memory_space<vmem_shared>> -> memref<128x128xf32, #tpu.memory_space<vmem_shared>>
      %dma_start3A_56 = arith.constant 0 : i32
      %dma_start3A_57 = tpu.memref_slice %arg10[%add3A_23, %dma_start3A_56] : memref<10240x128xf32, #tpu.memory_space<vmem_shared>> -> memref<128x128xf32, #tpu.memory_space<vmem_shared>>
      tpu.enqueue_dma source(%arg9 : memref<128x128xf32, #tpu.memory_space<vmem>>) target(%dma_start3A_57 : memref<128x128xf32, #tpu.memory_space<vmem_shared>>) target_semaphore(%run_scoped3A : memref<!tpu.dma_semaphore, #tpu.memory_space<semaphore_mem>>)
      %dma_wait3A = arith.constant 0 : i32
      %dma_wait3A_58 = tpu.memref_slice %arg10[%add3A_23, %dma_wait3A] : memref<10240x128xf32, #tpu.memory_space<vmem_shared>> -> memref<128x128xf32, #tpu.memory_space<vmem_shared>>
      %dma_wait3A_59 = arith.constant 0 : i32
      %dma_wait3A_60 = tpu.memref_slice %arg10[%add3A_23, %dma_wait3A_59] : memref<10240x128xf32, #tpu.memory_space<vmem_shared>> -> memref<128x128xf32, #tpu.memory_space<vmem_shared>>
      tpu.wait_dma2 semaphore(%run_scoped3A : memref<!tpu.dma_semaphore, #tpu.memory_space<semaphore_mem>>) src(%arg9 : memref<128x128xf32, #tpu.memory_space<vmem>>) dst(%dma_wait3A_60 : memref<128x128xf32, #tpu.memory_space<vmem_shared>>)
      tpu.yield
    }) : () -> ()
    %mul3A_24 = arith.constant 640 : i32
    %mul3A_25 = arith.muli %arg1, %mul3A_24 : i32
    %add3A_26 = arith.constant 384 : i32
    %add3A_27 = arith.addi %mul3A_25, %add3A_26 : i32
    "tpu.region"() ({
      %run_scoped3A = tpu.sem_alloc : memref<!tpu.dma_semaphore, #tpu.memory_space<semaphore_mem>>
      %dma_start3A_54 = arith.constant 0 : i32
      %dma_start3A_55 = tpu.memref_slice %arg10[%add3A_27, %dma_start3A_54] : memref<10240x128xf32, #tpu.memory_space<vmem_shared>> -> memref<128x128xf32, #tpu.memory_space<vmem_shared>>
      %dma_start3A_56 = arith.constant 0 : i32
      %dma_start3A_57 = tpu.memref_slice %arg10[%add3A_27, %dma_start3A_56] : memref<10240x128xf32, #tpu.memory_space<vmem_shared>> -> memref<128x128xf32, #tpu.memory_space<vmem_shared>>
      tpu.enqueue_dma source(%arg9 : memref<128x128xf32, #tpu.memory_space<vmem>>) target(%dma_start3A_57 : memref<128x128xf32, #tpu.memory_space<vmem_shared>>) target_semaphore(%run_scoped3A : memref<!tpu.dma_semaphore, #tpu.memory_space<semaphore_mem>>)
      %dma_wait3A = arith.constant 0 : i32
      %dma_wait3A_58 = tpu.memref_slice %arg10[%add3A_27, %dma_wait3A] : memref<10240x128xf32, #tpu.memory_space<vmem_shared>> -> memref<128x128xf32, #tpu.memory_space<vmem_shared>>
      %dma_wait3A_59 = arith.constant 0 : i32
      %dma_wait3A_60 = tpu.memref_slice %arg10[%add3A_27, %dma_wait3A_59] : memref<10240x128xf32, #tpu.memory_space<vmem_shared>> -> memref<128x128xf32, #tpu.memory_space<vmem_shared>>
      tpu.wait_dma2 semaphore(%run_scoped3A : memref<!tpu.dma_semaphore, #tpu.memory_space<semaphore_mem>>) src(%arg9 : memref<128x128xf32, #tpu.memory_space<vmem>>) dst(%dma_wait3A_60 : memref<128x128xf32, #tpu.memory_space<vmem_shared>>)
      tpu.yield
    }) : () -> ()
    %mul3A_28 = arith.constant 640 : i32
    %mul3A_29 = arith.muli %arg1, %mul3A_28 : i32
    %add3A_30 = arith.constant 512 : i32
    %add3A_31 = arith.addi %mul3A_29, %add3A_30 : i32
    "tpu.region"() ({
      %run_scoped3A = tpu.sem_alloc : memref<!tpu.dma_semaphore, #tpu.memory_space<semaphore_mem>>
      %dma_start3A_54 = arith.constant 0 : i32
      %dma_start3A_55 = tpu.memref_slice %arg10[%add3A_31, %dma_start3A_54] : memref<10240x128xf32, #tpu.memory_space<vmem_shared>> -> memref<128x128xf32, #tpu.memory_space<vmem_shared>>
      %dma_start3A_56 = arith.constant 0 : i32
      %dma_start3A_57 = tpu.memref_slice %arg10[%add3A_31, %dma_start3A_56] : memref<10240x128xf32, #tpu.memory_space<vmem_shared>> -> memref<128x128xf32, #tpu.memory_space<vmem_shared>>
      tpu.enqueue_dma source(%arg9 : memref<128x128xf32, #tpu.memory_space<vmem>>) target(%dma_start3A_57 : memref<128x128xf32, #tpu.memory_space<vmem_shared>>) target_semaphore(%run_scoped3A : memref<!tpu.dma_semaphore, #tpu.memory_space<semaphore_mem>>)
      %dma_wait3A = arith.constant 0 : i32
      %dma_wait3A_58 = tpu.memref_slice %arg10[%add3A_31, %dma_wait3A] : memref<10240x128xf32, #tpu.memory_space<vmem_shared>> -> memref<128x128xf32, #tpu.memory_space<vmem_shared>>
      %dma_wait3A_59 = arith.constant 0 : i32
      %dma_wait3A_60 = tpu.memref_slice %arg10[%add3A_31, %dma_wait3A_59] : memref<10240x128xf32, #tpu.memory_space<vmem_shared>> -> memref<128x128xf32, #tpu.memory_space<vmem_shared>>
      tpu.wait_dma2 semaphore(%run_scoped3A : memref<!tpu.dma_semaphore, #tpu.memory_space<semaphore_mem>>) src(%arg9 : memref<128x128xf32, #tpu.memory_space<vmem>>) dst(%dma_wait3A_60 : memref<128x128xf32, #tpu.memory_space<vmem_shared>>)
      tpu.yield
    }) : () -> ()
    %barrier3A = arith.constant 0 : index
    tpu.barrier barrier_id(%barrier3A)
    %scan3A_32 = arith.constant 0 : i32
    %scan3A_33 = arith.constant 20 : i32
    %scan3A_34 = arith.addi %scan3A_32, %scan3A_33 : i32
    %scan3A_35 = arith.constant 1 : i32
    scf.for %scan3A_54 = %scan3A_32 to %scan3A_34 step %scan3A_35  : i32 {
      %mul3A_55 = arith.constant 1 : i32
      %mul3A_56 = arith.muli %scan3A_54, %mul3A_55 : i32
      %add3A_57 = arith.constant 0 : i32
      %add3A_58 = arith.addi %add3A_57, %mul3A_56 : i32
      %mul3A_59 = arith.constant 2 : i32
      %mul3A_60 = arith.muli %mul3A_59, %add3A_58 : i32
      %add3A_61 = arith.constant 1 : i32
      %add3A_62 = arith.addi %mul3A_60, %add3A_61 : i32
      %dma_start3A_63 = arith.constant 0 : i32
      %dma_start3A_64 = tpu.memref_slice %arg6[%add3A_62, %dma_start3A_63] : memref<40x128xi32, #tpu.memory_space<vmem>> -> memref<1x128xi32, #tpu.memory_space<vmem>>
      %dma_start3A_65 = tpu.memref_squeeze %dma_start3A_64 : memref<1x128xi32, #tpu.memory_space<vmem>> -> memref<128xi32, #tpu.memory_space<vmem>>
      %dma_start3A_66 = arith.constant 0 : i32
      %dma_start3A_67 = arith.constant 0 : i32
      %dma_start3A_68 = tpu.memref_slice %arg2[%dma_start3A_66, %dma_start3A_67] : memref<10240x128xf32, #tpu.memory_space<hbm>> -> memref<10240x128xf32, #tpu.memory_space<hbm>>
      tpu.enqueue_indirect_dma source(%dma_start3A_68 : memref<10240x128xf32, #tpu.memory_space<hbm>>) target(%arg9 : memref<128x128xf32, #tpu.memory_space<vmem>>) offsets(%dma_start3A_65 : memref<128xi32, #tpu.memory_space<vmem>>) semaphore(%arg12 : memref<!tpu.dma_semaphore, #tpu.memory_space<semaphore_mem>>)
      %dma_wait3A = arith.constant 0 : i32
      %dma_wait3A_69 = tpu.memref_slice %arg6[%mul3A_60, %dma_wait3A] : memref<40x128xi32, #tpu.memory_space<vmem>> -> memref<1x128xi32, #tpu.memory_space<vmem>>
      %dma_wait3A_70 = tpu.memref_squeeze %dma_wait3A_69 : memref<1x128xi32, #tpu.memory_space<vmem>> -> memref<128xi32, #tpu.memory_space<vmem>>
      %dma_wait3A_71 = arith.constant 0 : i32
      %dma_wait3A_72 = arith.constant 0 : i32
      %dma_wait3A_73 = tpu.memref_slice %arg2[%dma_wait3A_71, %dma_wait3A_72] : memref<10240x128xf32, #tpu.memory_space<hbm>> -> memref<10240x128xf32, #tpu.memory_space<hbm>>
      tpu.wait_indirect_dma semaphore(%arg11 : memref<!tpu.dma_semaphore, #tpu.memory_space<semaphore_mem>>) src(%dma_wait3A_73 : memref<10240x128xf32, #tpu.memory_space<hbm>>) dst(%arg8 : memref<128x128xf32, #tpu.memory_space<vmem>>)
      "tpu.region"() ({
        %run_scoped3A = tpu.sem_alloc : memref<!tpu.dma_semaphore, #tpu.memory_space<semaphore_mem>>
        %dma_start3A_86 = arith.constant 0 : i32
        %dma_start3A_87 = tpu.memref_slice %arg7[%mul3A_60, %dma_start3A_86] : memref<40x128xi32, #tpu.memory_space<vmem>> -> memref<1x128xi32, #tpu.memory_space<vmem>>
        %dma_start3A_88 = tpu.memref_squeeze %dma_start3A_87 : memref<1x128xi32, #tpu.memory_space<vmem>> -> memref<128xi32, #tpu.memory_space<vmem>>
        %dma_start3A_89 = arith.constant 0 : i32
        %dma_start3A_90 = arith.constant 0 : i32
        %dma_start3A_91 = tpu.memref_slice %arg10[%dma_start3A_89, %dma_start3A_90] : memref<10240x128xf32, #tpu.memory_space<vmem_shared>> -> memref<10240x128xf32, #tpu.memory_space<vmem_shared>>
        tpu.enqueue_indirect_dma source(%arg8 : memref<128x128xf32, #tpu.memory_space<vmem>>) target(%dma_start3A_91 : memref<10240x128xf32, #tpu.memory_space<vmem_shared>>) offsets(%dma_start3A_88 : memref<128xi32, #tpu.memory_space<vmem>>) semaphore(%run_scoped3A : memref<!tpu.dma_semaphore, #tpu.memory_space<semaphore_mem>>) {add = true}
        %dma_wait3A_92 = arith.constant 0 : i32
        %dma_wait3A_93 = tpu.memref_slice %arg7[%mul3A_60, %dma_wait3A_92] : memref<40x128xi32, #tpu.memory_space<vmem>> -> memref<1x128xi32, #tpu.memory_space<vmem>>
        %dma_wait3A_94 = tpu.memref_squeeze %dma_wait3A_93 : memref<1x128xi32, #tpu.memory_space<vmem>> -> memref<128xi32, #tpu.memory_space<vmem>>
        %dma_wait3A_95 = arith.constant 0 : i32
        %dma_wait3A_96 = arith.constant 0 : i32
        %dma_wait3A_97 = tpu.memref_slice %arg10[%dma_wait3A_95, %dma_wait3A_96] : memref<10240x128xf32, #tpu.memory_space<vmem_shared>> -> memref<10240x128xf32, #tpu.memory_space<vmem_shared>>
        tpu.wait_indirect_dma semaphore(%run_scoped3A : memref<!tpu.dma_semaphore, #tpu.memory_space<semaphore_mem>>) src(%arg8 : memref<128x128xf32, #tpu.memory_space<vmem>>) dst(%dma_wait3A_97 : memref<10240x128xf32, #tpu.memory_space<vmem_shared>>)
        tpu.yield
      }) : () -> ()
      %lt3A = arith.constant 19 : i32
      %lt3A_74 = arith.cmpi slt, %add3A_58, %lt3A : i32
      %convert_element_type3A = arith.extui %lt3A_74 : i1 to i32
      %cond3A = arith.constant 0 : i32
      %cond3A_75 = arith.cmpi ne, %convert_element_type3A, %cond3A : i32
      scf.if %cond3A_75 {
        %add3A_86 = arith.constant 2 : i32
        %add3A_87 = arith.addi %mul3A_60, %add3A_86 : i32
        %dma_start3A_88 = arith.constant 0 : i32
        %dma_start3A_89 = tpu.memref_slice %arg6[%add3A_87, %dma_start3A_88] : memref<40x128xi32, #tpu.memory_space<vmem>> -> memref<1x128xi32, #tpu.memory_space<vmem>>
        %dma_start3A_90 = tpu.memref_squeeze %dma_start3A_89 : memref<1x128xi32, #tpu.memory_space<vmem>> -> memref<128xi32, #tpu.memory_space<vmem>>
        %dma_start3A_91 = arith.constant 0 : i32
        %dma_start3A_92 = arith.constant 0 : i32
        %dma_start3A_93 = tpu.memref_slice %arg2[%dma_start3A_91, %dma_start3A_92] : memref<10240x128xf32, #tpu.memory_space<hbm>> -> memref<10240x128xf32, #tpu.memory_space<hbm>>
        tpu.enqueue_indirect_dma source(%dma_start3A_93 : memref<10240x128xf32, #tpu.memory_space<hbm>>) target(%arg8 : memref<128x128xf32, #tpu.memory_space<vmem>>) offsets(%dma_start3A_90 : memref<128xi32, #tpu.memory_space<vmem>>) semaphore(%arg11 : memref<!tpu.dma_semaphore, #tpu.memory_space<semaphore_mem>>)
      } else {
      }
      %add3A_76 = arith.constant 1 : i32
      %add3A_77 = arith.addi %mul3A_60, %add3A_76 : i32
      %dma_wait3A_78 = arith.constant 0 : i32
      %dma_wait3A_79 = tpu.memref_slice %arg6[%add3A_77, %dma_wait3A_78] : memref<40x128xi32, #tpu.memory_space<vmem>> -> memref<1x128xi32, #tpu.memory_space<vmem>>
      %dma_wait3A_80 = tpu.memref_squeeze %dma_wait3A_79 : memref<1x128xi32, #tpu.memory_space<vmem>> -> memref<128xi32, #tpu.memory_space<vmem>>
      %dma_wait3A_81 = arith.constant 0 : i32
      %dma_wait3A_82 = arith.constant 0 : i32
      %dma_wait3A_83 = tpu.memref_slice %arg2[%dma_wait3A_81, %dma_wait3A_82] : memref<10240x128xf32, #tpu.memory_space<hbm>> -> memref<10240x128xf32, #tpu.memory_space<hbm>>
      tpu.wait_indirect_dma semaphore(%arg12 : memref<!tpu.dma_semaphore, #tpu.memory_space<semaphore_mem>>) src(%dma_wait3A_83 : memref<10240x128xf32, #tpu.memory_space<hbm>>) dst(%arg9 : memref<128x128xf32, #tpu.memory_space<vmem>>)
      %add3A_84 = arith.constant 1 : i32
      %add3A_85 = arith.addi %mul3A_60, %add3A_84 : i32
      "tpu.region"() ({
        %run_scoped3A = tpu.sem_alloc : memref<!tpu.dma_semaphore, #tpu.memory_space<semaphore_mem>>
        %dma_start3A_86 = arith.constant 0 : i32
        %dma_start3A_87 = tpu.memref_slice %arg7[%add3A_85, %dma_start3A_86] : memref<40x128xi32, #tpu.memory_space<vmem>> -> memref<1x128xi32, #tpu.memory_space<vmem>>
        %dma_start3A_88 = tpu.memref_squeeze %dma_start3A_87 : memref<1x128xi32, #tpu.memory_space<vmem>> -> memref<128xi32, #tpu.memory_space<vmem>>
        %dma_start3A_89 = arith.constant 0 : i32
        %dma_start3A_90 = arith.constant 0 : i32
        %dma_start3A_91 = tpu.memref_slice %arg10[%dma_start3A_89, %dma_start3A_90] : memref<10240x128xf32, #tpu.memory_space<vmem_shared>> -> memref<10240x128xf32, #tpu.memory_space<vmem_shared>>
        tpu.enqueue_indirect_dma source(%arg9 : memref<128x128xf32, #tpu.memory_space<vmem>>) target(%dma_start3A_91 : memref<10240x128xf32, #tpu.memory_space<vmem_shared>>) offsets(%dma_start3A_88 : memref<128xi32, #tpu.memory_space<vmem>>) semaphore(%run_scoped3A : memref<!tpu.dma_semaphore, #tpu.memory_space<semaphore_mem>>) {add = true}
        %dma_wait3A_92 = arith.constant 0 : i32
        %dma_wait3A_93 = tpu.memref_slice %arg7[%add3A_85, %dma_wait3A_92] : memref<40x128xi32, #tpu.memory_space<vmem>> -> memref<1x128xi32, #tpu.memory_space<vmem>>
        %dma_wait3A_94 = tpu.memref_squeeze %dma_wait3A_93 : memref<1x128xi32, #tpu.memory_space<vmem>> -> memref<128xi32, #tpu.memory_space<vmem>>
        %dma_wait3A_95 = arith.constant 0 : i32
        %dma_wait3A_96 = arith.constant 0 : i32
        %dma_wait3A_97 = tpu.memref_slice %arg10[%dma_wait3A_95, %dma_wait3A_96] : memref<10240x128xf32, #tpu.memory_space<vmem_shared>> -> memref<10240x128xf32, #tpu.memory_space<vmem_shared>>
        tpu.wait_indirect_dma semaphore(%run_scoped3A : memref<!tpu.dma_semaphore, #tpu.memory_space<semaphore_mem>>) src(%arg9 : memref<128x128xf32, #tpu.memory_space<vmem>>) dst(%dma_wait3A_97 : memref<10240x128xf32, #tpu.memory_space<vmem_shared>>)
        tpu.yield
      }) : () -> ()
    }
    %scan3A_36 = arith.constant 20 : i32
    "tpu.region"() ({
      %run_scoped3A = tpu.sem_alloc : memref<!tpu.dma_semaphore, #tpu.memory_space<semaphore_mem>>
      %dma_start3A_54 = arith.constant 40 : i32
      %dma_start3A_55 = arith.constant 0 : i32
      %dma_start3A_56 = tpu.memref_slice %arg3[%add3A, %dma_start3A_54, %dma_start3A_55] : memref<32x80x128xi32, #tpu.memory_space<hbm>> -> memref<1x40x128xi32, #tpu.memory_space<hbm>>
      %dma_start3A_57 = tpu.memref_squeeze %dma_start3A_56 : memref<1x40x128xi32, #tpu.memory_space<hbm>> -> memref<40x128xi32, #tpu.memory_space<hbm>>
      %dma_start3A_58 = arith.constant 40 : i32
      %dma_start3A_59 = arith.constant 0 : i32
      %dma_start3A_60 = tpu.memref_slice %arg3[%add3A, %dma_start3A_58, %dma_start3A_59] : memref<32x80x128xi32, #tpu.memory_space<hbm>> -> memref<1x40x128xi32, #tpu.memory_space<hbm>>
      %dma_start3A_61 = tpu.memref_squeeze %dma_start3A_60 : memref<1x40x128xi32, #tpu.memory_space<hbm>> -> memref<40x128xi32, #tpu.memory_space<hbm>>
      tpu.enqueue_dma source(%dma_start3A_61 : memref<40x128xi32, #tpu.memory_space<hbm>>) target(%arg6 : memref<40x128xi32, #tpu.memory_space<vmem>>) target_semaphore(%run_scoped3A : memref<!tpu.dma_semaphore, #tpu.memory_space<semaphore_mem>>)
      %dma_wait3A = arith.constant 40 : i32
      %dma_wait3A_62 = arith.constant 0 : i32
      %dma_wait3A_63 = tpu.memref_slice %arg3[%add3A, %dma_wait3A, %dma_wait3A_62] : memref<32x80x128xi32, #tpu.memory_space<hbm>> -> memref<1x40x128xi32, #tpu.memory_space<hbm>>
      %dma_wait3A_64 = tpu.memref_squeeze %dma_wait3A_63 : memref<1x40x128xi32, #tpu.memory_space<hbm>> -> memref<40x128xi32, #tpu.memory_space<hbm>>
      %dma_wait3A_65 = arith.constant 40 : i32
      %dma_wait3A_66 = arith.constant 0 : i32
      %dma_wait3A_67 = tpu.memref_slice %arg3[%add3A, %dma_wait3A_65, %dma_wait3A_66] : memref<32x80x128xi32, #tpu.memory_space<hbm>> -> memref<1x40x128xi32, #tpu.memory_space<hbm>>
      %dma_wait3A_68 = tpu.memref_squeeze %dma_wait3A_67 : memref<1x40x128xi32, #tpu.memory_space<hbm>> -> memref<40x128xi32, #tpu.memory_space<hbm>>
      tpu.wait_dma2 semaphore(%run_scoped3A : memref<!tpu.dma_semaphore, #tpu.memory_space<semaphore_mem>>) src(%dma_wait3A_68 : memref<40x128xi32, #tpu.memory_space<hbm>>) dst(%arg6 : memref<40x128xi32, #tpu.memory_space<vmem>>)
      tpu.yield
    }) : () -> ()
    "tpu.region"() ({
      %run_scoped3A = tpu.sem_alloc : memref<!tpu.dma_semaphore, #tpu.memory_space<semaphore_mem>>
      %dma_start3A_54 = arith.constant 40 : i32
      %dma_start3A_55 = arith.constant 0 : i32
      %dma_start3A_56 = tpu.memref_slice %arg4[%add3A, %dma_start3A_54, %dma_start3A_55] : memref<32x80x128xi32, #tpu.memory_space<hbm>> -> memref<1x40x128xi32, #tpu.memory_space<hbm>>
      %dma_start3A_57 = tpu.memref_squeeze %dma_start3A_56 : memref<1x40x128xi32, #tpu.memory_space<hbm>> -> memref<40x128xi32, #tpu.memory_space<hbm>>
      %dma_start3A_58 = arith.constant 40 : i32
      %dma_start3A_59 = arith.constant 0 : i32
      %dma_start3A_60 = tpu.memref_slice %arg4[%add3A, %dma_start3A_58, %dma_start3A_59] : memref<32x80x128xi32, #tpu.memory_space<hbm>> -> memref<1x40x128xi32, #tpu.memory_space<hbm>>
      %dma_start3A_61 = tpu.memref_squeeze %dma_start3A_60 : memref<1x40x128xi32, #tpu.memory_space<hbm>> -> memref<40x128xi32, #tpu.memory_space<hbm>>
      tpu.enqueue_dma source(%dma_start3A_61 : memref<40x128xi32, #tpu.memory_space<hbm>>) target(%arg7 : memref<40x128xi32, #tpu.memory_space<vmem>>) target_semaphore(%run_scoped3A : memref<!tpu.dma_semaphore, #tpu.memory_space<semaphore_mem>>)
      %dma_wait3A = arith.constant 40 : i32
      %dma_wait3A_62 = arith.constant 0 : i32
      %dma_wait3A_63 = tpu.memref_slice %arg4[%add3A, %dma_wait3A, %dma_wait3A_62] : memref<32x80x128xi32, #tpu.memory_space<hbm>> -> memref<1x40x128xi32, #tpu.memory_space<hbm>>
      %dma_wait3A_64 = tpu.memref_squeeze %dma_wait3A_63 : memref<1x40x128xi32, #tpu.memory_space<hbm>> -> memref<40x128xi32, #tpu.memory_space<hbm>>
      %dma_wait3A_65 = arith.constant 40 : i32
      %dma_wait3A_66 = arith.constant 0 : i32
      %dma_wait3A_67 = tpu.memref_slice %arg4[%add3A, %dma_wait3A_65, %dma_wait3A_66] : memref<32x80x128xi32, #tpu.memory_space<hbm>> -> memref<1x40x128xi32, #tpu.memory_space<hbm>>
      %dma_wait3A_68 = tpu.memref_squeeze %dma_wait3A_67 : memref<1x40x128xi32, #tpu.memory_space<hbm>> -> memref<40x128xi32, #tpu.memory_space<hbm>>
      tpu.wait_dma2 semaphore(%run_scoped3A : memref<!tpu.dma_semaphore, #tpu.memory_space<semaphore_mem>>) src(%dma_wait3A_68 : memref<40x128xi32, #tpu.memory_space<hbm>>) dst(%arg7 : memref<40x128xi32, #tpu.memory_space<vmem>>)
      tpu.yield
    }) : () -> ()
    %dma_start3A_37 = arith.constant 0 : i32
    %dma_start3A_38 = arith.constant 0 : i32
    %dma_start3A_39 = tpu.memref_slice %arg6[%dma_start3A_37, %dma_start3A_38] : memref<40x128xi32, #tpu.memory_space<vmem>> -> memref<1x128xi32, #tpu.memory_space<vmem>>
    %dma_start3A_40 = tpu.memref_squeeze %dma_start3A_39 : memref<1x128xi32, #tpu.memory_space<vmem>> -> memref<128xi32, #tpu.memory_space<vmem>>
    %dma_start3A_41 = arith.constant 0 : i32
    %dma_start3A_42 = arith.constant 0 : i32
    %dma_start3A_43 = tpu.memref_slice %arg2[%dma_start3A_41, %dma_start3A_42] : memref<10240x128xf32, #tpu.memory_space<hbm>> -> memref<10240x128xf32, #tpu.memory_space<hbm>>
    tpu.enqueue_indirect_dma source(%dma_start3A_43 : memref<10240x128xf32, #tpu.memory_space<hbm>>) target(%arg8 : memref<128x128xf32, #tpu.memory_space<vmem>>) offsets(%dma_start3A_40 : memref<128xi32, #tpu.memory_space<vmem>>) semaphore(%arg11 : memref<!tpu.dma_semaphore, #tpu.memory_space<semaphore_mem>>)
    %scan3A_44 = arith.constant 0 : i32
    %scan3A_45 = arith.constant 20 : i32
    %scan3A_46 = arith.addi %scan3A_44, %scan3A_45 : i32
    %scan3A_47 = arith.constant 1 : i32
    scf.for %scan3A_54 = %scan3A_44 to %scan3A_46 step %scan3A_47  : i32 {
      %mul3A_55 = arith.constant 1 : i32
      %mul3A_56 = arith.muli %scan3A_54, %mul3A_55 : i32
      %add3A_57 = arith.constant 0 : i32
      %add3A_58 = arith.addi %add3A_57, %mul3A_56 : i32
      %mul3A_59 = arith.constant 2 : i32
      %mul3A_60 = arith.muli %mul3A_59, %add3A_58 : i32
      %add3A_61 = arith.constant 1 : i32
      %add3A_62 = arith.addi %mul3A_60, %add3A_61 : i32
      %dma_start3A_63 = arith.constant 0 : i32
      %dma_start3A_64 = tpu.memref_slice %arg6[%add3A_62, %dma_start3A_63] : memref<40x128xi32, #tpu.memory_space<vmem>> -> memref<1x128xi32, #tpu.memory_space<vmem>>
      %dma_start3A_65 = tpu.memref_squeeze %dma_start3A_64 : memref<1x128xi32, #tpu.memory_space<vmem>> -> memref<128xi32, #tpu.memory_space<vmem>>
      %dma_start3A_66 = arith.constant 0 : i32
      %dma_start3A_67 = arith.constant 0 : i32
      %dma_start3A_68 = tpu.memref_slice %arg2[%dma_start3A_66, %dma_start3A_67] : memref<10240x128xf32, #tpu.memory_space<hbm>> -> memref<10240x128xf32, #tpu.memory_space<hbm>>
      tpu.enqueue_indirect_dma source(%dma_start3A_68 : memref<10240x128xf32, #tpu.memory_space<hbm>>) target(%arg9 : memref<128x128xf32, #tpu.memory_space<vmem>>) offsets(%dma_start3A_65 : memref<128xi32, #tpu.memory_space<vmem>>) semaphore(%arg12 : memref<!tpu.dma_semaphore, #tpu.memory_space<semaphore_mem>>)
      %dma_wait3A = arith.constant 0 : i32
      %dma_wait3A_69 = tpu.memref_slice %arg6[%mul3A_60, %dma_wait3A] : memref<40x128xi32, #tpu.memory_space<vmem>> -> memref<1x128xi32, #tpu.memory_space<vmem>>
      %dma_wait3A_70 = tpu.memref_squeeze %dma_wait3A_69 : memref<1x128xi32, #tpu.memory_space<vmem>> -> memref<128xi32, #tpu.memory_space<vmem>>
      %dma_wait3A_71 = arith.constant 0 : i32
      %dma_wait3A_72 = arith.constant 0 : i32
      %dma_wait3A_73 = tpu.memref_slice %arg2[%dma_wait3A_71, %dma_wait3A_72] : memref<10240x128xf32, #tpu.memory_space<hbm>> -> memref<10240x128xf32, #tpu.memory_space<hbm>>
      tpu.wait_indirect_dma semaphore(%arg11 : memref<!tpu.dma_semaphore, #tpu.memory_space<semaphore_mem>>) src(%dma_wait3A_73 : memref<10240x128xf32, #tpu.memory_space<hbm>>) dst(%arg8 : memref<128x128xf32, #tpu.memory_space<vmem>>)
      "tpu.region"() ({
        %run_scoped3A = tpu.sem_alloc : memref<!tpu.dma_semaphore, #tpu.memory_space<semaphore_mem>>
        %dma_start3A_86 = arith.constant 0 : i32
        %dma_start3A_87 = tpu.memref_slice %arg7[%mul3A_60, %dma_start3A_86] : memref<40x128xi32, #tpu.memory_space<vmem>> -> memref<1x128xi32, #tpu.memory_space<vmem>>
        %dma_start3A_88 = tpu.memref_squeeze %dma_start3A_87 : memref<1x128xi32, #tpu.memory_space<vmem>> -> memref<128xi32, #tpu.memory_space<vmem>>
        %dma_start3A_89 = arith.constant 0 : i32
        %dma_start3A_90 = arith.constant 0 : i32
        %dma_start3A_91 = tpu.memref_slice %arg10[%dma_start3A_89, %dma_start3A_90] : memref<10240x128xf32, #tpu.memory_space<vmem_shared>> -> memref<10240x128xf32, #tpu.memory_space<vmem_shared>>
        tpu.enqueue_indirect_dma source(%arg8 : memref<128x128xf32, #tpu.memory_space<vmem>>) target(%dma_start3A_91 : memref<10240x128xf32, #tpu.memory_space<vmem_shared>>) offsets(%dma_start3A_88 : memref<128xi32, #tpu.memory_space<vmem>>) semaphore(%run_scoped3A : memref<!tpu.dma_semaphore, #tpu.memory_space<semaphore_mem>>) {add = true}
        %dma_wait3A_92 = arith.constant 0 : i32
        %dma_wait3A_93 = tpu.memref_slice %arg7[%mul3A_60, %dma_wait3A_92] : memref<40x128xi32, #tpu.memory_space<vmem>> -> memref<1x128xi32, #tpu.memory_space<vmem>>
        %dma_wait3A_94 = tpu.memref_squeeze %dma_wait3A_93 : memref<1x128xi32, #tpu.memory_space<vmem>> -> memref<128xi32, #tpu.memory_space<vmem>>
        %dma_wait3A_95 = arith.constant 0 : i32
        %dma_wait3A_96 = arith.constant 0 : i32
        %dma_wait3A_97 = tpu.memref_slice %arg10[%dma_wait3A_95, %dma_wait3A_96] : memref<10240x128xf32, #tpu.memory_space<vmem_shared>> -> memref<10240x128xf32, #tpu.memory_space<vmem_shared>>
        tpu.wait_indirect_dma semaphore(%run_scoped3A : memref<!tpu.dma_semaphore, #tpu.memory_space<semaphore_mem>>) src(%arg8 : memref<128x128xf32, #tpu.memory_space<vmem>>) dst(%dma_wait3A_97 : memref<10240x128xf32, #tpu.memory_space<vmem_shared>>)
        tpu.yield
      }) : () -> ()
      %lt3A = arith.constant 19 : i32
      %lt3A_74 = arith.cmpi slt, %add3A_58, %lt3A : i32
      %convert_element_type3A = arith.extui %lt3A_74 : i1 to i32
      %cond3A = arith.constant 0 : i32
      %cond3A_75 = arith.cmpi ne, %convert_element_type3A, %cond3A : i32
      scf.if %cond3A_75 {
        %add3A_86 = arith.constant 2 : i32
        %add3A_87 = arith.addi %mul3A_60, %add3A_86 : i32
        %dma_start3A_88 = arith.constant 0 : i32
        %dma_start3A_89 = tpu.memref_slice %arg6[%add3A_87, %dma_start3A_88] : memref<40x128xi32, #tpu.memory_space<vmem>> -> memref<1x128xi32, #tpu.memory_space<vmem>>
        %dma_start3A_90 = tpu.memref_squeeze %dma_start3A_89 : memref<1x128xi32, #tpu.memory_space<vmem>> -> memref<128xi32, #tpu.memory_space<vmem>>
        %dma_start3A_91 = arith.constant 0 : i32
        %dma_start3A_92 = arith.constant 0 : i32
        %dma_start3A_93 = tpu.memref_slice %arg2[%dma_start3A_91, %dma_start3A_92] : memref<10240x128xf32, #tpu.memory_space<hbm>> -> memref<10240x128xf32, #tpu.memory_space<hbm>>
        tpu.enqueue_indirect_dma source(%dma_start3A_93 : memref<10240x128xf32, #tpu.memory_space<hbm>>) target(%arg8 : memref<128x128xf32, #tpu.memory_space<vmem>>) offsets(%dma_start3A_90 : memref<128xi32, #tpu.memory_space<vmem>>) semaphore(%arg11 : memref<!tpu.dma_semaphore, #tpu.memory_space<semaphore_mem>>)
      } else {
      }
      %add3A_76 = arith.constant 1 : i32
      %add3A_77 = arith.addi %mul3A_60, %add3A_76 : i32
      %dma_wait3A_78 = arith.constant 0 : i32
      %dma_wait3A_79 = tpu.memref_slice %arg6[%add3A_77, %dma_wait3A_78] : memref<40x128xi32, #tpu.memory_space<vmem>> -> memref<1x128xi32, #tpu.memory_space<vmem>>
      %dma_wait3A_80 = tpu.memref_squeeze %dma_wait3A_79 : memref<1x128xi32, #tpu.memory_space<vmem>> -> memref<128xi32, #tpu.memory_space<vmem>>
      %dma_wait3A_81 = arith.constant 0 : i32
      %dma_wait3A_82 = arith.constant 0 : i32
      %dma_wait3A_83 = tpu.memref_slice %arg2[%dma_wait3A_81, %dma_wait3A_82] : memref<10240x128xf32, #tpu.memory_space<hbm>> -> memref<10240x128xf32, #tpu.memory_space<hbm>>
      tpu.wait_indirect_dma semaphore(%arg12 : memref<!tpu.dma_semaphore, #tpu.memory_space<semaphore_mem>>) src(%dma_wait3A_83 : memref<10240x128xf32, #tpu.memory_space<hbm>>) dst(%arg9 : memref<128x128xf32, #tpu.memory_space<vmem>>)
      %add3A_84 = arith.constant 1 : i32
      %add3A_85 = arith.addi %mul3A_60, %add3A_84 : i32
      "tpu.region"() ({
        %run_scoped3A = tpu.sem_alloc : memref<!tpu.dma_semaphore, #tpu.memory_space<semaphore_mem>>
        %dma_start3A_86 = arith.constant 0 : i32
        %dma_start3A_87 = tpu.memref_slice %arg7[%add3A_85, %dma_start3A_86] : memref<40x128xi32, #tpu.memory_space<vmem>> -> memref<1x128xi32, #tpu.memory_space<vmem>>
        %dma_start3A_88 = tpu.memref_squeeze %dma_start3A_87 : memref<1x128xi32, #tpu.memory_space<vmem>> -> memref<128xi32, #tpu.memory_space<vmem>>
        %dma_start3A_89 = arith.constant 0 : i32
        %dma_start3A_90 = arith.constant 0 : i32
        %dma_start3A_91 = tpu.memref_slice %arg10[%dma_start3A_89, %dma_start3A_90] : memref<10240x128xf32, #tpu.memory_space<vmem_shared>> -> memref<10240x128xf32, #tpu.memory_space<vmem_shared>>
        tpu.enqueue_indirect_dma source(%arg9 : memref<128x128xf32, #tpu.memory_space<vmem>>) target(%dma_start3A_91 : memref<10240x128xf32, #tpu.memory_space<vmem_shared>>) offsets(%dma_start3A_88 : memref<128xi32, #tpu.memory_space<vmem>>) semaphore(%run_scoped3A : memref<!tpu.dma_semaphore, #tpu.memory_space<semaphore_mem>>) {add = true}
        %dma_wait3A_92 = arith.constant 0 : i32
        %dma_wait3A_93 = tpu.memref_slice %arg7[%add3A_85, %dma_wait3A_92] : memref<40x128xi32, #tpu.memory_space<vmem>> -> memref<1x128xi32, #tpu.memory_space<vmem>>
        %dma_wait3A_94 = tpu.memref_squeeze %dma_wait3A_93 : memref<1x128xi32, #tpu.memory_space<vmem>> -> memref<128xi32, #tpu.memory_space<vmem>>
        %dma_wait3A_95 = arith.constant 0 : i32
        %dma_wait3A_96 = arith.constant 0 : i32
        %dma_wait3A_97 = tpu.memref_slice %arg10[%dma_wait3A_95, %dma_wait3A_96] : memref<10240x128xf32, #tpu.memory_space<vmem_shared>> -> memref<10240x128xf32, #tpu.memory_space<vmem_shared>>
        tpu.wait_indirect_dma semaphore(%run_scoped3A : memref<!tpu.dma_semaphore, #tpu.memory_space<semaphore_mem>>) src(%arg9 : memref<128x128xf32, #tpu.memory_space<vmem>>) dst(%dma_wait3A_97 : memref<10240x128xf32, #tpu.memory_space<vmem_shared>>)
        tpu.yield
      }) : () -> ()
    }
    %scan3A_48 = arith.constant 20 : i32
    %barrier3A_49 = arith.constant 0 : index
    tpu.barrier barrier_id(%barrier3A_49)
    %mul3A_50 = arith.constant 640 : i32
    %mul3A_51 = arith.muli %arg1, %mul3A_50 : i32
    %mul3A_52 = arith.constant 640 : i32
    %mul3A_53 = arith.muli %arg1, %mul3A_52 : i32
    "tpu.region"() ({
      %run_scoped3A = tpu.sem_alloc : memref<!tpu.dma_semaphore, #tpu.memory_space<semaphore_mem>>
      %dma_start3A_54 = arith.constant 0 : i32
      %dma_start3A_55 = tpu.memref_slice %arg5[%arg0, %mul3A_53, %dma_start3A_54] : memref<2x10240x128xf32, #tpu.memory_space<hbm>> -> memref<1x640x128xf32, #tpu.memory_space<hbm>>
      %dma_start3A_56 = tpu.memref_squeeze %dma_start3A_55 : memref<1x640x128xf32, #tpu.memory_space<hbm>> -> memref<640x128xf32, #tpu.memory_space<hbm>>
      %dma_start3A_57 = arith.constant 0 : i32
      %dma_start3A_58 = tpu.memref_slice %arg10[%mul3A_51, %dma_start3A_57] : memref<10240x128xf32, #tpu.memory_space<vmem_shared>> -> memref<640x128xf32, #tpu.memory_space<vmem_shared>>
      tpu.enqueue_dma source(%dma_start3A_58 : memref<640x128xf32, #tpu.memory_space<vmem_shared>>) target(%dma_start3A_56 : memref<640x128xf32, #tpu.memory_space<hbm>>) target_semaphore(%run_scoped3A : memref<!tpu.dma_semaphore, #tpu.memory_space<semaphore_mem>>)
      %dma_wait3A = arith.constant 0 : i32
      %dma_wait3A_59 = tpu.memref_slice %arg5[%arg0, %mul3A_53, %dma_wait3A] : memref<2x10240x128xf32, #tpu.memory_space<hbm>> -> memref<1x640x128xf32, #tpu.memory_space<hbm>>
      %dma_wait3A_60 = tpu.memref_squeeze %dma_wait3A_59 : memref<1x640x128xf32, #tpu.memory_space<hbm>> -> memref<640x128xf32, #tpu.memory_space<hbm>>
      %dma_wait3A_61 = arith.constant 0 : i32
      %dma_wait3A_62 = tpu.memref_slice %arg10[%mul3A_51, %dma_wait3A_61] : memref<10240x128xf32, #tpu.memory_space<vmem_shared>> -> memref<640x128xf32, #tpu.memory_space<vmem_shared>>
      tpu.wait_dma2 semaphore(%run_scoped3A : memref<!tpu.dma_semaphore, #tpu.memory_space<semaphore_mem>>) src(%dma_wait3A_62 : memref<640x128xf32, #tpu.memory_space<vmem_shared>>) dst(%dma_wait3A_60 : memref<640x128xf32, #tpu.memory_space<hbm>>)
      tpu.yield
    }) : () -> ()
    return
  }
}

module attributes {stable_mosaic.version = 14 : i64} {
  func.func @_mlp_body(%arg0: i32, %arg1: memref<5120x128xf32, #tpu.memory_space<vmem>>, %arg2: memref<2x5120x128xf32, #tpu.memory_space<vmem>>, %arg3: memref<128x128xf32, #tpu.memory_space<vmem>>, %arg4: memref<1x128xf32, #tpu.memory_space<vmem>>, %arg5: memref<128x128xf32, #tpu.memory_space<vmem>>, %arg6: memref<1x128xf32, #tpu.memory_space<vmem>>, %arg7: memref<5120x128xf32, #tpu.memory_space<vmem>>, %arg8: memref<1x128xf32, #tpu.memory_space<vmem>>) attributes {dimension_semantics = [#tpu.dimension_semantics<arbitrary>], iteration_bounds = array<i64: 2>, scalar_prefetch = 0 : i64, scratch_operands = 0 : i64, tpu.core_type = #tpu.core_type<tc>, window_params = [{transform_indices = @transform_0, window_bounds = array<i64: 5120, 128>}, {transform_indices = @transform_1, window_bounds = array<i64: 2, 5120, 128>}, {pipeline_mode = #tpu.pipeline_mode<synchronous>, transform_indices = @transform_2, window_bounds = array<i64: 128, 128>}, {pipeline_mode = #tpu.pipeline_mode<synchronous>, transform_indices = @transform_3, window_bounds = array<i64: 1, 128>}, {pipeline_mode = #tpu.pipeline_mode<synchronous>, transform_indices = @transform_4, window_bounds = array<i64: 128, 128>}, {pipeline_mode = #tpu.pipeline_mode<synchronous>, transform_indices = @transform_5, window_bounds = array<i64: 1, 128>}, {transform_indices = @transform_6, window_bounds = array<i64: 5120, 128>}, {pipeline_mode = #tpu.pipeline_mode<synchronous>, transform_indices = @transform_7, window_bounds = array<i64: 1, 128>}]} {
    %get3A = arith.constant 0 : index
    %get3A_0 = arith.constant 0 : index
    %get3A_1 = vector.load %arg1[%get3A, %get3A_0] : memref<5120x128xf32, #tpu.memory_space<vmem>>, vector<5120x128xf32>
    %get3A_2 = arith.constant 0 : index
    %get3A_3 = arith.constant 0 : index
    %get3A_4 = arith.constant 0 : index
    %get3A_5 = vector.load %arg2[%get3A_2, %get3A_3, %get3A_4] : memref<2x5120x128xf32, #tpu.memory_space<vmem>>, vector<1x5120x128xf32>
    %get3A_6 = vector.shape_cast %get3A_5 : vector<1x5120x128xf32> to vector<5120x128xf32>
    %add3A = arith.addf %get3A_1, %get3A_6 : vector<5120x128xf32>
    %get3A_7 = arith.constant 1 : index
    %get3A_8 = arith.constant 0 : index
    %get3A_9 = arith.constant 0 : index
    %get3A_10 = vector.load %arg2[%get3A_7, %get3A_8, %get3A_9] : memref<2x5120x128xf32, #tpu.memory_space<vmem>>, vector<1x5120x128xf32>
    %get3A_11 = vector.shape_cast %get3A_10 : vector<1x5120x128xf32> to vector<5120x128xf32>
    %add3A_12 = arith.addf %add3A, %get3A_11 : vector<5120x128xf32>
    %get3A_13 = arith.constant 0 : index
    %get3A_14 = arith.constant 0 : index
    %get3A_15 = vector.load %arg3[%get3A_13, %get3A_14] : memref<128x128xf32, #tpu.memory_space<vmem>>, vector<128x128xf32>
    %dot_general3A = arith.constant dense<0.000000e+00> : vector<5120x128xf32>
    %dot_general3A_16 = tpu.matmul %add3A_12, %get3A_15, %dot_general3A {dimension_numbers = #tpu.dot_dimension_numbers<[1], [0], [0], [1], [0, 0, 1, 1], [], []>, transpose_lhs_hint = false} : vector<5120x128xf32>, vector<128x128xf32>, vector<5120x128xf32> -> vector<5120x128xf32>
    %get3A_17 = arith.constant 0 : index
    %get3A_18 = arith.constant 0 : index
    %get3A_19 = vector.load %arg4[%get3A_17, %get3A_18] : memref<1x128xf32, #tpu.memory_space<vmem>>, vector<1x128xf32>
    %add3A_20 = vector.broadcast %get3A_19 : vector<1x128xf32> to vector<5120x128xf32>
    %add3A_21 = arith.addf %dot_general3A_16, %add3A_20 : vector<5120x128xf32>
    %max3A = arith.constant 0.000000e+00 : f32
    %max3A_22 = vector.broadcast %max3A : f32 to vector<5120x128xf32>
    %max3A_23 = arith.maximumf %add3A_21, %max3A_22 : vector<5120x128xf32>
    %get3A_24 = arith.constant 0 : index
    %get3A_25 = arith.constant 0 : index
    %get3A_26 = vector.load %arg5[%get3A_24, %get3A_25] : memref<128x128xf32, #tpu.memory_space<vmem>>, vector<128x128xf32>
    %dot_general3A_27 = arith.constant dense<0.000000e+00> : vector<5120x128xf32>
    %dot_general3A_28 = tpu.matmul %max3A_23, %get3A_26, %dot_general3A_27 {dimension_numbers = #tpu.dot_dimension_numbers<[1], [0], [0], [1], [0, 0, 1, 1], [], []>, transpose_lhs_hint = false} : vector<5120x128xf32>, vector<128x128xf32>, vector<5120x128xf32> -> vector<5120x128xf32>
    %get3A_29 = arith.constant 0 : index
    %get3A_30 = arith.constant 0 : index
    %get3A_31 = vector.load %arg6[%get3A_29, %get3A_30] : memref<1x128xf32, #tpu.memory_space<vmem>>, vector<1x128xf32>
    %add3A_32 = vector.broadcast %get3A_31 : vector<1x128xf32> to vector<5120x128xf32>
    %add3A_33 = arith.addf %dot_general3A_28, %add3A_32 : vector<5120x128xf32>
    %swap3A = arith.constant 0 : index
    %swap3A_34 = arith.constant 0 : index
    %swap3A_35 = vector.load %arg7[%swap3A, %swap3A_34] : memref<5120x128xf32, #tpu.memory_space<vmem>>, vector<5120x128xf32>
    tpu.vector_store %arg7[%swap3A, %swap3A_34], %add3A_33 {strides = array<i32>} : memref<5120x128xf32, #tpu.memory_space<vmem>>, vector<5120x128xf32>,
    %mul3A = arith.constant 5120 : i32
    %mul3A_36 = arith.muli %arg0, %mul3A : i32
    %iota3A = tpu.iota {dimensions = array<i32: 0>} : vector<5120x1xi32>
    %add3A_37 = vector.broadcast %mul3A_36 : i32 to vector<5120x1xi32>
    %add3A_38 = arith.addi %add3A_37, %iota3A : vector<5120x1xi32>
    %lt3A = arith.constant 10000 : i32
    %lt3A_39 = vector.broadcast %lt3A : i32 to vector<5120x1xi32>
    %lt3A_40 = arith.cmpi slt, %add3A_38, %lt3A_39 : vector<5120x1xi32>
    %jit3A = arith.constant 0.000000e+00 : f32
    %broadcast_in_dim3A = vector.shape_cast %lt3A_40 : vector<5120x1xi1> to vector<5120x1xi1>
    %broadcast_in_dim3A_41 = vector.broadcast %broadcast_in_dim3A : vector<5120x1xi1> to vector<5120x128xi1>
    %broadcast_in_dim3A_42 = vector.broadcast %jit3A : f32 to vector<5120x128xf32>
    %select_n3A = arith.select %broadcast_in_dim3A_41, %add3A_33, %broadcast_in_dim3A_42 : vector<5120x128xi1>, vector<5120x128xf32>
    %reduce_sum3A = arith.constant dense<0.000000e+00> : vector<128xf32>
    %reduce_sum3A_43 = vector.multi_reduction <add>, %select_n3A, %reduce_sum3A [0] : vector<5120x128xf32> to vector<128xf32>
    %broadcast_in_dim3A_44 = vector.shape_cast %reduce_sum3A_43 : vector<128xf32> to vector<1x128xf32>
    %eq3A = arith.constant 0 : i32
    %eq3A_45 = arith.cmpi eq, %arg0, %eq3A : i32
    %convert_element_type3A = arith.extui %eq3A_45 : i1 to i32
    %cond3A = arith.constant 0 : i32
    %cond3A_46 = arith.cmpi ne, %convert_element_type3A, %cond3A : i32
    scf.if %cond3A_46 {
      %swap3A_51 = arith.constant 0 : index
      %swap3A_52 = arith.constant 0 : index
      %swap3A_53 = vector.load %arg8[%swap3A_51, %swap3A_52] : memref<1x128xf32, #tpu.memory_space<vmem>>, vector<1x128xf32>
      tpu.vector_store %arg8[%swap3A_51, %swap3A_52], %broadcast_in_dim3A_44 {strides = array<i32>} : memref<1x128xf32, #tpu.memory_space<vmem>>, vector<1x128xf32>,
    } else {
    }
    %ne3A = arith.constant 0 : i32
    %ne3A_47 = arith.cmpi ne, %arg0, %ne3A : i32
    %convert_element_type3A_48 = arith.extui %ne3A_47 : i1 to i32
    %cond3A_49 = arith.constant 0 : i32
    %cond3A_50 = arith.cmpi ne, %convert_element_type3A_48, %cond3A_49 : i32
    scf.if %cond3A_50 {
      %get3A_51 = arith.constant 0 : index
      %get3A_52 = arith.constant 0 : index
      %get3A_53 = vector.load %arg8[%get3A_51, %get3A_52] : memref<1x128xf32, #tpu.memory_space<vmem>>, vector<1x128xf32>
      %add3A_54 = arith.addf %get3A_53, %broadcast_in_dim3A_44 : vector<1x128xf32>
      %swap3A_55 = arith.constant 0 : index
      %swap3A_56 = arith.constant 0 : index
      %swap3A_57 = vector.load %arg8[%swap3A_55, %swap3A_56] : memref<1x128xf32, #tpu.memory_space<vmem>>, vector<1x128xf32>
      tpu.vector_store %arg8[%swap3A_55, %swap3A_56], %add3A_54 {strides = array<i32>} : memref<1x128xf32, #tpu.memory_space<vmem>>, vector<1x128xf32>,
    } else {
    }
    return
  }
  func.func @transform_0(%arg0: i32) -> (i32, i32) {
    %c0_i32 = arith.constant 0 : i32
    %c0_i32_0 = arith.constant 0 : i32
    return %arg0, %c0_i32 : i32, i32
  }
  func.func @transform_1(%arg0: i32) -> (i32, i32, i32) {
    %c0_i32 = arith.constant 0 : i32
    %c0_i32_0 = arith.constant 0 : i32
    %c0_i32_1 = arith.constant 0 : i32
    return %c0_i32, %arg0, %c0_i32_0 : i32, i32, i32
  }
  func.func @transform_2(%arg0: i32) -> (i32, i32) {
    %c0_i32 = arith.constant 0 : i32
    %c0_i32_0 = arith.constant 0 : i32
    %c0_i32_1 = arith.constant 0 : i32
    return %c0_i32, %c0_i32_0 : i32, i32
  }
  func.func @transform_3(%arg0: i32) -> (i32, i32) {
    %c0_i32 = arith.constant 0 : i32
    %c0_i32_0 = arith.constant 0 : i32
    %c0_i32_1 = arith.constant 0 : i32
    return %c0_i32, %c0_i32_0 : i32, i32
  }
  func.func @transform_4(%arg0: i32) -> (i32, i32) {
    %c0_i32 = arith.constant 0 : i32
    %c0_i32_0 = arith.constant 0 : i32
    %c0_i32_1 = arith.constant 0 : i32
    return %c0_i32, %c0_i32_0 : i32, i32
  }
  func.func @transform_5(%arg0: i32) -> (i32, i32) {
    %c0_i32 = arith.constant 0 : i32
    %c0_i32_0 = arith.constant 0 : i32
    %c0_i32_1 = arith.constant 0 : i32
    return %c0_i32, %c0_i32_0 : i32, i32
  }
  func.func @transform_6(%arg0: i32) -> (i32, i32) {
    %c0_i32 = arith.constant 0 : i32
    %c0_i32_0 = arith.constant 0 : i32
    return %arg0, %c0_i32 : i32, i32
  }
  func.func @transform_7(%arg0: i32) -> (i32, i32) {
    %c0_i32 = arith.constant 0 : i32
    %c0_i32_0 = arith.constant 0 : i32
    %c0_i32_1 = arith.constant 0 : i32
    return %c0_i32, %c0_i32_0 : i32, i32
  }
}

module attributes {stable_mosaic.version = 14 : i64} {
  func.func @_final_body(%arg0: i32, %arg1: memref<5120x128xf32, #tpu.memory_space<vmem>>, %arg2: memref<2x5120x128xf32, #tpu.memory_space<vmem>>, %arg3: memref<128x128xf32, #tpu.memory_space<vmem>>, %arg4: memref<1x128xf32, #tpu.memory_space<vmem>>, %arg5: memref<128x128xf32, #tpu.memory_space<vmem>>, %arg6: memref<1x128xf32, #tpu.memory_space<vmem>>, %arg7: memref<5120x128xf32, #tpu.memory_space<vmem>>, %arg8: memref<384x512xf32, #tpu.memory_space<vmem>>, %arg9: memref<1x512xf32, #tpu.memory_space<vmem>>, %arg10: memref<512x8xf32, #tpu.memory_space<vmem>>, %arg11: memref<1x8xf32, #tpu.memory_space<vmem>>, %arg12: memref<1x128xf32, #tpu.memory_space<vmem>>, %arg13: memref<1x128xf32, #tpu.memory_space<vmem>>, %arg14: memref<384x128xf32, #tpu.memory_space<vmem>>, %arg15: memref<1x128xf32, #tpu.memory_space<vmem>>, %arg16: memref<128x8xf32, #tpu.memory_space<vmem>>, %arg17: memref<1x8xf32, #tpu.memory_space<vmem>>, %arg18: memref<5120x8xf32, #tpu.memory_space<vmem>>, %arg19: memref<1x8xf32, #tpu.memory_space<vmem>>, %arg20: memref<1x128xf32, #tpu.memory_space<vmem>>) attributes {dimension_semantics = [#tpu.dimension_semantics<arbitrary>], iteration_bounds = array<i64: 2>, scalar_prefetch = 0 : i64, scratch_operands = 1 : i64, tpu.core_type = #tpu.core_type<tc>, window_params = [{transform_indices = @transform_0, window_bounds = array<i64: 5120, 128>}, {transform_indices = @transform_1, window_bounds = array<i64: 2, 5120, 128>}, {pipeline_mode = #tpu.pipeline_mode<synchronous>, transform_indices = @transform_2, window_bounds = array<i64: 128, 128>}, {pipeline_mode = #tpu.pipeline_mode<synchronous>, transform_indices = @transform_3, window_bounds = array<i64: 1, 128>}, {pipeline_mode = #tpu.pipeline_mode<synchronous>, transform_indices = @transform_4, window_bounds = array<i64: 128, 128>}, {pipeline_mode = #tpu.pipeline_mode<synchronous>, transform_indices = @transform_5, window_bounds = array<i64: 1, 128>}, {transform_indices = @transform_6, window_bounds = array<i64: 5120, 128>}, {pipeline_mode = #tpu.pipeline_mode<synchronous>, transform_indices = @transform_7, window_bounds = array<i64: 384, 512>}, {pipeline_mode = #tpu.pipeline_mode<synchronous>, transform_indices = @transform_8, window_bounds = array<i64: 1, 512>}, {pipeline_mode = #tpu.pipeline_mode<synchronous>, transform_indices = @transform_9, window_bounds = array<i64: 512, 8>}, {pipeline_mode = #tpu.pipeline_mode<synchronous>, transform_indices = @transform_10, window_bounds = array<i64: 1, 8>}, {pipeline_mode = #tpu.pipeline_mode<synchronous>, transform_indices = @transform_11, window_bounds = array<i64: 1, 128>}, {pipeline_mode = #tpu.pipeline_mode<synchronous>, transform_indices = @transform_12, window_bounds = array<i64: 1, 128>}, {pipeline_mode = #tpu.pipeline_mode<synchronous>, transform_indices = @transform_13, window_bounds = array<i64: 384, 128>}, {pipeline_mode = #tpu.pipeline_mode<synchronous>, transform_indices = @transform_14, window_bounds = array<i64: 1, 128>}, {pipeline_mode = #tpu.pipeline_mode<synchronous>, transform_indices = @transform_15, window_bounds = array<i64: 128, 8>}, {pipeline_mode = #tpu.pipeline_mode<synchronous>, transform_indices = @transform_16, window_bounds = array<i64: 1, 8>}, {transform_indices = @transform_17, window_bounds = array<i64: 5120, 8>}, {pipeline_mode = #tpu.pipeline_mode<synchronous>, transform_indices = @transform_18, window_bounds = array<i64: 1, 8>}]} {
    %get3A = arith.constant 0 : index
    %get3A_0 = arith.constant 0 : index
    %get3A_1 = vector.load %arg1[%get3A, %get3A_0] : memref<5120x128xf32, #tpu.memory_space<vmem>>, vector<5120x128xf32>
    %get3A_2 = arith.constant 0 : index
    %get3A_3 = arith.constant 0 : index
    %get3A_4 = arith.constant 0 : index
    %get3A_5 = vector.load %arg2[%get3A_2, %get3A_3, %get3A_4] : memref<2x5120x128xf32, #tpu.memory_space<vmem>>, vector<1x5120x128xf32>
    %get3A_6 = vector.shape_cast %get3A_5 : vector<1x5120x128xf32> to vector<5120x128xf32>
    %add3A = arith.addf %get3A_1, %get3A_6 : vector<5120x128xf32>
    %get3A_7 = arith.constant 1 : index
    %get3A_8 = arith.constant 0 : index
    %get3A_9 = arith.constant 0 : index
    %get3A_10 = vector.load %arg2[%get3A_7, %get3A_8, %get3A_9] : memref<2x5120x128xf32, #tpu.memory_space<vmem>>, vector<1x5120x128xf32>
    %get3A_11 = vector.shape_cast %get3A_10 : vector<1x5120x128xf32> to vector<5120x128xf32>
    %add3A_12 = arith.addf %add3A, %get3A_11 : vector<5120x128xf32>
    %get3A_13 = arith.constant 0 : index
    %get3A_14 = arith.constant 0 : index
    %get3A_15 = vector.load %arg3[%get3A_13, %get3A_14] : memref<128x128xf32, #tpu.memory_space<vmem>>, vector<128x128xf32>
    %dot_general3A = arith.constant dense<0.000000e+00> : vector<5120x128xf32>
    %dot_general3A_16 = tpu.matmul %add3A_12, %get3A_15, %dot_general3A {dimension_numbers = #tpu.dot_dimension_numbers<[1], [0], [0], [1], [0, 0, 1, 1], [], []>, transpose_lhs_hint = false} : vector<5120x128xf32>, vector<128x128xf32>, vector<5120x128xf32> -> vector<5120x128xf32>
    %get3A_17 = arith.constant 0 : index
    %get3A_18 = arith.constant 0 : index
    %get3A_19 = vector.load %arg4[%get3A_17, %get3A_18] : memref<1x128xf32, #tpu.memory_space<vmem>>, vector<1x128xf32>
    %add3A_20 = vector.broadcast %get3A_19 : vector<1x128xf32> to vector<5120x128xf32>
    %add3A_21 = arith.addf %dot_general3A_16, %add3A_20 : vector<5120x128xf32>
    %max3A = arith.constant 0.000000e+00 : f32
    %max3A_22 = vector.broadcast %max3A : f32 to vector<5120x128xf32>
    %max3A_23 = arith.maximumf %add3A_21, %max3A_22 : vector<5120x128xf32>
    %get3A_24 = arith.constant 0 : index
    %get3A_25 = arith.constant 0 : index
    %get3A_26 = vector.load %arg5[%get3A_24, %get3A_25] : memref<128x128xf32, #tpu.memory_space<vmem>>, vector<128x128xf32>
    %dot_general3A_27 = arith.constant dense<0.000000e+00> : vector<5120x128xf32>
    %dot_general3A_28 = tpu.matmul %max3A_23, %get3A_26, %dot_general3A_27 {dimension_numbers = #tpu.dot_dimension_numbers<[1], [0], [0], [1], [0, 0, 1, 1], [], []>, transpose_lhs_hint = false} : vector<5120x128xf32>, vector<128x128xf32>, vector<5120x128xf32> -> vector<5120x128xf32>
    %get3A_29 = arith.constant 0 : index
    %get3A_30 = arith.constant 0 : index
    %get3A_31 = vector.load %arg6[%get3A_29, %get3A_30] : memref<1x128xf32, #tpu.memory_space<vmem>>, vector<1x128xf32>
    %add3A_32 = vector.broadcast %get3A_31 : vector<1x128xf32> to vector<5120x128xf32>
    %add3A_33 = arith.addf %dot_general3A_28, %add3A_32 : vector<5120x128xf32>
    %mul3A = arith.constant 5120 : i32
    %mul3A_34 = arith.muli %arg0, %mul3A : i32
    %iota3A = tpu.iota {dimensions = array<i32: 0>} : vector<5120x1xi32>
    %add3A_35 = vector.broadcast %mul3A_34 : i32 to vector<5120x1xi32>
    %add3A_36 = arith.addi %add3A_35, %iota3A : vector<5120x1xi32>
    %lt3A = arith.constant 10000 : i32
    %lt3A_37 = vector.broadcast %lt3A : i32 to vector<5120x1xi32>
    %lt3A_38 = arith.cmpi slt, %add3A_36, %lt3A_37 : vector<5120x1xi32>
    %jit3A = arith.constant 0.000000e+00 : f32
    %broadcast_in_dim3A = vector.shape_cast %lt3A_38 : vector<5120x1xi1> to vector<5120x1xi1>
    %broadcast_in_dim3A_39 = vector.broadcast %broadcast_in_dim3A : vector<5120x1xi1> to vector<5120x128xi1>
    %broadcast_in_dim3A_40 = vector.broadcast %jit3A : f32 to vector<5120x128xf32>
    %select_n3A = arith.select %broadcast_in_dim3A_39, %add3A_33, %broadcast_in_dim3A_40 : vector<5120x128xi1>, vector<5120x128xf32>
    %reduce_sum3A = arith.constant dense<0.000000e+00> : vector<128xf32>
    %reduce_sum3A_41 = vector.multi_reduction <add>, %select_n3A, %reduce_sum3A [0] : vector<5120x128xf32> to vector<128xf32>
    %broadcast_in_dim3A_42 = vector.shape_cast %reduce_sum3A_41 : vector<128xf32> to vector<1x128xf32>
    %eq3A = arith.constant 0 : i32
    %eq3A_43 = arith.cmpi eq, %arg0, %eq3A : i32
    %convert_element_type3A = arith.extui %eq3A_43 : i1 to i32
    %cond3A = arith.constant 0 : i32
    %cond3A_44 = arith.cmpi ne, %convert_element_type3A, %cond3A : i32
    scf.if %cond3A_44 {
      %swap3A_85 = arith.constant 0 : index
      %swap3A_86 = arith.constant 0 : index
      %swap3A_87 = vector.load %arg20[%swap3A_85, %swap3A_86] : memref<1x128xf32, #tpu.memory_space<vmem>>, vector<1x128xf32>
      tpu.vector_store %arg20[%swap3A_85, %swap3A_86], %broadcast_in_dim3A_42 {strides = array<i32>} : memref<1x128xf32, #tpu.memory_space<vmem>>, vector<1x128xf32>,
    } else {
    }
    %ne3A = arith.constant 0 : i32
    %ne3A_45 = arith.cmpi ne, %arg0, %ne3A : i32
    %convert_element_type3A_46 = arith.extui %ne3A_45 : i1 to i32
    %cond3A_47 = arith.constant 0 : i32
    %cond3A_48 = arith.cmpi ne, %convert_element_type3A_46, %cond3A_47 : i32
    scf.if %cond3A_48 {
      %get3A_85 = arith.constant 0 : index
      %get3A_86 = arith.constant 0 : index
      %get3A_87 = vector.load %arg20[%get3A_85, %get3A_86] : memref<1x128xf32, #tpu.memory_space<vmem>>, vector<1x128xf32>
      %add3A_88 = arith.addf %get3A_87, %broadcast_in_dim3A_42 : vector<1x128xf32>
      %swap3A_89 = arith.constant 0 : index
      %swap3A_90 = arith.constant 0 : index
      %swap3A_91 = vector.load %arg20[%swap3A_89, %swap3A_90] : memref<1x128xf32, #tpu.memory_space<vmem>>, vector<1x128xf32>
      tpu.vector_store %arg20[%swap3A_89, %swap3A_90], %add3A_88 {strides = array<i32>} : memref<1x128xf32, #tpu.memory_space<vmem>>, vector<1x128xf32>,
    } else {
    }
    %get3A_49 = arith.constant 0 : index
    %get3A_50 = arith.constant 0 : index
    %get3A_51 = vector.load %arg7[%get3A_49, %get3A_50] : memref<5120x128xf32, #tpu.memory_space<vmem>>, vector<5120x128xf32>
    %get3A_52 = arith.constant 0 : index
    %get3A_53 = arith.constant 0 : index
    %get3A_54 = vector.load %arg1[%get3A_52, %get3A_53] : memref<5120x128xf32, #tpu.memory_space<vmem>>, vector<5120x128xf32>
    %concatenate3A = tpu.concatenate %get3A_51, %get3A_54, %add3A_33 in 1 : vector<5120x128xf32>, vector<5120x128xf32>, vector<5120x128xf32> -> vector<5120x384xf32>
    %get3A_55 = arith.constant 0 : index
    %get3A_56 = arith.constant 0 : index
    %get3A_57 = vector.load %arg8[%get3A_55, %get3A_56] : memref<384x512xf32, #tpu.memory_space<vmem>>, vector<384x512xf32>
    %dot_general3A_58 = arith.constant dense<0.000000e+00> : vector<5120x512xf32>
    %dot_general3A_59 = tpu.matmul %concatenate3A, %get3A_57, %dot_general3A_58 {dimension_numbers = #tpu.dot_dimension_numbers<[1], [0], [0], [1], [0, 0, 1, 1], [], []>, transpose_lhs_hint = false} : vector<5120x384xf32>, vector<384x512xf32>, vector<5120x512xf32> -> vector<5120x512xf32>
    %get3A_60 = arith.constant 0 : index
    %get3A_61 = arith.constant 0 : index
    %get3A_62 = vector.load %arg9[%get3A_60, %get3A_61] : memref<1x512xf32, #tpu.memory_space<vmem>>, vector<1x512xf32>
    %add3A_63 = vector.broadcast %get3A_62 : vector<1x512xf32> to vector<5120x512xf32>
    %add3A_64 = arith.addf %dot_general3A_59, %add3A_63 : vector<5120x512xf32>
    %max3A_65 = arith.constant 0.000000e+00 : f32
    %max3A_66 = vector.broadcast %max3A_65 : f32 to vector<5120x512xf32>
    %max3A_67 = arith.maximumf %add3A_64, %max3A_66 : vector<5120x512xf32>
    %get3A_68 = arith.constant 0 : index
    %get3A_69 = arith.constant 0 : index
    %get3A_70 = vector.load %arg10[%get3A_68, %get3A_69] : memref<512x8xf32, #tpu.memory_space<vmem>>, vector<512x8xf32>
    %dot_general3A_71 = arith.constant dense<0.000000e+00> : vector<5120x8xf32>
    %dot_general3A_72 = tpu.matmul %max3A_67, %get3A_70, %dot_general3A_71 {dimension_numbers = #tpu.dot_dimension_numbers<[1], [0], [0], [1], [0, 0, 1, 1], [], []>, transpose_lhs_hint = false} : vector<5120x512xf32>, vector<512x8xf32>, vector<5120x8xf32> -> vector<5120x8xf32>
    %get3A_73 = arith.constant 0 : index
    %get3A_74 = arith.constant 0 : index
    %get3A_75 = vector.load %arg11[%get3A_73, %get3A_74] : memref<1x8xf32, #tpu.memory_space<vmem>>, vector<1x8xf32>
    %add3A_76 = vector.broadcast %get3A_75 : vector<1x8xf32> to vector<5120x8xf32>
    %add3A_77 = arith.addf %dot_general3A_72, %add3A_76 : vector<5120x8xf32>
    %swap3A = arith.constant 0 : index
    %swap3A_78 = arith.constant 0 : index
    %swap3A_79 = vector.load %arg18[%swap3A, %swap3A_78] : memref<5120x8xf32, #tpu.memory_space<vmem>>, vector<5120x8xf32>
    tpu.vector_store %arg18[%swap3A, %swap3A_78], %add3A_77 {strides = array<i32>} : memref<5120x8xf32, #tpu.memory_space<vmem>>, vector<5120x8xf32>,
    %eq3A_80 = arith.constant 1 : i32
    %eq3A_81 = arith.cmpi eq, %arg0, %eq3A_80 : i32
    %convert_element_type3A_82 = arith.extui %eq3A_81 : i1 to i32
    %cond3A_83 = arith.constant 0 : i32
    %cond3A_84 = arith.cmpi ne, %convert_element_type3A_82, %cond3A_83 : i32
    scf.if %cond3A_84 {
      %get3A_85 = arith.constant 0 : index
      %get3A_86 = arith.constant 0 : index
      %get3A_87 = vector.load %arg12[%get3A_85, %get3A_86] : memref<1x128xf32, #tpu.memory_space<vmem>>, vector<1x128xf32>
      %get3A_88 = arith.constant 0 : index
      %get3A_89 = arith.constant 0 : index
      %get3A_90 = vector.load %arg13[%get3A_88, %get3A_89] : memref<1x128xf32, #tpu.memory_space<vmem>>, vector<1x128xf32>
      %get3A_91 = arith.constant 0 : index
      %get3A_92 = arith.constant 0 : index
      %get3A_93 = vector.load %arg20[%get3A_91, %get3A_92] : memref<1x128xf32, #tpu.memory_space<vmem>>, vector<1x128xf32>
      %concatenate3A_94 = tpu.concatenate %get3A_87, %get3A_90, %get3A_93 in 1 : vector<1x128xf32>, vector<1x128xf32>, vector<1x128xf32> -> vector<1x384xf32>
      %mul3A_95 = arith.constant 9.99999974E-5 : f32
      %mul3A_96 = vector.broadcast %mul3A_95 : f32 to vector<1x384xf32>
      %mul3A_97 = arith.mulf %concatenate3A_94, %mul3A_96 : vector<1x384xf32>
      %get3A_98 = arith.constant 0 : index
      %get3A_99 = arith.constant 0 : index
      %get3A_100 = vector.load %arg14[%get3A_98, %get3A_99] : memref<384x128xf32, #tpu.memory_space<vmem>>, vector<384x128xf32>
      %dot_general3A_101 = arith.constant dense<0.000000e+00> : vector<1x128xf32>
      %dot_general3A_102 = tpu.matmul %mul3A_97, %get3A_100, %dot_general3A_101 {dimension_numbers = #tpu.dot_dimension_numbers<[1], [0], [0], [1], [0, 0, 1, 1], [], []>, transpose_lhs_hint = false} : vector<1x384xf32>, vector<384x128xf32>, vector<1x128xf32> -> vector<1x128xf32>
      %get3A_103 = arith.constant 0 : index
      %get3A_104 = arith.constant 0 : index
      %get3A_105 = vector.load %arg15[%get3A_103, %get3A_104] : memref<1x128xf32, #tpu.memory_space<vmem>>, vector<1x128xf32>
      %add3A_106 = arith.addf %dot_general3A_102, %get3A_105 : vector<1x128xf32>
      %max3A_107 = arith.constant 0.000000e+00 : f32
      %max3A_108 = vector.broadcast %max3A_107 : f32 to vector<1x128xf32>
      %max3A_109 = arith.maximumf %add3A_106, %max3A_108 : vector<1x128xf32>
      %get3A_110 = arith.constant 0 : index
      %get3A_111 = arith.constant 0 : index
      %get3A_112 = vector.load %arg16[%get3A_110, %get3A_111] : memref<128x8xf32, #tpu.memory_space<vmem>>, vector<128x8xf32>
      %dot_general3A_113 = arith.constant dense<0.000000e+00> : vector<1x8xf32>
      %dot_general3A_114 = tpu.matmul %max3A_109, %get3A_112, %dot_general3A_113 {dimension_numbers = #tpu.dot_dimension_numbers<[1], [0], [0], [1], [0, 0, 1, 1], [], []>, transpose_lhs_hint = false} : vector<1x128xf32>, vector<128x8xf32>, vector<1x8xf32> -> vector<1x8xf32>
      %get3A_115 = arith.constant 0 : index
      %get3A_116 = arith.constant 0 : index
      %get3A_117 = vector.load %arg17[%get3A_115, %get3A_116] : memref<1x8xf32, #tpu.memory_space<vmem>>, vector<1x8xf32>
      %add3A_118 = arith.addf %dot_general3A_114, %get3A_117 : vector<1x8xf32>
      %swap3A_119 = arith.constant 0 : index
      %swap3A_120 = arith.constant 0 : index
      %swap3A_121 = vector.load %arg19[%swap3A_119, %swap3A_120] : memref<1x8xf32, #tpu.memory_space<vmem>>, vector<1x8xf32>
      tpu.vector_store %arg19[%swap3A_119, %swap3A_120], %add3A_118 {strides = array<i32>} : memref<1x8xf32, #tpu.memory_space<vmem>>, vector<1x8xf32>,
    } else {
    }
    return
  }
  func.func @transform_0(%arg0: i32) -> (i32, i32) {
    %c0_i32 = arith.constant 0 : i32
    %c0_i32_0 = arith.constant 0 : i32
    return %arg0, %c0_i32 : i32, i32
  }
  func.func @transform_1(%arg0: i32) -> (i32, i32, i32) {
    %c0_i32 = arith.constant 0 : i32
    %c0_i32_0 = arith.constant 0 : i32
    %c0_i32_1 = arith.constant 0 : i32
    return %c0_i32, %arg0, %c0_i32_0 : i32, i32, i32
  }
  func.func @transform_2(%arg0: i32) -> (i32, i32) {
    %c0_i32 = arith.constant 0 : i32
    %c0_i32_0 = arith.constant 0 : i32
    %c0_i32_1 = arith.constant 0 : i32
    return %c0_i32, %c0_i32_0 : i32, i32
  }
  func.func @transform_3(%arg0: i32) -> (i32, i32) {
    %c0_i32 = arith.constant 0 : i32
    %c0_i32_0 = arith.constant 0 : i32
    %c0_i32_1 = arith.constant 0 : i32
    return %c0_i32, %c0_i32_0 : i32, i32
  }
  func.func @transform_4(%arg0: i32) -> (i32, i32) {
    %c0_i32 = arith.constant 0 : i32
    %c0_i32_0 = arith.constant 0 : i32
    %c0_i32_1 = arith.constant 0 : i32
    return %c0_i32, %c0_i32_0 : i32, i32
  }
  func.func @transform_5(%arg0: i32) -> (i32, i32) {
    %c0_i32 = arith.constant 0 : i32
    %c0_i32_0 = arith.constant 0 : i32
    %c0_i32_1 = arith.constant 0 : i32
    return %c0_i32, %c0_i32_0 : i32, i32
  }
  func.func @transform_6(%arg0: i32) -> (i32, i32) {
    %c0_i32 = arith.constant 0 : i32
    %c0_i32_0 = arith.constant 0 : i32
    return %arg0, %c0_i32 : i32, i32
  }
  func.func @transform_7(%arg0: i32) -> (i32, i32) {
    %c0_i32 = arith.constant 0 : i32
    %c0_i32_0 = arith.constant 0 : i32
    %c0_i32_1 = arith.constant 0 : i32
    return %c0_i32, %c0_i32_0 : i32, i32
  }
  func.func @transform_8(%arg0: i32) -> (i32, i32) {
    %c0_i32 = arith.constant 0 : i32
    %c0_i32_0 = arith.constant 0 : i32
    %c0_i32_1 = arith.constant 0 : i32
    return %c0_i32, %c0_i32_0 : i32, i32
  }
  func.func @transform_9(%arg0: i32) -> (i32, i32) {
    %c0_i32 = arith.constant 0 : i32
    %c0_i32_0 = arith.constant 0 : i32
    %c0_i32_1 = arith.constant 0 : i32
    return %c0_i32, %c0_i32_0 : i32, i32
  }
  func.func @transform_10(%arg0: i32) -> (i32, i32) {
    %c0_i32 = arith.constant 0 : i32
    %c0_i32_0 = arith.constant 0 : i32
    %c0_i32_1 = arith.constant 0 : i32
    return %c0_i32, %c0_i32_0 : i32, i32
  }
  func.func @transform_11(%arg0: i32) -> (i32, i32) {
    %c0_i32 = arith.constant 0 : i32
    %c0_i32_0 = arith.constant 0 : i32
    %c0_i32_1 = arith.constant 0 : i32
    return %c0_i32, %c0_i32_0 : i32, i32
  }
  func.func @transform_12(%arg0: i32) -> (i32, i32) {
    %c0_i32 = arith.constant 0 : i32
    %c0_i32_0 = arith.constant 0 : i32
    %c0_i32_1 = arith.constant 0 : i32
    return %c0_i32, %c0_i32_0 : i32, i32
  }
  func.func @transform_13(%arg0: i32) -> (i32, i32) {
    %c0_i32 = arith.constant 0 : i32
    %c0_i32_0 = arith.constant 0 : i32
    %c0_i32_1 = arith.constant 0 : i32
    return %c0_i32, %c0_i32_0 : i32, i32
  }
  func.func @transform_14(%arg0: i32) -> (i32, i32) {
    %c0_i32 = arith.constant 0 : i32
    %c0_i32_0 = arith.constant 0 : i32
    %c0_i32_1 = arith.constant 0 : i32
    return %c0_i32, %c0_i32_0 : i32, i32
  }
  func.func @transform_15(%arg0: i32) -> (i32, i32) {
    %c0_i32 = arith.constant 0 : i32
    %c0_i32_0 = arith.constant 0 : i32
    %c0_i32_1 = arith.constant 0 : i32
    return %c0_i32, %c0_i32_0 : i32, i32
  }
  func.func @transform_16(%arg0: i32) -> (i32, i32) {
    %c0_i32 = arith.constant 0 : i32
    %c0_i32_0 = arith.constant 0 : i32
    %c0_i32_1 = arith.constant 0 : i32
    return %c0_i32, %c0_i32_0 : i32, i32
  }
  func.func @transform_17(%arg0: i32) -> (i32, i32) {
    %c0_i32 = arith.constant 0 : i32
    %c0_i32_0 = arith.constant 0 : i32
    return %arg0, %c0_i32 : i32, i32
  }
  func.func @transform_18(%arg0: i32) -> (i32, i32) {
    %c0_i32 = arith.constant 0 : i32
    %c0_i32_0 = arith.constant 0 : i32
    %c0_i32_1 = arith.constant 0 : i32
    return %c0_i32, %c0_i32_0 : i32, i32
  }
}

</mosaic_0001>

<sc_bundles>
// kernel: kernel.11.cloned.1.call-start
scs
__scs_entry_jumppad:
0x0: {  	(pc) =	sbr.rel $0x88, $3  }
0x1: {  	(tag) =	ssettag $0x0;
	lr =	simm.s32 $0x1  }
0x2: {  	[smem:$0x3F8B] =	sst lr;
	_ =	strace $0xD0000000  }
0x3: {  	_ = 	snop  }
0x4: {  	_ = 	snop  }
0x5: {  	_ = 	snop  }
0x6: {  	_ = 	snop  }
0x7: {  	_ = 	snop  }
__scs_overlays_trampoline_lowered:
0x8: {  	[smem:$0x3F9A] =	sst s0  }
0x9: {  	[smem:$0x3F9B] =	sst s1  }
0xa: {  	[smem:$0x3F9C] =	sst s2  }
0xb: {  	[smem:$0x3F9D] =	sst s3  }
0xc: {  	[smem:$0x3F9E] =	sst s4  }
0xd: {  	[smem:$0x3F9F] =	sst s5  }
0xe: {  	[smem:$0x3FA0] =	sst s6  }
0xf: {  	[smem:$0x3FA1] =	sst s7  }
0x10: {  	[smem:$0x3FA2] =	sst s8  }
0x11: {  	[smem:$0x3FA3] =	sst s9;
	s0 =	simm.s32 @!p0 $0x0  }
0x12: {  	s1 =	sld [smem:$0x3F89];
	s0 =	simm.s32 @p0 $0x1  }
0x13: {  	[smem:$0x3FA4] =	sst s0;
	s0 =	simm.s32 @!p1 $0x0  }
0x14: {  	s2 =	sld [smem:$0x3F88];
	s0 =	simm.s32 @p1 $0x1  }
0x15: {  	[smem:$0x3FA5] =	sst s0;
	s0 =	simm.s32 @!p2 $0x0  }
0x16: {  	s3 =	sld [smem:$0x3FDB];
	s0 =	simm.s32 @p2 $0x1  }
0x17: {  	s4 =	simm.s32 $0x1BF5;
	[smem:$0x3FA7] =	sst s0  }
0x18: {  	s0 =	sld [smem:$0x3F8A];
	_ =	swait.ge [sflag:s4], $0x0  }
0x19: {  	s7 =	sld [smem:$0x3F8B]  }
0x1a: {  	s8 =	sadd.s32 $0xFFFFE003, lr  }
0x1b: {  	s9 =	sadd.s32 $0xFFFFFEF7, lr;
	s5 =	simm.s32 $0xFFFFFFFF;
	p2 =	slt.u32 s8, $0xFFFFF086  }
0x1c: {  	p1 =	slt.u32 s9, $0xF7A;
	s5 =	simm.s32 @!p2 $0x0  }
0x1d: {  	s5 =	simm.s32 @p1 $0x1;
	p0 =	seq.s32 s7, s2  }
0x1e: {  	s7 =	smul.u32 @!p0 $0xF7A, s2;
	p2 =	seq.s32 @!p0 s5, $0x0  }
0x1f: {  	s9 =	smul.u32 $0xF7A, s1;
	s8 =	simm.s32 @!p0 $0x1BF5;
	p2 =	por !p2, p0  }
0x20: {  	[sflag:s8] =	ssyncset.s32 @!p0 $0xFFFFF086;
	s6 =	sadd.s32 @!p0 s3, s7;
	s7 =	simm.s32 @!p0 $0x108  }
0x21: {  	s3 =	sadd.s32 s3, s9;
	s6 =	sadd.s32 @!p0 $0x88, s6;
	s7 =	simm.s32 @p2 $0x1082  }
0x22: {  	[simem:s7], [sflag:s8] =	dma.local @!p0 [hbm:s6], $0xF7A  }
0x23: {  	s9 =	sor.u32 $0xD0000000, s2;
	s6 =	simm.s32 $0x108;
	_ =	swait.ge @!p0 [sflag:s8], $0x0  }
0x24: {  	s3 =	sadd.s32 $0x88, s3;
	s6 =	simm.s32 @!p1 $0x1082;
	[sflag:s4] =	ssyncset.s32 $0xFFFFF086  }
0x25: {  	[simem:s6], [sflag:s4] =	dma.local [hbm:s3], $0xF7A  }
0x26: {  	[smem:$0x3F8B] =	sst s1;
	(tag) =	ssettag s2;
	_ =	strace s9  }
0x27: {  	s1 =	sld [smem:$0x3F9B]  }
0x28: {  	s2 =	sld [smem:$0x3F9C]  }
0x29: {  	s4 =	sld [smem:$0x3F9E]  }
0x2a: {  	p0 =	seq.s32 s5, $0x0;
	s5 =	sld [smem:$0x3F9F]  }
0x2b: {  	s6 =	sld [smem:$0x3FA0]  }
0x2c: {  	s7 =	sld [smem:$0x3FA1]  }
0x2d: {  	s3 =	simm.s32 $0x108;
	s8 =	sld [smem:$0x3FA2]  }
0x2e: {  	s3 =	simm.s32 @!p0 $0x1082;
	s9 =	sld [smem:$0x3FA3]  }
0x2f: {  	lr =	sadd.s32 s0, s3;
	s0 =	sld [smem:$0x3F9A]  }
0x30: {  	s3 =	sld [smem:$0x3F9D]  }
0x31: {  	[smem:$0x3FA6] =	sst s10  }
0x32: {  	s10 =	sld [smem:$0x3FA4];
	_ =	sdelay $0x3  }
0x33: {  	p0 =	seq.s32 s10, $0x1;
	s10 =	sld [smem:$0x3FA6];
	_ =	sdelay $0x3  }
0x34: {  	[smem:$0x3FA6] =	sst s10  }
0x35: {  	s10 =	sld [smem:$0x3FA5];
	_ =	sdelay $0x3  }
0x36: {  	p1 =	seq.s32 s10, $0x1;
	s10 =	sld [smem:$0x3FA6];
	_ =	sdelay $0x3  }
0x37: {  	[smem:$0x3FA6] =	sst s10  }
0x38: {  	s10 =	sld [smem:$0x3FA7]  }
0x39: {  	_ = 	snop;
	(pc) =	sbr.ind lr, $3  }
0x3a: {  	_ = 	snop  }
0x3b: {  	_ = 	snop  }
0x3c: {  	p2 =	seq.s32 s10, $0x1;
	s10 =	sld [smem:$0x3FA6]  }
0x3d: {  	_ =	shalt  }
0x3e: {  	_ =	shalt  }
0x3f: {  	_ =	shalt  }
0x40: {  	_ =	shalt  }
0x41: {  	_ =	shalt  }
0x42: {  	_ =	shalt  }
0x43: {  	_ =	shalt  }
0x44: {  	_ =	shalt  }
0x45: {  	_ =	shalt  }
0x46: {  	_ =	shalt  }
0x47: {  	_ =	shalt  }
0x48: {  	_ =	shalt  }
0x49: {  	_ =	shalt  }
0x4a: {  	_ =	shalt  }
0x4b: {  	_ =	shalt  }
0x4c: {  	_ =	shalt  }
0x4d: {  	_ =	shalt  }
0x4e: {  	_ =	shalt  }
0x4f: {  	_ =	shalt  }
0x50: {  	_ =	shalt  }
0x51: {  	_ =	shalt  }
0x52: {  	_ =	shalt  }
0x53: {  	_ =	shalt  }
0x54: {  	_ =	shalt  }
0x55: {  	_ =	shalt  }
0x56: {  	_ =	shalt  }
0x57: {  	_ =	shalt  }
0x58: {  	_ =	shalt  }
0x59: {  	_ =	shalt  }
0x5a: {  	_ =	shalt  }
0x5b: {  	_ =	shalt  }
0x5c: {  	_ =	shalt  }
0x5d: {  	_ =	shalt  }
0x5e: {  	_ =	shalt  }
0x5f: {  	_ =	shalt  }
0x60: {  	_ =	shalt  }
0x61: {  	_ =	shalt  }
0x62: {  	_ =	shalt  }
0x63: {  	_ =	shalt  }
0x64: {  	_ =	shalt  }
0x65: {  	_ =	shalt  }
0x66: {  	_ =	shalt  }
0x67: {  	_ =	shalt  }
0x68: {  	_ =	shalt  }
0x69: {  	_ =	shalt  }
0x6a: {  	_ =	shalt  }
0x6b: {  	_ =	shalt  }
0x6c: {  	_ =	shalt  }
0x6d: {  	_ =	shalt  }
0x6e: {  	_ =	shalt  }
0x6f: {  	_ =	shalt  }
0x70: {  	_ =	shalt  }
0x71: {  	_ =	shalt  }
0x72: {  	_ =	shalt  }
0x73: {  	_ =	shalt  }
0x74: {  	_ =	shalt  }
0x75: {  	_ =	shalt  }
0x76: {  	_ =	shalt  }
0x77: {  	_ =	shalt  }
0x78: {  	_ =	shalt  }
0x79: {  	_ =	shalt  }
0x7a: {  	_ =	shalt  }
0x7b: {  	_ =	shalt  }
0x7c: {  	_ =	shalt  }
0x7d: {  	_ =	shalt  }
0x7e: {  	_ =	shalt  }
0x7f: {  	_ =	shalt  }
0x80: {  	_ =	shalt  }
0x81: {  	_ =	shalt  }
0x82: {  	_ =	shalt  }
0x83: {  	_ =	shalt  }
0x84: {  	_ =	shalt  }
0x85: {  	_ =	shalt  }
0x86: {  	_ =	shalt  }
0x87: {  	_ =	shalt  }
.Lfunc_end0:
.L_simem_size_0:
called_computation.1_lowered:
.L_overlay_start_0:
0x88: {  	s2 =	sld [smem:$0x3FD9]  }
0x89: {  	s3 =	sld [smem:$0x3FFE];
	_ =	sdelay $0x1  }
0x8a: {  	s1 =	srdreg.scid  }
0x8b: {  	s0 =	sand.u32 $0x1, s1  }
0x8c: {  	s16 =	sshll.u32 s0, $0xA;
	s2 =	sadd.s32 s3, s2  }
0x8d: {  	s2 =	sadd.s32 s2, s16  }
0x8e: {  	[smem:$0x3FB2] =	sst s2  }
0x8f: {  	_ = 	snop  }
0x90: {  	(tm) =	ssettm $0x1  }
0x91: {  	s17 =	sld [smem:$0x3FFB];
	_ =	sdelay $0x3  }
0x92: {  	_ =	strace s17  }
0x93: {  	s2 =	sld [smem:$0x3FFC];
	_ =	sdelay $0x3  }
0x94: {  	_ =	strace s2  }
0x95: {  	s2 =	sld [smem:$0x3FFD];
	_ =	sdelay $0x3  }
0x96: {  	_ =	strace s2  }
0x97: {  	_ =	strace $0x8FFFFFFF  }
0x98: {  	s18 =	sld [smem:$0x3FDB];
	_ =	sdelay $0x1  }
0x99: {  	s19 =	simm.s32 $_scs_section_size  }
0x9a: {  	s4 =	simm.s32 $_size__tile_overlayer_lowered;
	s5 =	simm.s32 $_tile_overlayer_lowered  }
0x9b: {  	s22 =	simm.s32 $0x1BFF;
	s21 =	sshll.u32 s5, $0x1;
	s2 =	sadd.s32 s19, s18  }
0x9c: {  	s6 =	simm.s32 $0x0;
	s20 =	sshll.u32 s4, $0x1;
	s4 =	sadd.s32 s21, s2  }
0x9d: {  	[timem:s6], [sflag:s22] =	dma.local [hbm:s4], s20  }
0x9e: {  	_ =	swait.ge [sflag:s22], s20  }
0x9f: {  	s3 =	ssub.s32 $0x0, s20;
	[sflag:s22] =	ssyncset.done $0x0  }
0xa0: {  	[sflag:s22] =	ssyncadd.s32 s3;
	_ =	sdelay $0x1  }
0xa1: {  	s23 =	simm.s32 $0x1B8B  }
0xa2: {  	_ =	swait.ge [sflag:s23], $0x1  }
0xa3: {  	[sflag:s23] =	ssyncset.done $0x0  }
0xa4: {  	s25 =	simm.s32 $0x1B8E;
	s24 =	sld [smem:$0x3FFE];
	[sflag:s23] =	ssyncadd.s32 $0xFFFFFFFF  }
0xa5: {  	s26 =	simm.s32 $execute0_lowered;
	[smem:$0x3FD2] =	sst s25  }
0xa6: {  	s4 =	sshll.u32 s26, $0x1;
	_ =	strace $0x80000049;
	[dreg:$0x1] =	wrdreg $0xFFFFFFFF  }
0xa7: {  	s28 =	simm.s32 $_size_execute0_lowered;
	s2 =	sadd.s32 s2, s4;
	[dreg:$0x0] =	wrdreg $0x0  }
0xa8: {  	s4 =	sshll.u32 s28, $0x1;
	[dreg:$0x2] =	wrdreg s2  }
0xa9: {  	[dreg:$0x3] =	wrdreg s4  }
0xaa: {  	[dreg:$0x4] =	wrdreg $0xC0  }
0xab: {  	_ =	task [dreg:s6], $0x5FFFF  }
0xac: {  	[dreg:$0x1] =	wrdreg $0xFFFFFFFF  }
0xad: {  	[dreg:$0x0] =	wrdreg $0x60  }
0xae: {  	[dreg:$0x2] =	wrdreg s24  }
0xaf: {  	[dreg:$0x3] =	wrdreg $0xA8000  }
0xb0: {  	[dreg:$0x4] =	wrdreg $0x9  }
0xb1: {  	_ =	task.clear_ibuf [dreg:s6], $0x5FFFF;
	_ =	strace $0x90000049  }
0xb2: {  	s29 =	simm.s32 $0x9;
	_ =	strace $0x8000004B  }
0xb3: {  	_ =	swait.ge [sflag:s29], $0x1  }
0xb4: {  	[sflag:s29] =	ssyncadd.s32 $0xFFFFFFFF  }
0xb5: {  	_ =	strace $0x9000004B  }
0xb6: {  	_ =	sfence  }
0xb7: {  	s30 =	sld [smem:$0x0];
	_ =	sdelay $0x2  }
0xb8: {  	s31 =	sshll.u32 s1, $0xD;
	s1 =	sshrl.u32 s1, $0x2  }
0xb9: {  	s3 =	sand.u32 $0x4000, s31;
	s1 =	sadd.s32 s1, s30  }
0xba: {  	s0 =	sor.u32 s3, s0;
	s1 =	sshll.u32 s1, $0x11  }
0xbb: {  	s0 =	sor.u32 s1, s0  }
0xbc: {  	s0 =	sadd.s32 $0x8F2B, s0  }
0xbd: {  	[sflag:s0] =	ssyncadd.remote.s32 $0x1  }
0xbe: {  	_ =	sfence.sel $0xFFFF  }
0xbf: {  	[dreg:$0x0] =	wrdreg $0xFFFFFFFF;
	(pc) =	sbr.abs _section_cstart, $3  }
0xc0: {  	[dreg:$0x1] =	wrdreg $0xFFFFFFFF  }
0xc1: {  	_ =	task.clear_ibuf [dreg:s6], $0x2FFFF;
	_ =	strace $0x9FFFFFFF  }
0xc2: {  	(tm) =	ssettm $0x7FFFFFFF  }
0xc3: {  	_ =	shalt  }
tec
execute0_lowered:
.L_overlay_start_1:
0x0: {  	(tag) =	ssettag $0x1  }
0x1: {  	s5 =	rddreg [dreg:$0x0]  }
0x2: {  	s1 =	rddreg [dreg:$0x1];
	s2 =	srdreg.scid  }
0x3: {  	s3 =	simm.s32 $0x0;
	s17 =	simm.s32 $0x1400;
	s18 =	simm.s32 $0x80  }
0x4: {  	s19 =	simm.s32 $0x2800;
	s20 =	simm.s32 $0x6800;
	s21 =	simm.s32 $0x1  }
0x5: {  	s22 =	simm.s32 $0x2;
	s23 =	simm.s32 $0x1380;
	s24 =	simm.s32 $0x2700  }
0x6: {  	s25 =	simm.s32 $0x2780;
	s6 =	sand.u32 $0x1, s2;
	s2 =	stileid.u32  }
0x7: {  	s26 =	simm.s32 $0x0;
	[smem:$0x7FF] =	sst s3;
	s7 =	smul.u32 $0x140000, s6  }
0x8: {  	s12 =	sadd.s32 $0xF200, s5;
	s13 =	sadd.s32 $0x5200, s5;
	s8 =	smul.u32 $0x14000, s2  }
0x9: {  	s4 =	sshll.u32 s2, $0x1;
	_ =	strace $0x8000004A;
	s29 =	smul.u32 $0x50000, s2  }
0xa: {  	s30 =	ssub.s32 $0x2, s6;
	s9 =	sor.u32 s6, s4;
	s4 =	sadd.s32 $0x19200, s5  }
0xb: {  	s6 =	sshrl.u32 s30, $0x1;
	s7 =	sadd.s32 s8, s7;
	s28 =	smul.u32 $0x2800, s9  }
0xc: {  	s31 =	sshrl.u32 s29, $0x2;
	s16 =	ssub.s32 s30, s6;
	s7 =	sshrl.u32 s7, $0x3  }
0xd: {  	s6 =	sadd.s32 s31, s1;
	s14 =	sadd.s32 s7, s5;
	s15 =	sshrl.u32 s28, $0x3  }
0xe: {  	s8 =	sadd.s32 $0x4000, s6;
	s9 =	sadd.s32 $0x8000, s6;
	s10 =	sadd.s32 $0xC000, s6  }
0xf: {  	s5 =	sadd.s32 s12, s15;
	s7 =	sadd.s32 s13, s15;
	s15 =	sadd.s32 $0x280, s15  }
0x10: {  	s11 =	sadd.s32 $0x10000, s6;
	s14 =	sadd.s32 $0x41200, s14;
	s12 =	sadd.s32 s12, s15  }
0x11: {  	v0 =	vimm.f32 $0.0e+00;
	s13 =	sadd.s32 s13, s15;
	s15 =	smax.u32 s16, $0x1;
	s16 =	simm.s32 $0x3  }
.LBB2_1:
0x12: {  	[tilespmem:s3], [sflag:$0x3] =	stream.linear.gather [hbm4b:s5+s3], $0x1400, $0x38;
	[tilespmem:$0x1E800] =	vst v63  }
0x13: {  	_ =	swait.ge [sflag:s16], $0x1400  }
0x14: {  	[sflag:s16] =	ssyncset.done $0x0  }
0x15: {  	[sflag:s16] =	ssyncadd.s32 $0xFFFFEC00  }
0x16: {  	[tilespmem:s17], [sflag:$0x3] =	stream.linear.gather [hbm4b:s7+s3], $0x1400, $0x38;
	[tilespmem:$0x1E800] =	vst v63  }
0x17: {  	_ =	swait.ge [sflag:s16], $0x1400  }
0x18: {  	[sflag:s16] =	ssyncset.done $0x0  }
0x19: {  	s28 =	simm.s32 $0x0;
	s29 =	simm.s32 $0x200;
	[sflag:s16] =	ssyncadd.s32 $0xFFFFEC00  }
0x1a: {  	[tilespmem:s19], [sflag:$0x1] =	stream.indirect.gather [hbm4b:s4+s18], $0x80, s3, s18, $0xb8;
	[tilespmem:$0x1E800] =	vst v63  }
.LBB2_2:
0x1b: {  	p0 =	sne.s32 s29, $0xFE00;
	[tilespmem:s28+$0x6870] =	vst v0  }
0x1c: {  	[tilespmem:s28+$0x6800] =	vst v0  }
0x1d: {  	[tilespmem:s28+$0x6810] =	vst v0  }
.Ltmp0:
0x1e: {  	[tilespmem:s28+$0x6820] =	vst v0;
	(pc) =	sbr.rel @p0 .LBB2_2-.Ltmp0, $4  }
0x1f: {  	[tilespmem:s28+$0x6830] =	vst v0  }
0x20: {  	[tilespmem:s28+$0x6840] =	vst v0  }
0x21: {  	[tilespmem:s28+$0x6850] =	vst v0  }
0x22: {  	[tilespmem:s28+$0x6860] =	vst v0;
	s28 =	sshra.s32 s29, $0x2;
	s29 =	sadd.s32 $0x200, s29  }
0x23: {  	[tilespmem:s28+$0x6870] =	vst v0  }
0x24: {  	[tilespmem:s28+$0x6800] =	vst v0  }
0x25: {  	[tilespmem:s28+$0x6810] =	vst v0  }
0x26: {  	[tilespmem:s28+$0x6820] =	vst v0  }
0x27: {  	[tilespmem:s28+$0x6830] =	vst v0  }
0x28: {  	[tilespmem:s28+$0x6840] =	vst v0  }
0x29: {  	[tilespmem:s28+$0x6850] =	vst v0  }
0x2a: {  	[tilespmem:s28+$0x6860] =	vst v0  }
0x2b: {  	[spmem:s6] =	stream.linear.scatter [tilespmem:s20], [sflag:$0x3], $0x4000, $0x38;
	[tilespmem:$0x1E800] =	vst v63  }
0x2c: {  	_ =	swait.ge [sflag:s16], $0x4000  }
0x2d: {  	[sflag:s16] =	ssyncset.done $0x0  }
0x2e: {  	[sflag:s16] =	ssyncadd.s32 $0xFFFFC000  }
0x2f: {  	[spmem:s8] =	stream.linear.scatter [tilespmem:s20], [sflag:$0x3], $0x4000, $0x38;
	[tilespmem:$0x1E800] =	vst v63  }
0x30: {  	_ =	swait.ge [sflag:s16], $0x4000  }
0x31: {  	[sflag:s16] =	ssyncset.done $0x0  }
0x32: {  	[sflag:s16] =	ssyncadd.s32 $0xFFFFC000  }
0x33: {  	[spmem:s9] =	stream.linear.scatter [tilespmem:s20], [sflag:$0x3], $0x4000, $0x38;
	[tilespmem:$0x1E800] =	vst v63  }
0x34: {  	_ =	swait.ge [sflag:s16], $0x4000  }
0x35: {  	[sflag:s16] =	ssyncset.done $0x0  }
0x36: {  	[sflag:s16] =	ssyncadd.s32 $0xFFFFC000  }
0x37: {  	[spmem:s10] =	stream.linear.scatter [tilespmem:s20], [sflag:$0x3], $0x4000, $0x38;
	[tilespmem:$0x1E800] =	vst v63  }
0x38: {  	_ =	swait.ge [sflag:s16], $0x4000  }
0x39: {  	[sflag:s16] =	ssyncset.done $0x0  }
0x3a: {  	[sflag:s16] =	ssyncadd.s32 $0xFFFFC000  }
0x3b: {  	[spmem:s11] =	stream.linear.scatter [tilespmem:s20], [sflag:$0x3], $0x4000, $0x38;
	[tilespmem:$0x1E800] =	vst v63  }
0x3c: {  	_ =	swait.ge [sflag:s16], $0x4000  }
0x3d: {  	[sflag:s16] =	ssyncset.done $0x0  }
0x3e: {  	[sflag:s16] =	ssyncadd.s32 $0xFFFFC000  }
0x3f: {  	s28 =	simm.s32 $0x80;
	[bflag:$0x0] =	sbarrier.arrive $0xFFFF  }
0x40: {  	[tilespmem:s20], [sflag:$0x2] =	stream.indirect.gather [hbm4b:s4+s18], $0x80, s28, s18, $0xb8;
	[tilespmem:$0x1E800] =	vst v63  }
0x41: {  	_ =	swait.ge [sflag:s21], $0x4000  }
0x42: {  	[sflag:s21] =	ssyncset.done $0x0  }
0x43: {  	s28 =	simm.s32 $0x1400;
	[sflag:s21] =	ssyncadd.s32 $0xFFFFC000  }
0x44: {  	[spmem:s1] =	stream.indirect.scatter.add.f32 [tilespmem:s19], [sflag:$0x3], $0x80, s28, s18, $0xb8;
	[tilespmem:$0x1E800] =	vst v63  }
0x45: {  	_ =	swait.ge [sflag:s16], $0x4000  }
0x46: {  	[sflag:s16] =	ssyncset.done $0x0  }
0x47: {  	s28 =	simm.s32 $0x100;
	[sflag:s16] =	ssyncadd.s32 $0xFFFFC000  }
0x48: {  	[tilespmem:s19], [sflag:$0x1] =	stream.indirect.gather [hbm4b:s4+s18], $0x80, s28, s18, $0xb8;
	[tilespmem:$0x1E800] =	vst v63  }
0x49: {  	_ =	swait.ge [sflag:s22], $0x4000  }
0x4a: {  	[sflag:s22] =	ssyncset.done $0x0  }
0x4b: {  	s28 =	simm.s32 $0x1480;
	[sflag:s22] =	ssyncadd.s32 $0xFFFFC000  }
0x4c: {  	[spmem:s1] =	stream.indirect.scatter.add.f32 [tilespmem:s20], [sflag:$0x3], $0x80, s28, s18, $0xb8;
	[tilespmem:$0x1E800] =	vst v63  }
0x4d: {  	_ =	swait.ge [sflag:s16], $0x4000  }
0x4e: {  	s29 =	simm.s32 $0x800;
	s28 =	simm.s32 $0x100;
	[sflag:s16] =	ssyncset.done $0x0  }
.LBB2_4:
0x4f: {  	s30 =	sadd.s32 $0x80, s28  }
0x50: {  	[sflag:s16] =	ssyncadd.s32 $0xFFFFC000;
	s31 =	smov.u32 s29;
	s0 =	sadd.s32 $0x400, s29  }
0x51: {  	[tilespmem:s20], [sflag:$0x2] =	stream.indirect.gather [hbm4b:s4+s18], $0x80, s30, s18, $0xb8;
	[tilespmem:$0x1E800] =	vst v63  }
0x52: {  	p0 =	sne.s32 s29, $0x4800;
	_ =	swait.ge [sflag:s21], $0x4000  }
0x53: {  	[sflag:s21] =	ssyncset.done $0x0  }
0x54: {  	s29 =	sadd.s32 $0x1400, s28;
	[sflag:s21] =	ssyncadd.s32 $0xFFFFC000  }
0x55: {  	[spmem:s1] =	stream.indirect.scatter.add.f32 [tilespmem:s19], [sflag:$0x3], $0x80, s29, s18, $0xb8;
	[tilespmem:$0x1E800] =	vst v63  }
0x56: {  	_ =	swait.ge [sflag:s16], $0x4000  }
0x57: {  	[sflag:s16] =	ssyncset.done $0x0  }
0x58: {  	s29 =	sadd.s32 $0x100, s28;
	[sflag:s16] =	ssyncadd.s32 $0xFFFFC000  }
0x59: {  	[tilespmem:s19], [sflag:$0x1] =	stream.indirect.gather [hbm4b:s4+s18], $0x80, s29, s18, $0xb8;
	[tilespmem:$0x1E800] =	vst v63  }
0x5a: {  	_ =	swait.ge [sflag:s22], $0x4000  }
.Ltmp1:
0x5b: {  	[sflag:s22] =	ssyncset.done $0x0;
	(pc) =	sbr.rel @p0 .LBB2_4-.Ltmp1, $4  }
0x5c: {  	s28 =	sadd.s32 $0x1480, s28;
	[sflag:s22] =	ssyncadd.s32 $0xFFFFC000  }
0x5d: {  	[spmem:s1] =	stream.indirect.scatter.add.f32 [tilespmem:s20], [sflag:$0x3], $0x80, s28, s18, $0xb8;
	[tilespmem:$0x1E800] =	vst v63  }
0x5e: {  	_ =	swait.ge [sflag:s16], $0x4000  }
0x5f: {  	s29 =	smov.u32 s0;
	s28 =	sshra.s32 s31, $0x2;
	[sflag:s16] =	ssyncset.done $0x0  }
0x60: {  	s0 =	sadd.s32 $0x80, s28;
	[sflag:s16] =	ssyncadd.s32 $0xFFFFC000  }
0x61: {  	[tilespmem:s20], [sflag:$0x2] =	stream.indirect.gather [hbm4b:s4+s18], $0x80, s0, s18, $0xb8;
	[tilespmem:$0x1E800] =	vst v63  }
0x62: {  	_ =	swait.ge [sflag:s21], $0x4000  }
0x63: {  	[sflag:s21] =	ssyncset.done $0x0  }
0x64: {  	s30 =	sadd.s32 $0x1400, s28;
	[sflag:s21] =	ssyncadd.s32 $0xFFFFC000  }
0x65: {  	[spmem:s1] =	stream.indirect.scatter.add.f32 [tilespmem:s19], [sflag:$0x3], $0x80, s30, s18, $0xb8;
	[tilespmem:$0x1E800] =	vst v63  }
0x66: {  	_ =	swait.ge [sflag:s16], $0x4000  }
0x67: {  	[sflag:s16] =	ssyncset.done $0x0  }
0x68: {  	s31 =	sadd.s32 $0x100, s28;
	[sflag:s16] =	ssyncadd.s32 $0xFFFFC000  }
0x69: {  	[tilespmem:s19], [sflag:$0x1] =	stream.indirect.gather [hbm4b:s4+s18], $0x80, s31, s18, $0xb8;
	[tilespmem:$0x1E800] =	vst v63  }
0x6a: {  	_ =	swait.ge [sflag:s22], $0x4000  }
0x6b: {  	[sflag:s22] =	ssyncset.done $0x0  }
0x6c: {  	s30 =	sadd.s32 $0x1480, s28;
	[sflag:s22] =	ssyncadd.s32 $0xFFFFC000  }
0x6d: {  	[spmem:s1] =	stream.indirect.scatter.add.f32 [tilespmem:s20], [sflag:$0x3], $0x80, s30, s18, $0xb8;
	[tilespmem:$0x1E800] =	vst v63  }
0x6e: {  	_ =	swait.ge [sflag:s16], $0x4000  }
0x6f: {  	[sflag:s16] =	ssyncset.done $0x0  }
0x70: {  	[sflag:s16] =	ssyncadd.s32 $0xFFFFC000  }
0x71: {  	[tilespmem:s20], [sflag:$0x2] =	stream.indirect.gather [hbm4b:s4+s18], $0x80, s23, s18, $0xb8;
	[tilespmem:$0x1E800] =	vst v63  }
0x72: {  	_ =	swait.ge [sflag:s21], $0x4000  }
0x73: {  	[sflag:s21] =	ssyncset.done $0x0  }
0x74: {  	[sflag:s21] =	ssyncadd.s32 $0xFFFFC000  }
0x75: {  	[spmem:s1] =	stream.indirect.scatter.add.f32 [tilespmem:s19], [sflag:$0x3], $0x80, s24, s18, $0xb8;
	[tilespmem:$0x1E800] =	vst v63  }
0x76: {  	_ =	swait.ge [sflag:s16], $0x4000  }
0x77: {  	[sflag:s16] =	ssyncset.done $0x0  }
0x78: {  	[sflag:s16] =	ssyncadd.s32 $0xFFFFC000  }
0x79: {  	_ =	swait.ge [sflag:s22], $0x4000  }
0x7a: {  	[sflag:s22] =	ssyncset.done $0x0  }
0x7b: {  	[sflag:s22] =	ssyncadd.s32 $0xFFFFC000  }
0x7c: {  	[spmem:s1] =	stream.indirect.scatter.add.f32 [tilespmem:s20], [sflag:$0x3], $0x80, s25, s18, $0xb8;
	[tilespmem:$0x1E800] =	vst v63  }
0x7d: {  	_ =	swait.ge [sflag:s16], $0x4000  }
0x7e: {  	[sflag:s16] =	ssyncset.done $0x0  }
0x7f: {  	s31 =	simm.s32 $0x0;
	[sflag:s16] =	ssyncadd.s32 $0xFFFFC000  }
0x80: {  	[tilespmem:s31], [sflag:$0x3] =	stream.linear.gather [hbm4b:s12+s31], $0x1400, $0x38;
	[tilespmem:$0x1E800] =	vst v63  }
0x81: {  	_ =	swait.ge [sflag:s16], $0x1400  }
0x82: {  	[sflag:s16] =	ssyncset.done $0x0  }
0x83: {  	[sflag:s16] =	ssyncadd.s32 $0xFFFFEC00  }
0x84: {  	[tilespmem:s17], [sflag:$0x3] =	stream.linear.gather [hbm4b:s13+s31], $0x1400, $0x38;
	[tilespmem:$0x1E800] =	vst v63  }
0x85: {  	_ =	swait.ge [sflag:s16], $0x1400  }
0x86: {  	[sflag:s16] =	ssyncset.done $0x0  }
0x87: {  	[sflag:s16] =	ssyncadd.s32 $0xFFFFEC00  }
0x88: {  	[tilespmem:s19], [sflag:$0x1] =	stream.indirect.gather [hbm4b:s4+s18], $0x80, s31, s18, $0xb8;
	[tilespmem:$0x1E800] =	vst v63  }
0x89: {  	s30 =	simm.s32 $0x80  }
0x8a: {  	[tilespmem:s20], [sflag:$0x2] =	stream.indirect.gather [hbm4b:s4+s18], $0x80, s30, s18, $0xb8;
	[tilespmem:$0x1E800] =	vst v63  }
0x8b: {  	_ =	swait.ge [sflag:s21], $0x4000  }
0x8c: {  	[sflag:s21] =	ssyncset.done $0x0  }
0x8d: {  	s31 =	simm.s32 $0x1400;
	[sflag:s21] =	ssyncadd.s32 $0xFFFFC000  }
0x8e: {  	[spmem:s1] =	stream.indirect.scatter.add.f32 [tilespmem:s19], [sflag:$0x3], $0x80, s31, s18, $0xb8;
	[tilespmem:$0x1E800] =	vst v63  }
0x8f: {  	_ =	swait.ge [sflag:s16], $0x4000  }
0x90: {  	[sflag:s16] =	ssyncset.done $0x0  }
0x91: {  	s30 =	simm.s32 $0x100;
	[sflag:s16] =	ssyncadd.s32 $0xFFFFC000  }
0x92: {  	[tilespmem:s19], [sflag:$0x1] =	stream.indirect.gather [hbm4b:s4+s18], $0x80, s30, s18, $0xb8;
	[tilespmem:$0x1E800] =	vst v63  }
0x93: {  	_ =	swait.ge [sflag:s22], $0x4000  }
0x94: {  	[sflag:s22] =	ssyncset.done $0x0  }
0x95: {  	s31 =	simm.s32 $0x1480;
	[sflag:s22] =	ssyncadd.s32 $0xFFFFC000  }
0x96: {  	[spmem:s1] =	stream.indirect.scatter.add.f32 [tilespmem:s20], [sflag:$0x3], $0x80, s31, s18, $0xb8;
	[tilespmem:$0x1E800] =	vst v63  }
0x97: {  	_ =	swait.ge [sflag:s16], $0x4000  }
0x98: {  	s29 =	simm.s32 $0x800;
	s28 =	simm.s32 $0x100;
	[sflag:s16] =	ssyncset.done $0x0  }
.LBB2_6:
0x99: {  	s0 =	sadd.s32 $0x80, s28  }
0x9a: {  	[sflag:s16] =	ssyncadd.s32 $0xFFFFC000;
	s30 =	smov.u32 s29;
	s31 =	sadd.s32 $0x400, s29  }
0x9b: {  	[tilespmem:s20], [sflag:$0x2] =	stream.indirect.gather [hbm4b:s4+s18], $0x80, s0, s18, $0xb8;
	[tilespmem:$0x1E800] =	vst v63  }
0x9c: {  	p0 =	sne.s32 s29, $0x4800;
	_ =	swait.ge [sflag:s21], $0x4000  }
0x9d: {  	[sflag:s21] =	ssyncset.done $0x0  }
0x9e: {  	s0 =	sadd.s32 $0x1400, s28;
	[sflag:s21] =	ssyncadd.s32 $0xFFFFC000  }
0x9f: {  	[spmem:s1] =	stream.indirect.scatter.add.f32 [tilespmem:s19], [sflag:$0x3], $0x80, s0, s18, $0xb8;
	[tilespmem:$0x1E800] =	vst v63  }
0xa0: {  	_ =	swait.ge [sflag:s16], $0x4000  }
0xa1: {  	[sflag:s16] =	ssyncset.done $0x0  }
0xa2: {  	s0 =	sadd.s32 $0x100, s28;
	[sflag:s16] =	ssyncadd.s32 $0xFFFFC000  }
0xa3: {  	[tilespmem:s19], [sflag:$0x1] =	stream.indirect.gather [hbm4b:s4+s18], $0x80, s0, s18, $0xb8;
	[tilespmem:$0x1E800] =	vst v63  }
0xa4: {  	_ =	swait.ge [sflag:s22], $0x4000  }
.Ltmp2:
0xa5: {  	[sflag:s22] =	ssyncset.done $0x0;
	(pc) =	sbr.rel @p0 .LBB2_6-.Ltmp2, $4  }
0xa6: {  	s0 =	sadd.s32 $0x1480, s28;
	[sflag:s22] =	ssyncadd.s32 $0xFFFFC000  }
0xa7: {  	[spmem:s1] =	stream.indirect.scatter.add.f32 [tilespmem:s20], [sflag:$0x3], $0x80, s0, s18, $0xb8;
	[tilespmem:$0x1E800] =	vst v63  }
0xa8: {  	_ =	swait.ge [sflag:s16], $0x4000  }
0xa9: {  	s29 =	smov.u32 s31;
	s28 =	sshra.s32 s30, $0x2;
	[sflag:s16] =	ssyncset.done $0x0  }
0xaa: {  	s0 =	sadd.s32 $0x80, s28;
	[sflag:s16] =	ssyncadd.s32 $0xFFFFC000  }
0xab: {  	[tilespmem:s20], [sflag:$0x2] =	stream.indirect.gather [hbm4b:s4+s18], $0x80, s0, s18, $0xb8;
	[tilespmem:$0x1E800] =	vst v63  }
0xac: {  	_ =	swait.ge [sflag:s21], $0x4000  }
0xad: {  	[sflag:s21] =	ssyncset.done $0x0  }
0xae: {  	s30 =	sadd.s32 $0x1400, s28;
	[sflag:s21] =	ssyncadd.s32 $0xFFFFC000  }
0xaf: {  	[spmem:s1] =	stream.indirect.scatter.add.f32 [tilespmem:s19], [sflag:$0x3], $0x80, s30, s18, $0xb8;
	[tilespmem:$0x1E800] =	vst v63  }
0xb0: {  	_ =	swait.ge [sflag:s16], $0x4000  }
0xb1: {  	[sflag:s16] =	ssyncset.done $0x0  }
0xb2: {  	s31 =	sadd.s32 $0x100, s28;
	[sflag:s16] =	ssyncadd.s32 $0xFFFFC000  }
0xb3: {  	[tilespmem:s19], [sflag:$0x1] =	stream.indirect.gather [hbm4b:s4+s18], $0x80, s31, s18, $0xb8;
	[tilespmem:$0x1E800] =	vst v63  }
0xb4: {  	_ =	swait.ge [sflag:s22], $0x4000  }
0xb5: {  	[sflag:s22] =	ssyncset.done $0x0  }
0xb6: {  	s29 =	sadd.s32 $0x1480, s28;
	[sflag:s22] =	ssyncadd.s32 $0xFFFFC000  }
0xb7: {  	[spmem:s1] =	stream.indirect.scatter.add.f32 [tilespmem:s20], [sflag:$0x3], $0x80, s29, s18, $0xb8;
	[tilespmem:$0x1E800] =	vst v63  }
0xb8: {  	_ =	swait.ge [sflag:s16], $0x4000  }
0xb9: {  	[sflag:s16] =	ssyncset.done $0x0  }
0xba: {  	[sflag:s16] =	ssyncadd.s32 $0xFFFFC000  }
0xbb: {  	[tilespmem:s20], [sflag:$0x2] =	stream.indirect.gather [hbm4b:s4+s18], $0x80, s23, s18, $0xb8;
	[tilespmem:$0x1E800] =	vst v63  }
0xbc: {  	_ =	swait.ge [sflag:s21], $0x4000  }
0xbd: {  	[sflag:s21] =	ssyncset.done $0x0  }
0xbe: {  	[sflag:s21] =	ssyncadd.s32 $0xFFFFC000  }
0xbf: {  	[spmem:s1] =	stream.indirect.scatter.add.f32 [tilespmem:s19], [sflag:$0x3], $0x80, s24, s18, $0xb8;
	[tilespmem:$0x1E800] =	vst v63  }
0xc0: {  	_ =	swait.ge [sflag:s16], $0x4000  }
0xc1: {  	[sflag:s16] =	ssyncset.done $0x0  }
0xc2: {  	[sflag:s16] =	ssyncadd.s32 $0xFFFFC000  }
0xc3: {  	_ =	swait.ge [sflag:s22], $0x4000  }
0xc4: {  	[sflag:s22] =	ssyncset.done $0x0  }
0xc5: {  	[sflag:s22] =	ssyncadd.s32 $0xFFFFC000  }
0xc6: {  	[spmem:s1] =	stream.indirect.scatter.add.f32 [tilespmem:s20], [sflag:$0x3], $0x80, s25, s18, $0xb8;
	[tilespmem:$0x1E800] =	vst v63  }
0xc7: {  	_ =	swait.ge [sflag:s16], $0x4000  }
0xc8: {  	s26 =	sadd.s32 $0x1, s26;
	s30 =	sshll.u32 s2, $0x6;
	[sflag:s16] =	ssyncset.done $0x0  }
0xc9: {  	p0 =	sne.s32 s26, s15;
	s0 =	sor.u32 $0x1C03, s30;
	[sflag:s16] =	ssyncadd.s32 $0xFFFFC000  }
.Ltmp3:
0xca: {  	s31 =	sshrl.u32 s6, $0x3;
	[bflag:$0x0] =	sbarrier.arrive $0xFFFF;
	(pc) =	sbr.rel @p0 .LBB2_1-.Ltmp3, $4  }
0xcb: {  	[hbm:s14], [sflag:s0] =	dma.local [spmem:s31], $0x2800  }
0xcc: {  	_ =	swait.ge [sflag:s16], $0x2800  }
0xcd: {  	[sflag:s16] =	ssyncset.done $0x0  }
0xce: {  	[sflag:s16] =	ssyncadd.s32 $0xFFFFD800  }
0xcf: {  	_ =	sfence.sel $0x180000  }
0xd0: {  	[bflag:$0x0] =	sbarrier.arrive $0xFFFF  }
0xd1: {  	_ =	strace $0x9000004A  }
0xd2: {  	[bflag:$0x2] =	sbarrier.arrive $0xFFFF  }
0xd3: {  	p0 =	sne.s32 s2, $0x0;
	s0 =	rddreg [dreg:$0x2]  }
0xd4: {  	s0 =	sadd.s32 @!p0 $0x100000, s0  }
0xd5: {  	[sflag:s0] =	ssyncadd.tile.s32 @!p0 $0x1;
	_ =	shalt  }
.Lfunc_end2:
_tile_overlayer_lowered:
.L_overlay_start_2:
0xd6: {  	(tag) =	ssettag $0x2  }
0xd7: {  	s0 =	rddreg [dreg:$0x0];
	s2 =	stileid.u32  }
0xd8: {  	s1 =	rddreg [dreg:$0x1];
	p0 =	sne.s32 s2, $0x0  }
0xd9: {  	s3 =	rddreg [dreg:$0x2];
	[bflag:$0x3] =	sbarrier.arrive $0xFFFF;
	s2 =	simm.s32 @!p0 $0x1C03  }
0xda: {  	[timem:s3], [sflag:s2] =	dma.local @!p0 [hbm:s0], s1  }
0xdb: {  	s0 =	simm.s32 @!p0 $0x3  }
0xdc: {  	_ =	swait.ge @!p0 [sflag:s0], s1  }
0xdd: {  	s1 =	ssub.s32 @!p0 $0x0, s1;
	[sflag:s0] =	ssyncset.done @!p0 $0x0  }
0xde: {  	[sflag:s0] =	ssyncadd.s32 @!p0 s1  }
0xdf: {  	[bflag:$0x3] =	sbarrier.arrive $0xFFFF  }
0xe0: {  	_ =	shalt  }

// kernel: kernel.14.cloned.1.call-start
scs
__scs_entry_jumppad:
0x0: {  	(pc) =	sbr.rel $0x88, $3  }
0x1: {  	(tag) =	ssettag $0x0;
	lr =	simm.s32 $0x1  }
0x2: {  	[smem:$0x3F8B] =	sst lr;
	_ =	strace $0xD0000000  }
0x3: {  	_ = 	snop  }
0x4: {  	_ = 	snop  }
0x5: {  	_ = 	snop  }
0x6: {  	_ = 	snop  }
0x7: {  	_ = 	snop  }
__scs_overlays_trampoline_lowered:
0x8: {  	[smem:$0x3F9A] =	sst s0  }
0x9: {  	[smem:$0x3F9B] =	sst s1  }
0xa: {  	[smem:$0x3F9C] =	sst s2  }
0xb: {  	[smem:$0x3F9D] =	sst s3  }
0xc: {  	[smem:$0x3F9E] =	sst s4  }
0xd: {  	[smem:$0x3F9F] =	sst s5  }
0xe: {  	[smem:$0x3FA0] =	sst s6  }
0xf: {  	[smem:$0x3FA1] =	sst s7  }
0x10: {  	[smem:$0x3FA2] =	sst s8  }
0x11: {  	[smem:$0x3FA3] =	sst s9;
	s0 =	simm.s32 @!p0 $0x0  }
0x12: {  	s1 =	sld [smem:$0x3F89];
	s0 =	simm.s32 @p0 $0x1  }
0x13: {  	[smem:$0x3FA4] =	sst s0;
	s0 =	simm.s32 @!p1 $0x0  }
0x14: {  	s2 =	sld [smem:$0x3F88];
	s0 =	simm.s32 @p1 $0x1  }
0x15: {  	[smem:$0x3FA5] =	sst s0;
	s0 =	simm.s32 @!p2 $0x0  }
0x16: {  	s3 =	sld [smem:$0x3FDB];
	s0 =	simm.s32 @p2 $0x1  }
0x17: {  	s4 =	simm.s32 $0x1BF5;
	[smem:$0x3FA7] =	sst s0  }
0x18: {  	s0 =	sld [smem:$0x3F8A];
	_ =	swait.ge [sflag:s4], $0x0  }
0x19: {  	s7 =	sld [smem:$0x3F8B]  }
0x1a: {  	s8 =	sadd.s32 $0xFFFFE003, lr  }
0x1b: {  	s9 =	sadd.s32 $0xFFFFFEF7, lr;
	s5 =	simm.s32 $0xFFFFFFFF;
	p2 =	slt.u32 s8, $0xFFFFF086  }
0x1c: {  	p1 =	slt.u32 s9, $0xF7A;
	s5 =	simm.s32 @!p2 $0x0  }
0x1d: {  	s5 =	simm.s32 @p1 $0x1;
	p0 =	seq.s32 s7, s2  }
0x1e: {  	s7 =	smul.u32 @!p0 $0xF7A, s2;
	p2 =	seq.s32 @!p0 s5, $0x0  }
0x1f: {  	s9 =	smul.u32 $0xF7A, s1;
	s8 =	simm.s32 @!p0 $0x1BF5;
	p2 =	por !p2, p0  }
0x20: {  	[sflag:s8] =	ssyncset.s32 @!p0 $0xFFFFF086;
	s6 =	sadd.s32 @!p0 s3, s7;
	s7 =	simm.s32 @!p0 $0x108  }
0x21: {  	s3 =	sadd.s32 s3, s9;
	s6 =	sadd.s32 @!p0 $0x88, s6;
	s7 =	simm.s32 @p2 $0x1082  }
0x22: {  	[simem:s7], [sflag:s8] =	dma.local @!p0 [hbm:s6], $0xF7A  }
0x23: {  	s9 =	sor.u32 $0xD0000000, s2;
	s6 =	simm.s32 $0x108;
	_ =	swait.ge @!p0 [sflag:s8], $0x0  }
0x24: {  	s3 =	sadd.s32 $0x88, s3;
	s6 =	simm.s32 @!p1 $0x1082;
	[sflag:s4] =	ssyncset.s32 $0xFFFFF086  }
0x25: {  	[simem:s6], [sflag:s4] =	dma.local [hbm:s3], $0xF7A  }
0x26: {  	[smem:$0x3F8B] =	sst s1;
	(tag) =	ssettag s2;
	_ =	strace s9  }
0x27: {  	s1 =	sld [smem:$0x3F9B]  }
0x28: {  	s2 =	sld [smem:$0x3F9C]  }
0x29: {  	s4 =	sld [smem:$0x3F9E]  }
0x2a: {  	p0 =	seq.s32 s5, $0x0;
	s5 =	sld [smem:$0x3F9F]  }
0x2b: {  	s6 =	sld [smem:$0x3FA0]  }
0x2c: {  	s7 =	sld [smem:$0x3FA1]  }
0x2d: {  	s3 =	simm.s32 $0x108;
	s8 =	sld [smem:$0x3FA2]  }
0x2e: {  	s3 =	simm.s32 @!p0 $0x1082;
	s9 =	sld [smem:$0x3FA3]  }
0x2f: {  	lr =	sadd.s32 s0, s3;
	s0 =	sld [smem:$0x3F9A]  }
0x30: {  	s3 =	sld [smem:$0x3F9D]  }
0x31: {  	[smem:$0x3FA6] =	sst s10  }
0x32: {  	s10 =	sld [smem:$0x3FA4];
	_ =	sdelay $0x3  }
0x33: {  	p0 =	seq.s32 s10, $0x1;
	s10 =	sld [smem:$0x3FA6];
	_ =	sdelay $0x3  }
0x34: {  	[smem:$0x3FA6] =	sst s10  }
0x35: {  	s10 =	sld [smem:$0x3FA5];
	_ =	sdelay $0x3  }
0x36: {  	p1 =	seq.s32 s10, $0x1;
	s10 =	sld [smem:$0x3FA6];
	_ =	sdelay $0x3  }
0x37: {  	[smem:$0x3FA6] =	sst s10  }
0x38: {  	s10 =	sld [smem:$0x3FA7]  }
0x39: {  	_ = 	snop;
	(pc) =	sbr.ind lr, $3  }
0x3a: {  	_ = 	snop  }
0x3b: {  	_ = 	snop  }
0x3c: {  	p2 =	seq.s32 s10, $0x1;
	s10 =	sld [smem:$0x3FA6]  }
0x3d: {  	_ =	shalt  }
0x3e: {  	_ =	shalt  }
0x3f: {  	_ =	shalt  }
0x40: {  	_ =	shalt  }
0x41: {  	_ =	shalt  }
0x42: {  	_ =	shalt  }
0x43: {  	_ =	shalt  }
0x44: {  	_ =	shalt  }
0x45: {  	_ =	shalt  }
0x46: {  	_ =	shalt  }
0x47: {  	_ =	shalt  }
0x48: {  	_ =	shalt  }
0x49: {  	_ =	shalt  }
0x4a: {  	_ =	shalt  }
0x4b: {  	_ =	shalt  }
0x4c: {  	_ =	shalt  }
0x4d: {  	_ =	shalt  }
0x4e: {  	_ =	shalt  }
0x4f: {  	_ =	shalt  }
0x50: {  	_ =	shalt  }
0x51: {  	_ =	shalt  }
0x52: {  	_ =	shalt  }
0x53: {  	_ =	shalt  }
0x54: {  	_ =	shalt  }
0x55: {  	_ =	shalt  }
0x56: {  	_ =	shalt  }
0x57: {  	_ =	shalt  }
0x58: {  	_ =	shalt  }
0x59: {  	_ =	shalt  }
0x5a: {  	_ =	shalt  }
0x5b: {  	_ =	shalt  }
0x5c: {  	_ =	shalt  }
0x5d: {  	_ =	shalt  }
0x5e: {  	_ =	shalt  }
0x5f: {  	_ =	shalt  }
0x60: {  	_ =	shalt  }
0x61: {  	_ =	shalt  }
0x62: {  	_ =	shalt  }
0x63: {  	_ =	shalt  }
0x64: {  	_ =	shalt  }
0x65: {  	_ =	shalt  }
0x66: {  	_ =	shalt  }
0x67: {  	_ =	shalt  }
0x68: {  	_ =	shalt  }
0x69: {  	_ =	shalt  }
0x6a: {  	_ =	shalt  }
0x6b: {  	_ =	shalt  }
0x6c: {  	_ =	shalt  }
0x6d: {  	_ =	shalt  }
0x6e: {  	_ =	shalt  }
0x6f: {  	_ =	shalt  }
0x70: {  	_ =	shalt  }
0x71: {  	_ =	shalt  }
0x72: {  	_ =	shalt  }
0x73: {  	_ =	shalt  }
0x74: {  	_ =	shalt  }
0x75: {  	_ =	shalt  }
0x76: {  	_ =	shalt  }
0x77: {  	_ =	shalt  }
0x78: {  	_ =	shalt  }
0x79: {  	_ =	shalt  }
0x7a: {  	_ =	shalt  }
0x7b: {  	_ =	shalt  }
0x7c: {  	_ =	shalt  }
0x7d: {  	_ =	shalt  }
0x7e: {  	_ =	shalt  }
0x7f: {  	_ =	shalt  }
0x80: {  	_ =	shalt  }
0x81: {  	_ =	shalt  }
0x82: {  	_ =	shalt  }
0x83: {  	_ =	shalt  }
0x84: {  	_ =	shalt  }
0x85: {  	_ =	shalt  }
0x86: {  	_ =	shalt  }
0x87: {  	_ =	shalt  }
.Lfunc_end0:
.L_simem_size_0:
called_computation.2_lowered:
.L_overlay_start_0:
0x88: {  	s2 =	sld [smem:$0x3FD9]  }
0x89: {  	s3 =	sld [smem:$0x3FFE];
	_ =	sdelay $0x1  }
0x8a: {  	s1 =	srdreg.scid  }
0x8b: {  	s0 =	sand.u32 $0x1, s1  }
0x8c: {  	s16 =	sshll.u32 s0, $0xA;
	s2 =	sadd.s32 s3, s2  }
0x8d: {  	s2 =	sadd.s32 s2, s16  }
0x8e: {  	[smem:$0x3FB2] =	sst s2  }
0x8f: {  	_ = 	snop  }
0x90: {  	(tm) =	ssettm $0x1  }
0x91: {  	s17 =	sld [smem:$0x3FFB];
	_ =	sdelay $0x3  }
0x92: {  	_ =	strace s17  }
0x93: {  	s2 =	sld [smem:$0x3FFC];
	_ =	sdelay $0x3  }
0x94: {  	_ =	strace s2  }
0x95: {  	s2 =	sld [smem:$0x3FFD];
	_ =	sdelay $0x3  }
0x96: {  	_ =	strace s2  }
0x97: {  	_ =	strace $0x8FFFFFFF  }
0x98: {  	s18 =	sld [smem:$0x3FDB];
	_ =	sdelay $0x1  }
0x99: {  	s19 =	simm.s32 $_scs_section_size  }
0x9a: {  	s4 =	simm.s32 $_size__tile_overlayer_lowered;
	s5 =	simm.s32 $_tile_overlayer_lowered  }
0x9b: {  	s22 =	simm.s32 $0x1BFF;
	s21 =	sshll.u32 s5, $0x1;
	s2 =	sadd.s32 s19, s18  }
0x9c: {  	s6 =	simm.s32 $0x0;
	s20 =	sshll.u32 s4, $0x1;
	s4 =	sadd.s32 s21, s2  }
0x9d: {  	[timem:s6], [sflag:s22] =	dma.local [hbm:s4], s20  }
0x9e: {  	_ =	swait.ge [sflag:s22], s20  }
0x9f: {  	s3 =	ssub.s32 $0x0, s20;
	[sflag:s22] =	ssyncset.done $0x0  }
0xa0: {  	[sflag:s22] =	ssyncadd.s32 s3;
	_ =	sdelay $0x1  }
0xa1: {  	s23 =	simm.s32 $0x1B8B  }
0xa2: {  	_ =	swait.ge [sflag:s23], $0x1  }
0xa3: {  	[sflag:s23] =	ssyncset.done $0x0  }
0xa4: {  	s25 =	simm.s32 $0x1B8E;
	s24 =	sld [smem:$0x3FFE];
	[sflag:s23] =	ssyncadd.s32 $0xFFFFFFFF  }
0xa5: {  	s26 =	simm.s32 $execute0_lowered;
	[smem:$0x3FD2] =	sst s25  }
0xa6: {  	s4 =	sshll.u32 s26, $0x1;
	_ =	strace $0x8000004C;
	[dreg:$0x1] =	wrdreg $0xFFFFFFFF  }
0xa7: {  	s28 =	simm.s32 $_size_execute0_lowered;
	s2 =	sadd.s32 s2, s4;
	[dreg:$0x0] =	wrdreg $0x0  }
0xa8: {  	s4 =	sshll.u32 s28, $0x1;
	[dreg:$0x2] =	wrdreg s2  }
0xa9: {  	[dreg:$0x3] =	wrdreg s4  }
0xaa: {  	[dreg:$0x4] =	wrdreg $0xC0  }
0xab: {  	_ =	task [dreg:s6], $0x5FFFF  }
0xac: {  	[dreg:$0x1] =	wrdreg $0xFFFFFFFF  }
0xad: {  	[dreg:$0x0] =	wrdreg $0x60  }
0xae: {  	[dreg:$0x2] =	wrdreg s24  }
0xaf: {  	[dreg:$0x3] =	wrdreg $0xA8000  }
0xb0: {  	[dreg:$0x4] =	wrdreg $0x9  }
0xb1: {  	_ =	task.clear_ibuf [dreg:s6], $0x5FFFF;
	_ =	strace $0x9000004C  }
0xb2: {  	s29 =	simm.s32 $0x9;
	_ =	strace $0x8000004E  }
0xb3: {  	_ =	swait.ge [sflag:s29], $0x1  }
0xb4: {  	[sflag:s29] =	ssyncadd.s32 $0xFFFFFFFF  }
0xb5: {  	_ =	strace $0x9000004E  }
0xb6: {  	_ =	sfence  }
0xb7: {  	s30 =	sld [smem:$0x0];
	_ =	sdelay $0x2  }
0xb8: {  	s31 =	sshll.u32 s1, $0xD;
	s1 =	sshrl.u32 s1, $0x2  }
0xb9: {  	s3 =	sand.u32 $0x4000, s31;
	s1 =	sadd.s32 s1, s30  }
0xba: {  	s0 =	sor.u32 s3, s0;
	s1 =	sshll.u32 s1, $0x11  }
0xbb: {  	s0 =	sor.u32 s1, s0  }
0xbc: {  	s0 =	sadd.s32 $0x8F2B, s0  }
0xbd: {  	[sflag:s0] =	ssyncadd.remote.s32 $0x1  }
0xbe: {  	_ =	sfence.sel $0xFFFF  }
0xbf: {  	[dreg:$0x0] =	wrdreg $0xFFFFFFFF;
	(pc) =	sbr.abs _section_cstart, $3  }
0xc0: {  	[dreg:$0x1] =	wrdreg $0xFFFFFFFF  }
0xc1: {  	_ =	task.clear_ibuf [dreg:s6], $0x2FFFF;
	_ =	strace $0x9FFFFFFF  }
0xc2: {  	(tm) =	ssettm $0x7FFFFFFF  }
0xc3: {  	_ =	shalt  }
tec
execute0_lowered:
.L_overlay_start_1:
0x0: {  	(tag) =	ssettag $0x1  }
0x1: {  	s5 =	rddreg [dreg:$0x0]  }
0x2: {  	s1 =	rddreg [dreg:$0x1];
	s2 =	srdreg.scid  }
0x3: {  	s3 =	simm.s32 $0x0;
	s17 =	simm.s32 $0x1400;
	s18 =	simm.s32 $0x80  }
0x4: {  	s19 =	simm.s32 $0x2800;
	s20 =	simm.s32 $0x6800;
	s21 =	simm.s32 $0x1  }
0x5: {  	s22 =	simm.s32 $0x2;
	s23 =	simm.s32 $0x1380;
	s24 =	simm.s32 $0x2700  }
0x6: {  	s25 =	simm.s32 $0x2780;
	s6 =	sand.u32 $0x1, s2;
	s2 =	stileid.u32  }
0x7: {  	s26 =	simm.s32 $0x0;
	[smem:$0x7FF] =	sst s3;
	s7 =	smul.u32 $0x140000, s6  }
0x8: {  	s12 =	sadd.s32 $0xF200, s5;
	s13 =	sadd.s32 $0x5200, s5;
	s8 =	smul.u32 $0x14000, s2  }
0x9: {  	s4 =	sshll.u32 s2, $0x1;
	_ =	strace $0x8000004D;
	s29 =	smul.u32 $0x50000, s2  }
0xa: {  	s30 =	ssub.s32 $0x2, s6;
	s9 =	sor.u32 s6, s4;
	s4 =	sadd.s32 $0x19200, s5  }
0xb: {  	s6 =	sshrl.u32 s30, $0x1;
	s7 =	sadd.s32 s8, s7;
	s28 =	smul.u32 $0x2800, s9  }
0xc: {  	s31 =	sshrl.u32 s29, $0x2;
	s16 =	ssub.s32 s30, s6;
	s7 =	sshrl.u32 s7, $0x3  }
0xd: {  	s6 =	sadd.s32 s31, s1;
	s14 =	sadd.s32 s7, s5;
	s15 =	sshrl.u32 s28, $0x3  }
0xe: {  	s8 =	sadd.s32 $0x4000, s6;
	s9 =	sadd.s32 $0x8000, s6;
	s10 =	sadd.s32 $0xC000, s6  }
0xf: {  	s5 =	sadd.s32 s12, s15;
	s7 =	sadd.s32 s13, s15;
	s15 =	sadd.s32 $0x280, s15  }
0x10: {  	s11 =	sadd.s32 $0x10000, s6;
	s14 =	sadd.s32 $0x41200, s14;
	s12 =	sadd.s32 s12, s15  }
0x11: {  	v0 =	vimm.f32 $0.0e+00;
	s13 =	sadd.s32 s13, s15;
	s15 =	smax.u32 s16, $0x1;
	s16 =	simm.s32 $0x3  }
.LBB2_1:
0x12: {  	[tilespmem:s3], [sflag:$0x3] =	stream.linear.gather [hbm4b:s5+s3], $0x1400, $0x38;
	[tilespmem:$0x1E800] =	vst v63  }
0x13: {  	_ =	swait.ge [sflag:s16], $0x1400  }
0x14: {  	[sflag:s16] =	ssyncset.done $0x0  }
0x15: {  	[sflag:s16] =	ssyncadd.s32 $0xFFFFEC00  }
0x16: {  	[tilespmem:s17], [sflag:$0x3] =	stream.linear.gather [hbm4b:s7+s3], $0x1400, $0x38;
	[tilespmem:$0x1E800] =	vst v63  }
0x17: {  	_ =	swait.ge [sflag:s16], $0x1400  }
0x18: {  	[sflag:s16] =	ssyncset.done $0x0  }
0x19: {  	s28 =	simm.s32 $0x0;
	s29 =	simm.s32 $0x200;
	[sflag:s16] =	ssyncadd.s32 $0xFFFFEC00  }
0x1a: {  	[tilespmem:s19], [sflag:$0x1] =	stream.indirect.gather [hbm4b:s4+s18], $0x80, s3, s18, $0xb8;
	[tilespmem:$0x1E800] =	vst v63  }
.LBB2_2:
0x1b: {  	p0 =	sne.s32 s29, $0xFE00;
	[tilespmem:s28+$0x6870] =	vst v0  }
0x1c: {  	[tilespmem:s28+$0x6800] =	vst v0  }
0x1d: {  	[tilespmem:s28+$0x6810] =	vst v0  }
.Ltmp0:
0x1e: {  	[tilespmem:s28+$0x6820] =	vst v0;
	(pc) =	sbr.rel @p0 .LBB2_2-.Ltmp0, $4  }
0x1f: {  	[tilespmem:s28+$0x6830] =	vst v0  }
0x20: {  	[tilespmem:s28+$0x6840] =	vst v0  }
0x21: {  	[tilespmem:s28+$0x6850] =	vst v0  }
0x22: {  	[tilespmem:s28+$0x6860] =	vst v0;
	s28 =	sshra.s32 s29, $0x2;
	s29 =	sadd.s32 $0x200, s29  }
0x23: {  	[tilespmem:s28+$0x6870] =	vst v0  }
0x24: {  	[tilespmem:s28+$0x6800] =	vst v0  }
0x25: {  	[tilespmem:s28+$0x6810] =	vst v0  }
0x26: {  	[tilespmem:s28+$0x6820] =	vst v0  }
0x27: {  	[tilespmem:s28+$0x6830] =	vst v0  }
0x28: {  	[tilespmem:s28+$0x6840] =	vst v0  }
0x29: {  	[tilespmem:s28+$0x6850] =	vst v0  }
0x2a: {  	[tilespmem:s28+$0x6860] =	vst v0  }
0x2b: {  	[spmem:s6] =	stream.linear.scatter [tilespmem:s20], [sflag:$0x3], $0x4000, $0x38;
	[tilespmem:$0x1E800] =	vst v63  }
0x2c: {  	_ =	swait.ge [sflag:s16], $0x4000  }
0x2d: {  	[sflag:s16] =	ssyncset.done $0x0  }
0x2e: {  	[sflag:s16] =	ssyncadd.s32 $0xFFFFC000  }
0x2f: {  	[spmem:s8] =	stream.linear.scatter [tilespmem:s20], [sflag:$0x3], $0x4000, $0x38;
	[tilespmem:$0x1E800] =	vst v63  }
0x30: {  	_ =	swait.ge [sflag:s16], $0x4000  }
0x31: {  	[sflag:s16] =	ssyncset.done $0x0  }
0x32: {  	[sflag:s16] =	ssyncadd.s32 $0xFFFFC000  }
0x33: {  	[spmem:s9] =	stream.linear.scatter [tilespmem:s20], [sflag:$0x3], $0x4000, $0x38;
	[tilespmem:$0x1E800] =	vst v63  }
0x34: {  	_ =	swait.ge [sflag:s16], $0x4000  }
0x35: {  	[sflag:s16] =	ssyncset.done $0x0  }
0x36: {  	[sflag:s16] =	ssyncadd.s32 $0xFFFFC000  }
0x37: {  	[spmem:s10] =	stream.linear.scatter [tilespmem:s20], [sflag:$0x3], $0x4000, $0x38;
	[tilespmem:$0x1E800] =	vst v63  }
0x38: {  	_ =	swait.ge [sflag:s16], $0x4000  }
0x39: {  	[sflag:s16] =	ssyncset.done $0x0  }
0x3a: {  	[sflag:s16] =	ssyncadd.s32 $0xFFFFC000  }
0x3b: {  	[spmem:s11] =	stream.linear.scatter [tilespmem:s20], [sflag:$0x3], $0x4000, $0x38;
	[tilespmem:$0x1E800] =	vst v63  }
0x3c: {  	_ =	swait.ge [sflag:s16], $0x4000  }
0x3d: {  	[sflag:s16] =	ssyncset.done $0x0  }
0x3e: {  	[sflag:s16] =	ssyncadd.s32 $0xFFFFC000  }
0x3f: {  	s28 =	simm.s32 $0x80;
	[bflag:$0x0] =	sbarrier.arrive $0xFFFF  }
0x40: {  	[tilespmem:s20], [sflag:$0x2] =	stream.indirect.gather [hbm4b:s4+s18], $0x80, s28, s18, $0xb8;
	[tilespmem:$0x1E800] =	vst v63  }
0x41: {  	_ =	swait.ge [sflag:s21], $0x4000  }
0x42: {  	[sflag:s21] =	ssyncset.done $0x0  }
0x43: {  	s28 =	simm.s32 $0x1400;
	[sflag:s21] =	ssyncadd.s32 $0xFFFFC000  }
0x44: {  	[spmem:s1] =	stream.indirect.scatter.add.f32 [tilespmem:s19], [sflag:$0x3], $0x80, s28, s18, $0xb8;
	[tilespmem:$0x1E800] =	vst v63  }
0x45: {  	_ =	swait.ge [sflag:s16], $0x4000  }
0x46: {  	[sflag:s16] =	ssyncset.done $0x0  }
0x47: {  	s28 =	simm.s32 $0x100;
	[sflag:s16] =	ssyncadd.s32 $0xFFFFC000  }
0x48: {  	[tilespmem:s19], [sflag:$0x1] =	stream.indirect.gather [hbm4b:s4+s18], $0x80, s28, s18, $0xb8;
	[tilespmem:$0x1E800] =	vst v63  }
0x49: {  	_ =	swait.ge [sflag:s22], $0x4000  }
0x4a: {  	[sflag:s22] =	ssyncset.done $0x0  }
0x4b: {  	s28 =	simm.s32 $0x1480;
	[sflag:s22] =	ssyncadd.s32 $0xFFFFC000  }
0x4c: {  	[spmem:s1] =	stream.indirect.scatter.add.f32 [tilespmem:s20], [sflag:$0x3], $0x80, s28, s18, $0xb8;
	[tilespmem:$0x1E800] =	vst v63  }
0x4d: {  	_ =	swait.ge [sflag:s16], $0x4000  }
0x4e: {  	s29 =	simm.s32 $0x800;
	s28 =	simm.s32 $0x100;
	[sflag:s16] =	ssyncset.done $0x0  }
.LBB2_4:
0x4f: {  	s30 =	sadd.s32 $0x80, s28  }
0x50: {  	[sflag:s16] =	ssyncadd.s32 $0xFFFFC000;
	s31 =	smov.u32 s29;
	s0 =	sadd.s32 $0x400, s29  }
0x51: {  	[tilespmem:s20], [sflag:$0x2] =	stream.indirect.gather [hbm4b:s4+s18], $0x80, s30, s18, $0xb8;
	[tilespmem:$0x1E800] =	vst v63  }
0x52: {  	p0 =	sne.s32 s29, $0x4800;
	_ =	swait.ge [sflag:s21], $0x4000  }
0x53: {  	[sflag:s21] =	ssyncset.done $0x0  }
0x54: {  	s29 =	sadd.s32 $0x1400, s28;
	[sflag:s21] =	ssyncadd.s32 $0xFFFFC000  }
0x55: {  	[spmem:s1] =	stream.indirect.scatter.add.f32 [tilespmem:s19], [sflag:$0x3], $0x80, s29, s18, $0xb8;
	[tilespmem:$0x1E800] =	vst v63  }
0x56: {  	_ =	swait.ge [sflag:s16], $0x4000  }
0x57: {  	[sflag:s16] =	ssyncset.done $0x0  }
0x58: {  	s29 =	sadd.s32 $0x100, s28;
	[sflag:s16] =	ssyncadd.s32 $0xFFFFC000  }
0x59: {  	[tilespmem:s19], [sflag:$0x1] =	stream.indirect.gather [hbm4b:s4+s18], $0x80, s29, s18, $0xb8;
	[tilespmem:$0x1E800] =	vst v63  }
0x5a: {  	_ =	swait.ge [sflag:s22], $0x4000  }
.Ltmp1:
0x5b: {  	[sflag:s22] =	ssyncset.done $0x0;
	(pc) =	sbr.rel @p0 .LBB2_4-.Ltmp1, $4  }
0x5c: {  	s28 =	sadd.s32 $0x1480, s28;
	[sflag:s22] =	ssyncadd.s32 $0xFFFFC000  }
0x5d: {  	[spmem:s1] =	stream.indirect.scatter.add.f32 [tilespmem:s20], [sflag:$0x3], $0x80, s28, s18, $0xb8;
	[tilespmem:$0x1E800] =	vst v63  }
0x5e: {  	_ =	swait.ge [sflag:s16], $0x4000  }
0x5f: {  	s29 =	smov.u32 s0;
	s28 =	sshra.s32 s31, $0x2;
	[sflag:s16] =	ssyncset.done $0x0  }
0x60: {  	s0 =	sadd.s32 $0x80, s28;
	[sflag:s16] =	ssyncadd.s32 $0xFFFFC000  }
0x61: {  	[tilespmem:s20], [sflag:$0x2] =	stream.indirect.gather [hbm4b:s4+s18], $0x80, s0, s18, $0xb8;
	[tilespmem:$0x1E800] =	vst v63  }
0x62: {  	_ =	swait.ge [sflag:s21], $0x4000  }
0x63: {  	[sflag:s21] =	ssyncset.done $0x0  }
0x64: {  	s30 =	sadd.s32 $0x1400, s28;
	[sflag:s21] =	ssyncadd.s32 $0xFFFFC000  }
0x65: {  	[spmem:s1] =	stream.indirect.scatter.add.f32 [tilespmem:s19], [sflag:$0x3], $0x80, s30, s18, $0xb8;
	[tilespmem:$0x1E800] =	vst v63  }
0x66: {  	_ =	swait.ge [sflag:s16], $0x4000  }
0x67: {  	[sflag:s16] =	ssyncset.done $0x0  }
0x68: {  	s31 =	sadd.s32 $0x100, s28;
	[sflag:s16] =	ssyncadd.s32 $0xFFFFC000  }
0x69: {  	[tilespmem:s19], [sflag:$0x1] =	stream.indirect.gather [hbm4b:s4+s18], $0x80, s31, s18, $0xb8;
	[tilespmem:$0x1E800] =	vst v63  }
0x6a: {  	_ =	swait.ge [sflag:s22], $0x4000  }
0x6b: {  	[sflag:s22] =	ssyncset.done $0x0  }
0x6c: {  	s30 =	sadd.s32 $0x1480, s28;
	[sflag:s22] =	ssyncadd.s32 $0xFFFFC000  }
0x6d: {  	[spmem:s1] =	stream.indirect.scatter.add.f32 [tilespmem:s20], [sflag:$0x3], $0x80, s30, s18, $0xb8;
	[tilespmem:$0x1E800] =	vst v63  }
0x6e: {  	_ =	swait.ge [sflag:s16], $0x4000  }
0x6f: {  	[sflag:s16] =	ssyncset.done $0x0  }
0x70: {  	[sflag:s16] =	ssyncadd.s32 $0xFFFFC000  }
0x71: {  	[tilespmem:s20], [sflag:$0x2] =	stream.indirect.gather [hbm4b:s4+s18], $0x80, s23, s18, $0xb8;
	[tilespmem:$0x1E800] =	vst v63  }
0x72: {  	_ =	swait.ge [sflag:s21], $0x4000  }
0x73: {  	[sflag:s21] =	ssyncset.done $0x0  }
0x74: {  	[sflag:s21] =	ssyncadd.s32 $0xFFFFC000  }
0x75: {  	[spmem:s1] =	stream.indirect.scatter.add.f32 [tilespmem:s19], [sflag:$0x3], $0x80, s24, s18, $0xb8;
	[tilespmem:$0x1E800] =	vst v63  }
0x76: {  	_ =	swait.ge [sflag:s16], $0x4000  }
0x77: {  	[sflag:s16] =	ssyncset.done $0x0  }
0x78: {  	[sflag:s16] =	ssyncadd.s32 $0xFFFFC000  }
0x79: {  	_ =	swait.ge [sflag:s22], $0x4000  }
0x7a: {  	[sflag:s22] =	ssyncset.done $0x0  }
0x7b: {  	[sflag:s22] =	ssyncadd.s32 $0xFFFFC000  }
0x7c: {  	[spmem:s1] =	stream.indirect.scatter.add.f32 [tilespmem:s20], [sflag:$0x3], $0x80, s25, s18, $0xb8;
	[tilespmem:$0x1E800] =	vst v63  }
0x7d: {  	_ =	swait.ge [sflag:s16], $0x4000  }
0x7e: {  	[sflag:s16] =	ssyncset.done $0x0  }
0x7f: {  	s31 =	simm.s32 $0x0;
	[sflag:s16] =	ssyncadd.s32 $0xFFFFC000  }
0x80: {  	[tilespmem:s31], [sflag:$0x3] =	stream.linear.gather [hbm4b:s12+s31], $0x1400, $0x38;
	[tilespmem:$0x1E800] =	vst v63  }
0x81: {  	_ =	swait.ge [sflag:s16], $0x1400  }
0x82: {  	[sflag:s16] =	ssyncset.done $0x0  }
0x83: {  	[sflag:s16] =	ssyncadd.s32 $0xFFFFEC00  }
0x84: {  	[tilespmem:s17], [sflag:$0x3] =	stream.linear.gather [hbm4b:s13+s31], $0x1400, $0x38;
	[tilespmem:$0x1E800] =	vst v63  }
0x85: {  	_ =	swait.ge [sflag:s16], $0x1400  }
0x86: {  	[sflag:s16] =	ssyncset.done $0x0  }
0x87: {  	[sflag:s16] =	ssyncadd.s32 $0xFFFFEC00  }
0x88: {  	[tilespmem:s19], [sflag:$0x1] =	stream.indirect.gather [hbm4b:s4+s18], $0x80, s31, s18, $0xb8;
	[tilespmem:$0x1E800] =	vst v63  }
0x89: {  	s30 =	simm.s32 $0x80  }
0x8a: {  	[tilespmem:s20], [sflag:$0x2] =	stream.indirect.gather [hbm4b:s4+s18], $0x80, s30, s18, $0xb8;
	[tilespmem:$0x1E800] =	vst v63  }
0x8b: {  	_ =	swait.ge [sflag:s21], $0x4000  }
0x8c: {  	[sflag:s21] =	ssyncset.done $0x0  }
0x8d: {  	s31 =	simm.s32 $0x1400;
	[sflag:s21] =	ssyncadd.s32 $0xFFFFC000  }
0x8e: {  	[spmem:s1] =	stream.indirect.scatter.add.f32 [tilespmem:s19], [sflag:$0x3], $0x80, s31, s18, $0xb8;
	[tilespmem:$0x1E800] =	vst v63  }
0x8f: {  	_ =	swait.ge [sflag:s16], $0x4000  }
0x90: {  	[sflag:s16] =	ssyncset.done $0x0  }
0x91: {  	s30 =	simm.s32 $0x100;
	[sflag:s16] =	ssyncadd.s32 $0xFFFFC000  }
0x92: {  	[tilespmem:s19], [sflag:$0x1] =	stream.indirect.gather [hbm4b:s4+s18], $0x80, s30, s18, $0xb8;
	[tilespmem:$0x1E800] =	vst v63  }
0x93: {  	_ =	swait.ge [sflag:s22], $0x4000  }
0x94: {  	[sflag:s22] =	ssyncset.done $0x0  }
0x95: {  	s31 =	simm.s32 $0x1480;
	[sflag:s22] =	ssyncadd.s32 $0xFFFFC000  }
0x96: {  	[spmem:s1] =	stream.indirect.scatter.add.f32 [tilespmem:s20], [sflag:$0x3], $0x80, s31, s18, $0xb8;
	[tilespmem:$0x1E800] =	vst v63  }
0x97: {  	_ =	swait.ge [sflag:s16], $0x4000  }
0x98: {  	s29 =	simm.s32 $0x800;
	s28 =	simm.s32 $0x100;
	[sflag:s16] =	ssyncset.done $0x0  }
.LBB2_6:
0x99: {  	s0 =	sadd.s32 $0x80, s28  }
0x9a: {  	[sflag:s16] =	ssyncadd.s32 $0xFFFFC000;
	s30 =	smov.u32 s29;
	s31 =	sadd.s32 $0x400, s29  }
0x9b: {  	[tilespmem:s20], [sflag:$0x2] =	stream.indirect.gather [hbm4b:s4+s18], $0x80, s0, s18, $0xb8;
	[tilespmem:$0x1E800] =	vst v63  }
0x9c: {  	p0 =	sne.s32 s29, $0x4800;
	_ =	swait.ge [sflag:s21], $0x4000  }
0x9d: {  	[sflag:s21] =	ssyncset.done $0x0  }
0x9e: {  	s0 =	sadd.s32 $0x1400, s28;
	[sflag:s21] =	ssyncadd.s32 $0xFFFFC000  }
0x9f: {  	[spmem:s1] =	stream.indirect.scatter.add.f32 [tilespmem:s19], [sflag:$0x3], $0x80, s0, s18, $0xb8;
	[tilespmem:$0x1E800] =	vst v63  }
0xa0: {  	_ =	swait.ge [sflag:s16], $0x4000  }
0xa1: {  	[sflag:s16] =	ssyncset.done $0x0  }
0xa2: {  	s0 =	sadd.s32 $0x100, s28;
	[sflag:s16] =	ssyncadd.s32 $0xFFFFC000  }
0xa3: {  	[tilespmem:s19], [sflag:$0x1] =	stream.indirect.gather [hbm4b:s4+s18], $0x80, s0, s18, $0xb8;
	[tilespmem:$0x1E800] =	vst v63  }
0xa4: {  	_ =	swait.ge [sflag:s22], $0x4000  }
.Ltmp2:
0xa5: {  	[sflag:s22] =	ssyncset.done $0x0;
	(pc) =	sbr.rel @p0 .LBB2_6-.Ltmp2, $4  }
0xa6: {  	s0 =	sadd.s32 $0x1480, s28;
	[sflag:s22] =	ssyncadd.s32 $0xFFFFC000  }
0xa7: {  	[spmem:s1] =	stream.indirect.scatter.add.f32 [tilespmem:s20], [sflag:$0x3], $0x80, s0, s18, $0xb8;
	[tilespmem:$0x1E800] =	vst v63  }
0xa8: {  	_ =	swait.ge [sflag:s16], $0x4000  }
0xa9: {  	s29 =	smov.u32 s31;
	s28 =	sshra.s32 s30, $0x2;
	[sflag:s16] =	ssyncset.done $0x0  }
0xaa: {  	s0 =	sadd.s32 $0x80, s28;
	[sflag:s16] =	ssyncadd.s32 $0xFFFFC000  }
0xab: {  	[tilespmem:s20], [sflag:$0x2] =	stream.indirect.gather [hbm4b:s4+s18], $0x80, s0, s18, $0xb8;
	[tilespmem:$0x1E800] =	vst v63  }
0xac: {  	_ =	swait.ge [sflag:s21], $0x4000  }
0xad: {  	[sflag:s21] =	ssyncset.done $0x0  }
0xae: {  	s30 =	sadd.s32 $0x1400, s28;
	[sflag:s21] =	ssyncadd.s32 $0xFFFFC000  }
0xaf: {  	[spmem:s1] =	stream.indirect.scatter.add.f32 [tilespmem:s19], [sflag:$0x3], $0x80, s30, s18, $0xb8;
	[tilespmem:$0x1E800] =	vst v63  }
0xb0: {  	_ =	swait.ge [sflag:s16], $0x4000  }
0xb1: {  	[sflag:s16] =	ssyncset.done $0x0  }
0xb2: {  	s31 =	sadd.s32 $0x100, s28;
	[sflag:s16] =	ssyncadd.s32 $0xFFFFC000  }
0xb3: {  	[tilespmem:s19], [sflag:$0x1] =	stream.indirect.gather [hbm4b:s4+s18], $0x80, s31, s18, $0xb8;
	[tilespmem:$0x1E800] =	vst v63  }
0xb4: {  	_ =	swait.ge [sflag:s22], $0x4000  }
0xb5: {  	[sflag:s22] =	ssyncset.done $0x0  }
0xb6: {  	s29 =	sadd.s32 $0x1480, s28;
	[sflag:s22] =	ssyncadd.s32 $0xFFFFC000  }
0xb7: {  	[spmem:s1] =	stream.indirect.scatter.add.f32 [tilespmem:s20], [sflag:$0x3], $0x80, s29, s18, $0xb8;
	[tilespmem:$0x1E800] =	vst v63  }
0xb8: {  	_ =	swait.ge [sflag:s16], $0x4000  }
0xb9: {  	[sflag:s16] =	ssyncset.done $0x0  }
0xba: {  	[sflag:s16] =	ssyncadd.s32 $0xFFFFC000  }
0xbb: {  	[tilespmem:s20], [sflag:$0x2] =	stream.indirect.gather [hbm4b:s4+s18], $0x80, s23, s18, $0xb8;
	[tilespmem:$0x1E800] =	vst v63  }
0xbc: {  	_ =	swait.ge [sflag:s21], $0x4000  }
0xbd: {  	[sflag:s21] =	ssyncset.done $0x0  }
0xbe: {  	[sflag:s21] =	ssyncadd.s32 $0xFFFFC000  }
0xbf: {  	[spmem:s1] =	stream.indirect.scatter.add.f32 [tilespmem:s19], [sflag:$0x3], $0x80, s24, s18, $0xb8;
	[tilespmem:$0x1E800] =	vst v63  }
0xc0: {  	_ =	swait.ge [sflag:s16], $0x4000  }
0xc1: {  	[sflag:s16] =	ssyncset.done $0x0  }
0xc2: {  	[sflag:s16] =	ssyncadd.s32 $0xFFFFC000  }
0xc3: {  	_ =	swait.ge [sflag:s22], $0x4000  }
0xc4: {  	[sflag:s22] =	ssyncset.done $0x0  }
0xc5: {  	[sflag:s22] =	ssyncadd.s32 $0xFFFFC000  }
0xc6: {  	[spmem:s1] =	stream.indirect.scatter.add.f32 [tilespmem:s20], [sflag:$0x3], $0x80, s25, s18, $0xb8;
	[tilespmem:$0x1E800] =	vst v63  }
0xc7: {  	_ =	swait.ge [sflag:s16], $0x4000  }
0xc8: {  	s26 =	sadd.s32 $0x1, s26;
	s30 =	sshll.u32 s2, $0x6;
	[sflag:s16] =	ssyncset.done $0x0  }
0xc9: {  	p0 =	sne.s32 s26, s15;
	s0 =	sor.u32 $0x1C03, s30;
	[sflag:s16] =	ssyncadd.s32 $0xFFFFC000  }
.Ltmp3:
0xca: {  	s31 =	sshrl.u32 s6, $0x3;
	[bflag:$0x0] =	sbarrier.arrive $0xFFFF;
	(pc) =	sbr.rel @p0 .LBB2_1-.Ltmp3, $4  }
0xcb: {  	[hbm:s14], [sflag:s0] =	dma.local [spmem:s31], $0x2800  }
0xcc: {  	_ =	swait.ge [sflag:s16], $0x2800  }
0xcd: {  	[sflag:s16] =	ssyncset.done $0x0  }
0xce: {  	[sflag:s16] =	ssyncadd.s32 $0xFFFFD800  }
0xcf: {  	_ =	sfence.sel $0x180000  }
0xd0: {  	[bflag:$0x0] =	sbarrier.arrive $0xFFFF  }
0xd1: {  	_ =	strace $0x9000004D  }
0xd2: {  	[bflag:$0x2] =	sbarrier.arrive $0xFFFF  }
0xd3: {  	p0 =	sne.s32 s2, $0x0;
	s0 =	rddreg [dreg:$0x2]  }
0xd4: {  	s0 =	sadd.s32 @!p0 $0x100000, s0  }
0xd5: {  	[sflag:s0] =	ssyncadd.tile.s32 @!p0 $0x1;
	_ =	shalt  }
.Lfunc_end2:
_tile_overlayer_lowered:
.L_overlay_start_2:
0xd6: {  	(tag) =	ssettag $0x2  }
0xd7: {  	s0 =	rddreg [dreg:$0x0];
	s2 =	stileid.u32  }
0xd8: {  	s1 =	rddreg [dreg:$0x1];
	p0 =	sne.s32 s2, $0x0  }
0xd9: {  	s3 =	rddreg [dreg:$0x2];
	[bflag:$0x3] =	sbarrier.arrive $0xFFFF;
	s2 =	simm.s32 @!p0 $0x1C03  }
0xda: {  	[timem:s3], [sflag:s2] =	dma.local @!p0 [hbm:s0], s1  }
0xdb: {  	s0 =	simm.s32 @!p0 $0x3  }
0xdc: {  	_ =	swait.ge @!p0 [sflag:s0], s1  }
0xdd: {  	s1 =	ssub.s32 @!p0 $0x0, s1;
	[sflag:s0] =	ssyncset.done @!p0 $0x0  }
0xde: {  	[sflag:s0] =	ssyncadd.s32 @!p0 s1  }
0xdf: {  	[bflag:$0x3] =	sbarrier.arrive $0xFFFF  }
0xe0: {  	_ =	shalt  }

// kernel: kernel.8.cloned.1.call-start
scs
__scs_entry_jumppad:
0x0: {  	(pc) =	sbr.rel $0x88, $3  }
0x1: {  	(tag) =	ssettag $0x0;
	lr =	simm.s32 $0x1  }
0x2: {  	[smem:$0x3F8B] =	sst lr;
	_ =	strace $0xD0000000  }
0x3: {  	_ = 	snop  }
0x4: {  	_ = 	snop  }
0x5: {  	_ = 	snop  }
0x6: {  	_ = 	snop  }
0x7: {  	_ = 	snop  }
__scs_overlays_trampoline_lowered:
0x8: {  	[smem:$0x3F9A] =	sst s0  }
0x9: {  	[smem:$0x3F9B] =	sst s1  }
0xa: {  	[smem:$0x3F9C] =	sst s2  }
0xb: {  	[smem:$0x3F9D] =	sst s3  }
0xc: {  	[smem:$0x3F9E] =	sst s4  }
0xd: {  	[smem:$0x3F9F] =	sst s5  }
0xe: {  	[smem:$0x3FA0] =	sst s6  }
0xf: {  	[smem:$0x3FA1] =	sst s7  }
0x10: {  	[smem:$0x3FA2] =	sst s8  }
0x11: {  	[smem:$0x3FA3] =	sst s9;
	s0 =	simm.s32 @!p0 $0x0  }
0x12: {  	s1 =	sld [smem:$0x3F89];
	s0 =	simm.s32 @p0 $0x1  }
0x13: {  	[smem:$0x3FA4] =	sst s0;
	s0 =	simm.s32 @!p1 $0x0  }
0x14: {  	s2 =	sld [smem:$0x3F88];
	s0 =	simm.s32 @p1 $0x1  }
0x15: {  	[smem:$0x3FA5] =	sst s0;
	s0 =	simm.s32 @!p2 $0x0  }
0x16: {  	s3 =	sld [smem:$0x3FDB];
	s0 =	simm.s32 @p2 $0x1  }
0x17: {  	s4 =	simm.s32 $0x1BF5;
	[smem:$0x3FA7] =	sst s0  }
0x18: {  	s0 =	sld [smem:$0x3F8A];
	_ =	swait.ge [sflag:s4], $0x0  }
0x19: {  	s7 =	sld [smem:$0x3F8B]  }
0x1a: {  	s8 =	sadd.s32 $0xFFFFE003, lr  }
0x1b: {  	s9 =	sadd.s32 $0xFFFFFEF7, lr;
	s5 =	simm.s32 $0xFFFFFFFF;
	p2 =	slt.u32 s8, $0xFFFFF086  }
0x1c: {  	p1 =	slt.u32 s9, $0xF7A;
	s5 =	simm.s32 @!p2 $0x0  }
0x1d: {  	s5 =	simm.s32 @p1 $0x1;
	p0 =	seq.s32 s7, s2  }
0x1e: {  	s7 =	smul.u32 @!p0 $0xF7A, s2;
	p2 =	seq.s32 @!p0 s5, $0x0  }
0x1f: {  	s9 =	smul.u32 $0xF7A, s1;
	s8 =	simm.s32 @!p0 $0x1BF5;
	p2 =	por !p2, p0  }
0x20: {  	[sflag:s8] =	ssyncset.s32 @!p0 $0xFFFFF086;
	s6 =	sadd.s32 @!p0 s3, s7;
	s7 =	simm.s32 @!p0 $0x108  }
0x21: {  	s3 =	sadd.s32 s3, s9;
	s6 =	sadd.s32 @!p0 $0x88, s6;
	s7 =	simm.s32 @p2 $0x1082  }
0x22: {  	[simem:s7], [sflag:s8] =	dma.local @!p0 [hbm:s6], $0xF7A  }
0x23: {  	s9 =	sor.u32 $0xD0000000, s2;
	s6 =	simm.s32 $0x108;
	_ =	swait.ge @!p0 [sflag:s8], $0x0  }
0x24: {  	s3 =	sadd.s32 $0x88, s3;
	s6 =	simm.s32 @!p1 $0x1082;
	[sflag:s4] =	ssyncset.s32 $0xFFFFF086  }
0x25: {  	[simem:s6], [sflag:s4] =	dma.local [hbm:s3], $0xF7A  }
0x26: {  	[smem:$0x3F8B] =	sst s1;
	(tag) =	ssettag s2;
	_ =	strace s9  }
0x27: {  	s1 =	sld [smem:$0x3F9B]  }
0x28: {  	s2 =	sld [smem:$0x3F9C]  }
0x29: {  	s4 =	sld [smem:$0x3F9E]  }
0x2a: {  	p0 =	seq.s32 s5, $0x0;
	s5 =	sld [smem:$0x3F9F]  }
0x2b: {  	s6 =	sld [smem:$0x3FA0]  }
0x2c: {  	s7 =	sld [smem:$0x3FA1]  }
0x2d: {  	s3 =	simm.s32 $0x108;
	s8 =	sld [smem:$0x3FA2]  }
0x2e: {  	s3 =	simm.s32 @!p0 $0x1082;
	s9 =	sld [smem:$0x3FA3]  }
0x2f: {  	lr =	sadd.s32 s0, s3;
	s0 =	sld [smem:$0x3F9A]  }
0x30: {  	s3 =	sld [smem:$0x3F9D]  }
0x31: {  	[smem:$0x3FA6] =	sst s10  }
0x32: {  	s10 =	sld [smem:$0x3FA4];
	_ =	sdelay $0x3  }
0x33: {  	p0 =	seq.s32 s10, $0x1;
	s10 =	sld [smem:$0x3FA6];
	_ =	sdelay $0x3  }
0x34: {  	[smem:$0x3FA6] =	sst s10  }
0x35: {  	s10 =	sld [smem:$0x3FA5];
	_ =	sdelay $0x3  }
0x36: {  	p1 =	seq.s32 s10, $0x1;
	s10 =	sld [smem:$0x3FA6];
	_ =	sdelay $0x3  }
0x37: {  	[smem:$0x3FA6] =	sst s10  }
0x38: {  	s10 =	sld [smem:$0x3FA7]  }
0x39: {  	_ = 	snop;
	(pc) =	sbr.ind lr, $3  }
0x3a: {  	_ = 	snop  }
0x3b: {  	_ = 	snop  }
0x3c: {  	p2 =	seq.s32 s10, $0x1;
	s10 =	sld [smem:$0x3FA6]  }
0x3d: {  	_ =	shalt  }
0x3e: {  	_ =	shalt  }
0x3f: {  	_ =	shalt  }
0x40: {  	_ =	shalt  }
0x41: {  	_ =	shalt  }
0x42: {  	_ =	shalt  }
0x43: {  	_ =	shalt  }
0x44: {  	_ =	shalt  }
0x45: {  	_ =	shalt  }
0x46: {  	_ =	shalt  }
0x47: {  	_ =	shalt  }
0x48: {  	_ =	shalt  }
0x49: {  	_ =	shalt  }
0x4a: {  	_ =	shalt  }
0x4b: {  	_ =	shalt  }
0x4c: {  	_ =	shalt  }
0x4d: {  	_ =	shalt  }
0x4e: {  	_ =	shalt  }
0x4f: {  	_ =	shalt  }
0x50: {  	_ =	shalt  }
0x51: {  	_ =	shalt  }
0x52: {  	_ =	shalt  }
0x53: {  	_ =	shalt  }
0x54: {  	_ =	shalt  }
0x55: {  	_ =	shalt  }
0x56: {  	_ =	shalt  }
0x57: {  	_ =	shalt  }
0x58: {  	_ =	shalt  }
0x59: {  	_ =	shalt  }
0x5a: {  	_ =	shalt  }
0x5b: {  	_ =	shalt  }
0x5c: {  	_ =	shalt  }
0x5d: {  	_ =	shalt  }
0x5e: {  	_ =	shalt  }
0x5f: {  	_ =	shalt  }
0x60: {  	_ =	shalt  }
0x61: {  	_ =	shalt  }
0x62: {  	_ =	shalt  }
0x63: {  	_ =	shalt  }
0x64: {  	_ =	shalt  }
0x65: {  	_ =	shalt  }
0x66: {  	_ =	shalt  }
0x67: {  	_ =	shalt  }
0x68: {  	_ =	shalt  }
0x69: {  	_ =	shalt  }
0x6a: {  	_ =	shalt  }
0x6b: {  	_ =	shalt  }
0x6c: {  	_ =	shalt  }
0x6d: {  	_ =	shalt  }
0x6e: {  	_ =	shalt  }
0x6f: {  	_ =	shalt  }
0x70: {  	_ =	shalt  }
0x71: {  	_ =	shalt  }
0x72: {  	_ =	shalt  }
0x73: {  	_ =	shalt  }
0x74: {  	_ =	shalt  }
0x75: {  	_ =	shalt  }
0x76: {  	_ =	shalt  }
0x77: {  	_ =	shalt  }
0x78: {  	_ =	shalt  }
0x79: {  	_ =	shalt  }
0x7a: {  	_ =	shalt  }
0x7b: {  	_ =	shalt  }
0x7c: {  	_ =	shalt  }
0x7d: {  	_ =	shalt  }
0x7e: {  	_ =	shalt  }
0x7f: {  	_ =	shalt  }
0x80: {  	_ =	shalt  }
0x81: {  	_ =	shalt  }
0x82: {  	_ =	shalt  }
0x83: {  	_ =	shalt  }
0x84: {  	_ =	shalt  }
0x85: {  	_ =	shalt  }
0x86: {  	_ =	shalt  }
0x87: {  	_ =	shalt  }
.Lfunc_end0:
.L_simem_size_0:
called_computation_lowered:
.L_overlay_start_0:
0x88: {  	s2 =	sld [smem:$0x3FD9]  }
0x89: {  	s3 =	sld [smem:$0x3FFE];
	_ =	sdelay $0x1  }
0x8a: {  	s1 =	srdreg.scid  }
0x8b: {  	s0 =	sand.u32 $0x1, s1  }
0x8c: {  	s16 =	sshll.u32 s0, $0xA;
	s2 =	sadd.s32 s3, s2  }
0x8d: {  	s2 =	sadd.s32 s2, s16  }
0x8e: {  	[smem:$0x3FB2] =	sst s2  }
0x8f: {  	_ = 	snop  }
0x90: {  	(tm) =	ssettm $0x1  }
0x91: {  	s17 =	sld [smem:$0x3FFB];
	_ =	sdelay $0x3  }
0x92: {  	_ =	strace s17  }
0x93: {  	s2 =	sld [smem:$0x3FFC];
	_ =	sdelay $0x3  }
0x94: {  	_ =	strace s2  }
0x95: {  	s2 =	sld [smem:$0x3FFD];
	_ =	sdelay $0x3  }
0x96: {  	_ =	strace s2  }
0x97: {  	_ =	strace $0x8FFFFFFF  }
0x98: {  	s18 =	sld [smem:$0x3FDB];
	_ =	sdelay $0x1  }
0x99: {  	s19 =	simm.s32 $_scs_section_size  }
0x9a: {  	s4 =	simm.s32 $_size__tile_overlayer_lowered;
	s5 =	simm.s32 $_tile_overlayer_lowered  }
0x9b: {  	s22 =	simm.s32 $0x1BFF;
	s21 =	sshll.u32 s5, $0x1;
	s2 =	sadd.s32 s19, s18  }
0x9c: {  	s6 =	simm.s32 $0x0;
	s20 =	sshll.u32 s4, $0x1;
	s4 =	sadd.s32 s21, s2  }
0x9d: {  	[timem:s6], [sflag:s22] =	dma.local [hbm:s4], s20  }
0x9e: {  	_ =	swait.ge [sflag:s22], s20  }
0x9f: {  	s3 =	ssub.s32 $0x0, s20;
	[sflag:s22] =	ssyncset.done $0x0  }
0xa0: {  	[sflag:s22] =	ssyncadd.s32 s3;
	_ =	sdelay $0x1  }
0xa1: {  	s23 =	simm.s32 $0x1B8B  }
0xa2: {  	_ =	swait.ge [sflag:s23], $0x1  }
0xa3: {  	[sflag:s23] =	ssyncset.done $0x0  }
0xa4: {  	s25 =	simm.s32 $0x1B8E;
	s24 =	sld [smem:$0x3FFE];
	[sflag:s23] =	ssyncadd.s32 $0xFFFFFFFF  }
0xa5: {  	s26 =	simm.s32 $execute0_lowered;
	[smem:$0x3FD2] =	sst s25  }
0xa6: {  	s4 =	sshll.u32 s26, $0x1;
	_ =	strace $0x80000046;
	[dreg:$0x1] =	wrdreg $0xFFFFFFFF  }
0xa7: {  	s28 =	simm.s32 $_size_execute0_lowered;
	s2 =	sadd.s32 s2, s4;
	[dreg:$0x0] =	wrdreg $0x0  }
0xa8: {  	s4 =	sshll.u32 s28, $0x1;
	[dreg:$0x2] =	wrdreg s2  }
0xa9: {  	[dreg:$0x3] =	wrdreg s4  }
0xaa: {  	[dreg:$0x4] =	wrdreg $0xC0  }
0xab: {  	_ =	task [dreg:s6], $0x5FFFF  }
0xac: {  	[dreg:$0x1] =	wrdreg $0xFFFFFFFF  }
0xad: {  	[dreg:$0x0] =	wrdreg $0x60  }
0xae: {  	[dreg:$0x2] =	wrdreg s24  }
0xaf: {  	[dreg:$0x3] =	wrdreg $0xA8000  }
0xb0: {  	[dreg:$0x4] =	wrdreg $0x9  }
0xb1: {  	_ =	task.clear_ibuf [dreg:s6], $0x5FFFF;
	_ =	strace $0x90000046  }
0xb2: {  	s29 =	simm.s32 $0x9;
	_ =	strace $0x80000048  }
0xb3: {  	_ =	swait.ge [sflag:s29], $0x1  }
0xb4: {  	[sflag:s29] =	ssyncadd.s32 $0xFFFFFFFF  }
0xb5: {  	_ =	strace $0x90000048  }
0xb6: {  	_ =	sfence  }
0xb7: {  	s30 =	sld [smem:$0x0];
	_ =	sdelay $0x2  }
0xb8: {  	s31 =	sshll.u32 s1, $0xD;
	s1 =	sshrl.u32 s1, $0x2  }
0xb9: {  	s3 =	sand.u32 $0x4000, s31;
	s1 =	sadd.s32 s1, s30  }
0xba: {  	s0 =	sor.u32 s3, s0;
	s1 =	sshll.u32 s1, $0x11  }
0xbb: {  	s0 =	sor.u32 s1, s0  }
0xbc: {  	s0 =	sadd.s32 $0x8F2B, s0  }
0xbd: {  	[sflag:s0] =	ssyncadd.remote.s32 $0x1  }
0xbe: {  	_ =	sfence.sel $0xFFFF  }
0xbf: {  	[dreg:$0x0] =	wrdreg $0xFFFFFFFF;
	(pc) =	sbr.abs _section_cstart, $3  }
0xc0: {  	[dreg:$0x1] =	wrdreg $0xFFFFFFFF  }
0xc1: {  	_ =	task.clear_ibuf [dreg:s6], $0x2FFFF;
	_ =	strace $0x9FFFFFFF  }
0xc2: {  	(tm) =	ssettm $0x7FFFFFFF  }
0xc3: {  	_ =	shalt  }
tec
execute0_lowered:
.L_overlay_start_1:
0x0: {  	(tag) =	ssettag $0x1  }
0x1: {  	s5 =	rddreg [dreg:$0x0]  }
0x2: {  	s1 =	rddreg [dreg:$0x1];
	s2 =	srdreg.scid  }
0x3: {  	s3 =	simm.s32 $0x0;
	s17 =	simm.s32 $0x1400;
	s18 =	simm.s32 $0x80  }
0x4: {  	s19 =	simm.s32 $0x2800;
	s20 =	simm.s32 $0x6800;
	s21 =	simm.s32 $0x1  }
0x5: {  	s22 =	simm.s32 $0x2;
	s23 =	simm.s32 $0x1380;
	s24 =	simm.s32 $0x2700  }
0x6: {  	s25 =	simm.s32 $0x2780;
	s6 =	sand.u32 $0x1, s2;
	s2 =	stileid.u32  }
0x7: {  	s26 =	simm.s32 $0x0;
	[smem:$0x7FF] =	sst s3;
	s7 =	smul.u32 $0x140000, s6  }
0x8: {  	s12 =	sadd.s32 $0xF200, s5;
	s13 =	sadd.s32 $0x5200, s5;
	s8 =	smul.u32 $0x14000, s2  }
0x9: {  	s4 =	sshll.u32 s2, $0x1;
	_ =	strace $0x80000047;
	s29 =	smul.u32 $0x50000, s2  }
0xa: {  	s30 =	ssub.s32 $0x2, s6;
	s9 =	sor.u32 s6, s4;
	s4 =	sadd.s32 $0x19200, s5  }
0xb: {  	s6 =	sshrl.u32 s30, $0x1;
	s7 =	sadd.s32 s8, s7;
	s28 =	smul.u32 $0x2800, s9  }
0xc: {  	s31 =	sshrl.u32 s29, $0x2;
	s16 =	ssub.s32 s30, s6;
	s7 =	sshrl.u32 s7, $0x3  }
0xd: {  	s6 =	sadd.s32 s31, s1;
	s14 =	sadd.s32 s7, s5;
	s15 =	sshrl.u32 s28, $0x3  }
0xe: {  	s8 =	sadd.s32 $0x4000, s6;
	s9 =	sadd.s32 $0x8000, s6;
	s10 =	sadd.s32 $0xC000, s6  }
0xf: {  	s5 =	sadd.s32 s12, s15;
	s7 =	sadd.s32 s13, s15;
	s15 =	sadd.s32 $0x280, s15  }
0x10: {  	s11 =	sadd.s32 $0x10000, s6;
	s14 =	sadd.s32 $0x41200, s14;
	s12 =	sadd.s32 s12, s15  }
0x11: {  	v0 =	vimm.f32 $0.0e+00;
	s13 =	sadd.s32 s13, s15;
	s15 =	smax.u32 s16, $0x1;
	s16 =	simm.s32 $0x3  }
.LBB2_1:
0x12: {  	[tilespmem:s3], [sflag:$0x3] =	stream.linear.gather [hbm4b:s5+s3], $0x1400, $0x38;
	[tilespmem:$0x1E800] =	vst v63  }
0x13: {  	_ =	swait.ge [sflag:s16], $0x1400  }
0x14: {  	[sflag:s16] =	ssyncset.done $0x0  }
0x15: {  	[sflag:s16] =	ssyncadd.s32 $0xFFFFEC00  }
0x16: {  	[tilespmem:s17], [sflag:$0x3] =	stream.linear.gather [hbm4b:s7+s3], $0x1400, $0x38;
	[tilespmem:$0x1E800] =	vst v63  }
0x17: {  	_ =	swait.ge [sflag:s16], $0x1400  }
0x18: {  	[sflag:s16] =	ssyncset.done $0x0  }
0x19: {  	s28 =	simm.s32 $0x0;
	s29 =	simm.s32 $0x200;
	[sflag:s16] =	ssyncadd.s32 $0xFFFFEC00  }
0x1a: {  	[tilespmem:s19], [sflag:$0x1] =	stream.indirect.gather [hbm4b:s4+s18], $0x80, s3, s18, $0xb8;
	[tilespmem:$0x1E800] =	vst v63  }
.LBB2_2:
0x1b: {  	p0 =	sne.s32 s29, $0xFE00;
	[tilespmem:s28+$0x6870] =	vst v0  }
0x1c: {  	[tilespmem:s28+$0x6800] =	vst v0  }
0x1d: {  	[tilespmem:s28+$0x6810] =	vst v0  }
.Ltmp0:
0x1e: {  	[tilespmem:s28+$0x6820] =	vst v0;
	(pc) =	sbr.rel @p0 .LBB2_2-.Ltmp0, $4  }
0x1f: {  	[tilespmem:s28+$0x6830] =	vst v0  }
0x20: {  	[tilespmem:s28+$0x6840] =	vst v0  }
0x21: {  	[tilespmem:s28+$0x6850] =	vst v0  }
0x22: {  	[tilespmem:s28+$0x6860] =	vst v0;
	s28 =	sshra.s32 s29, $0x2;
	s29 =	sadd.s32 $0x200, s29  }
0x23: {  	[tilespmem:s28+$0x6870] =	vst v0  }
0x24: {  	[tilespmem:s28+$0x6800] =	vst v0  }
0x25: {  	[tilespmem:s28+$0x6810] =	vst v0  }
0x26: {  	[tilespmem:s28+$0x6820] =	vst v0  }
0x27: {  	[tilespmem:s28+$0x6830] =	vst v0  }
0x28: {  	[tilespmem:s28+$0x6840] =	vst v0  }
0x29: {  	[tilespmem:s28+$0x6850] =	vst v0  }
0x2a: {  	[tilespmem:s28+$0x6860] =	vst v0  }
0x2b: {  	[spmem:s6] =	stream.linear.scatter [tilespmem:s20], [sflag:$0x3], $0x4000, $0x38;
	[tilespmem:$0x1E800] =	vst v63  }
0x2c: {  	_ =	swait.ge [sflag:s16], $0x4000  }
0x2d: {  	[sflag:s16] =	ssyncset.done $0x0  }
0x2e: {  	[sflag:s16] =	ssyncadd.s32 $0xFFFFC000  }
0x2f: {  	[spmem:s8] =	stream.linear.scatter [tilespmem:s20], [sflag:$0x3], $0x4000, $0x38;
	[tilespmem:$0x1E800] =	vst v63  }
0x30: {  	_ =	swait.ge [sflag:s16], $0x4000  }
0x31: {  	[sflag:s16] =	ssyncset.done $0x0  }
0x32: {  	[sflag:s16] =	ssyncadd.s32 $0xFFFFC000  }
0x33: {  	[spmem:s9] =	stream.linear.scatter [tilespmem:s20], [sflag:$0x3], $0x4000, $0x38;
	[tilespmem:$0x1E800] =	vst v63  }
0x34: {  	_ =	swait.ge [sflag:s16], $0x4000  }
0x35: {  	[sflag:s16] =	ssyncset.done $0x0  }
0x36: {  	[sflag:s16] =	ssyncadd.s32 $0xFFFFC000  }
0x37: {  	[spmem:s10] =	stream.linear.scatter [tilespmem:s20], [sflag:$0x3], $0x4000, $0x38;
	[tilespmem:$0x1E800] =	vst v63  }
0x38: {  	_ =	swait.ge [sflag:s16], $0x4000  }
0x39: {  	[sflag:s16] =	ssyncset.done $0x0  }
0x3a: {  	[sflag:s16] =	ssyncadd.s32 $0xFFFFC000  }
0x3b: {  	[spmem:s11] =	stream.linear.scatter [tilespmem:s20], [sflag:$0x3], $0x4000, $0x38;
	[tilespmem:$0x1E800] =	vst v63  }
0x3c: {  	_ =	swait.ge [sflag:s16], $0x4000  }
0x3d: {  	[sflag:s16] =	ssyncset.done $0x0  }
0x3e: {  	[sflag:s16] =	ssyncadd.s32 $0xFFFFC000  }
0x3f: {  	s28 =	simm.s32 $0x80;
	[bflag:$0x0] =	sbarrier.arrive $0xFFFF  }
0x40: {  	[tilespmem:s20], [sflag:$0x2] =	stream.indirect.gather [hbm4b:s4+s18], $0x80, s28, s18, $0xb8;
	[tilespmem:$0x1E800] =	vst v63  }
0x41: {  	_ =	swait.ge [sflag:s21], $0x4000  }
0x42: {  	[sflag:s21] =	ssyncset.done $0x0  }
0x43: {  	s28 =	simm.s32 $0x1400;
	[sflag:s21] =	ssyncadd.s32 $0xFFFFC000  }
0x44: {  	[spmem:s1] =	stream.indirect.scatter.add.f32 [tilespmem:s19], [sflag:$0x3], $0x80, s28, s18, $0xb8;
	[tilespmem:$0x1E800] =	vst v63  }
0x45: {  	_ =	swait.ge [sflag:s16], $0x4000  }
0x46: {  	[sflag:s16] =	ssyncset.done $0x0  }
0x47: {  	s28 =	simm.s32 $0x100;
	[sflag:s16] =	ssyncadd.s32 $0xFFFFC000  }
0x48: {  	[tilespmem:s19], [sflag:$0x1] =	stream.indirect.gather [hbm4b:s4+s18], $0x80, s28, s18, $0xb8;
	[tilespmem:$0x1E800] =	vst v63  }
0x49: {  	_ =	swait.ge [sflag:s22], $0x4000  }
0x4a: {  	[sflag:s22] =	ssyncset.done $0x0  }
0x4b: {  	s28 =	simm.s32 $0x1480;
	[sflag:s22] =	ssyncadd.s32 $0xFFFFC000  }
0x4c: {  	[spmem:s1] =	stream.indirect.scatter.add.f32 [tilespmem:s20], [sflag:$0x3], $0x80, s28, s18, $0xb8;
	[tilespmem:$0x1E800] =	vst v63  }
0x4d: {  	_ =	swait.ge [sflag:s16], $0x4000  }
0x4e: {  	s29 =	simm.s32 $0x800;
	s28 =	simm.s32 $0x100;
	[sflag:s16] =	ssyncset.done $0x0  }
.LBB2_4:
0x4f: {  	s30 =	sadd.s32 $0x80, s28  }
0x50: {  	[sflag:s16] =	ssyncadd.s32 $0xFFFFC000;
	s31 =	smov.u32 s29;
	s0 =	sadd.s32 $0x400, s29  }
0x51: {  	[tilespmem:s20], [sflag:$0x2] =	stream.indirect.gather [hbm4b:s4+s18], $0x80, s30, s18, $0xb8;
	[tilespmem:$0x1E800] =	vst v63  }
0x52: {  	p0 =	sne.s32 s29, $0x4800;
	_ =	swait.ge [sflag:s21], $0x4000  }
0x53: {  	[sflag:s21] =	ssyncset.done $0x0  }
0x54: {  	s29 =	sadd.s32 $0x1400, s28;
	[sflag:s21] =	ssyncadd.s32 $0xFFFFC000  }
0x55: {  	[spmem:s1] =	stream.indirect.scatter.add.f32 [tilespmem:s19], [sflag:$0x3], $0x80, s29, s18, $0xb8;
	[tilespmem:$0x1E800] =	vst v63  }
0x56: {  	_ =	swait.ge [sflag:s16], $0x4000  }
0x57: {  	[sflag:s16] =	ssyncset.done $0x0  }
0x58: {  	s29 =	sadd.s32 $0x100, s28;
	[sflag:s16] =	ssyncadd.s32 $0xFFFFC000  }
0x59: {  	[tilespmem:s19], [sflag:$0x1] =	stream.indirect.gather [hbm4b:s4+s18], $0x80, s29, s18, $0xb8;
	[tilespmem:$0x1E800] =	vst v63  }
0x5a: {  	_ =	swait.ge [sflag:s22], $0x4000  }
.Ltmp1:
0x5b: {  	[sflag:s22] =	ssyncset.done $0x0;
	(pc) =	sbr.rel @p0 .LBB2_4-.Ltmp1, $4  }
0x5c: {  	s28 =	sadd.s32 $0x1480, s28;
	[sflag:s22] =	ssyncadd.s32 $0xFFFFC000  }
0x5d: {  	[spmem:s1] =	stream.indirect.scatter.add.f32 [tilespmem:s20], [sflag:$0x3], $0x80, s28, s18, $0xb8;
	[tilespmem:$0x1E800] =	vst v63  }
0x5e: {  	_ =	swait.ge [sflag:s16], $0x4000  }
0x5f: {  	s29 =	smov.u32 s0;
	s28 =	sshra.s32 s31, $0x2;
	[sflag:s16] =	ssyncset.done $0x0  }
0x60: {  	s0 =	sadd.s32 $0x80, s28;
	[sflag:s16] =	ssyncadd.s32 $0xFFFFC000  }
0x61: {  	[tilespmem:s20], [sflag:$0x2] =	stream.indirect.gather [hbm4b:s4+s18], $0x80, s0, s18, $0xb8;
	[tilespmem:$0x1E800] =	vst v63  }
0x62: {  	_ =	swait.ge [sflag:s21], $0x4000  }
0x63: {  	[sflag:s21] =	ssyncset.done $0x0  }
0x64: {  	s30 =	sadd.s32 $0x1400, s28;
	[sflag:s21] =	ssyncadd.s32 $0xFFFFC000  }
0x65: {  	[spmem:s1] =	stream.indirect.scatter.add.f32 [tilespmem:s19], [sflag:$0x3], $0x80, s30, s18, $0xb8;
	[tilespmem:$0x1E800] =	vst v63  }
0x66: {  	_ =	swait.ge [sflag:s16], $0x4000  }
0x67: {  	[sflag:s16] =	ssyncset.done $0x0  }
0x68: {  	s31 =	sadd.s32 $0x100, s28;
	[sflag:s16] =	ssyncadd.s32 $0xFFFFC000  }
0x69: {  	[tilespmem:s19], [sflag:$0x1] =	stream.indirect.gather [hbm4b:s4+s18], $0x80, s31, s18, $0xb8;
	[tilespmem:$0x1E800] =	vst v63  }
0x6a: {  	_ =	swait.ge [sflag:s22], $0x4000  }
0x6b: {  	[sflag:s22] =	ssyncset.done $0x0  }
0x6c: {  	s30 =	sadd.s32 $0x1480, s28;
	[sflag:s22] =	ssyncadd.s32 $0xFFFFC000  }
0x6d: {  	[spmem:s1] =	stream.indirect.scatter.add.f32 [tilespmem:s20], [sflag:$0x3], $0x80, s30, s18, $0xb8;
	[tilespmem:$0x1E800] =	vst v63  }
0x6e: {  	_ =	swait.ge [sflag:s16], $0x4000  }
0x6f: {  	[sflag:s16] =	ssyncset.done $0x0  }
0x70: {  	[sflag:s16] =	ssyncadd.s32 $0xFFFFC000  }
0x71: {  	[tilespmem:s20], [sflag:$0x2] =	stream.indirect.gather [hbm4b:s4+s18], $0x80, s23, s18, $0xb8;
	[tilespmem:$0x1E800] =	vst v63  }
0x72: {  	_ =	swait.ge [sflag:s21], $0x4000  }
0x73: {  	[sflag:s21] =	ssyncset.done $0x0  }
0x74: {  	[sflag:s21] =	ssyncadd.s32 $0xFFFFC000  }
0x75: {  	[spmem:s1] =	stream.indirect.scatter.add.f32 [tilespmem:s19], [sflag:$0x3], $0x80, s24, s18, $0xb8;
	[tilespmem:$0x1E800] =	vst v63  }
0x76: {  	_ =	swait.ge [sflag:s16], $0x4000  }
0x77: {  	[sflag:s16] =	ssyncset.done $0x0  }
0x78: {  	[sflag:s16] =	ssyncadd.s32 $0xFFFFC000  }
0x79: {  	_ =	swait.ge [sflag:s22], $0x4000  }
0x7a: {  	[sflag:s22] =	ssyncset.done $0x0  }
0x7b: {  	[sflag:s22] =	ssyncadd.s32 $0xFFFFC000  }
0x7c: {  	[spmem:s1] =	stream.indirect.scatter.add.f32 [tilespmem:s20], [sflag:$0x3], $0x80, s25, s18, $0xb8;
	[tilespmem:$0x1E800] =	vst v63  }
0x7d: {  	_ =	swait.ge [sflag:s16], $0x4000  }
0x7e: {  	[sflag:s16] =	ssyncset.done $0x0  }
0x7f: {  	s31 =	simm.s32 $0x0;
	[sflag:s16] =	ssyncadd.s32 $0xFFFFC000  }
0x80: {  	[tilespmem:s31], [sflag:$0x3] =	stream.linear.gather [hbm4b:s12+s31], $0x1400, $0x38;
	[tilespmem:$0x1E800] =	vst v63  }
0x81: {  	_ =	swait.ge [sflag:s16], $0x1400  }
0x82: {  	[sflag:s16] =	ssyncset.done $0x0  }
0x83: {  	[sflag:s16] =	ssyncadd.s32 $0xFFFFEC00  }
0x84: {  	[tilespmem:s17], [sflag:$0x3] =	stream.linear.gather [hbm4b:s13+s31], $0x1400, $0x38;
	[tilespmem:$0x1E800] =	vst v63  }
0x85: {  	_ =	swait.ge [sflag:s16], $0x1400  }
0x86: {  	[sflag:s16] =	ssyncset.done $0x0  }
0x87: {  	[sflag:s16] =	ssyncadd.s32 $0xFFFFEC00  }
0x88: {  	[tilespmem:s19], [sflag:$0x1] =	stream.indirect.gather [hbm4b:s4+s18], $0x80, s31, s18, $0xb8;
	[tilespmem:$0x1E800] =	vst v63  }
0x89: {  	s30 =	simm.s32 $0x80  }
0x8a: {  	[tilespmem:s20], [sflag:$0x2] =	stream.indirect.gather [hbm4b:s4+s18], $0x80, s30, s18, $0xb8;
	[tilespmem:$0x1E800] =	vst v63  }
0x8b: {  	_ =	swait.ge [sflag:s21], $0x4000  }
0x8c: {  	[sflag:s21] =	ssyncset.done $0x0  }
0x8d: {  	s31 =	simm.s32 $0x1400;
	[sflag:s21] =	ssyncadd.s32 $0xFFFFC000  }
0x8e: {  	[spmem:s1] =	stream.indirect.scatter.add.f32 [tilespmem:s19], [sflag:$0x3], $0x80, s31, s18, $0xb8;
	[tilespmem:$0x1E800] =	vst v63  }
0x8f: {  	_ =	swait.ge [sflag:s16], $0x4000  }
0x90: {  	[sflag:s16] =	ssyncset.done $0x0  }
0x91: {  	s30 =	simm.s32 $0x100;
	[sflag:s16] =	ssyncadd.s32 $0xFFFFC000  }
0x92: {  	[tilespmem:s19], [sflag:$0x1] =	stream.indirect.gather [hbm4b:s4+s18], $0x80, s30, s18, $0xb8;
	[tilespmem:$0x1E800] =	vst v63  }
0x93: {  	_ =	swait.ge [sflag:s22], $0x4000  }
0x94: {  	[sflag:s22] =	ssyncset.done $0x0  }
0x95: {  	s31 =	simm.s32 $0x1480;
	[sflag:s22] =	ssyncadd.s32 $0xFFFFC000  }
0x96: {  	[spmem:s1] =	stream.indirect.scatter.add.f32 [tilespmem:s20], [sflag:$0x3], $0x80, s31, s18, $0xb8;
	[tilespmem:$0x1E800] =	vst v63  }
0x97: {  	_ =	swait.ge [sflag:s16], $0x4000  }
0x98: {  	s29 =	simm.s32 $0x800;
	s28 =	simm.s32 $0x100;
	[sflag:s16] =	ssyncset.done $0x0  }
.LBB2_6:
0x99: {  	s0 =	sadd.s32 $0x80, s28  }
0x9a: {  	[sflag:s16] =	ssyncadd.s32 $0xFFFFC000;
	s30 =	smov.u32 s29;
	s31 =	sadd.s32 $0x400, s29  }
0x9b: {  	[tilespmem:s20], [sflag:$0x2] =	stream.indirect.gather [hbm4b:s4+s18], $0x80, s0, s18, $0xb8;
	[tilespmem:$0x1E800] =	vst v63  }
0x9c: {  	p0 =	sne.s32 s29, $0x4800;
	_ =	swait.ge [sflag:s21], $0x4000  }
0x9d: {  	[sflag:s21] =	ssyncset.done $0x0  }
0x9e: {  	s0 =	sadd.s32 $0x1400, s28;
	[sflag:s21] =	ssyncadd.s32 $0xFFFFC000  }
0x9f: {  	[spmem:s1] =	stream.indirect.scatter.add.f32 [tilespmem:s19], [sflag:$0x3], $0x80, s0, s18, $0xb8;
	[tilespmem:$0x1E800] =	vst v63  }
0xa0: {  	_ =	swait.ge [sflag:s16], $0x4000  }
0xa1: {  	[sflag:s16] =	ssyncset.done $0x0  }
0xa2: {  	s0 =	sadd.s32 $0x100, s28;
	[sflag:s16] =	ssyncadd.s32 $0xFFFFC000  }
0xa3: {  	[tilespmem:s19], [sflag:$0x1] =	stream.indirect.gather [hbm4b:s4+s18], $0x80, s0, s18, $0xb8;
	[tilespmem:$0x1E800] =	vst v63  }
0xa4: {  	_ =	swait.ge [sflag:s22], $0x4000  }
.Ltmp2:
0xa5: {  	[sflag:s22] =	ssyncset.done $0x0;
	(pc) =	sbr.rel @p0 .LBB2_6-.Ltmp2, $4  }
0xa6: {  	s0 =	sadd.s32 $0x1480, s28;
	[sflag:s22] =	ssyncadd.s32 $0xFFFFC000  }
0xa7: {  	[spmem:s1] =	stream.indirect.scatter.add.f32 [tilespmem:s20], [sflag:$0x3], $0x80, s0, s18, $0xb8;
	[tilespmem:$0x1E800] =	vst v63  }
0xa8: {  	_ =	swait.ge [sflag:s16], $0x4000  }
0xa9: {  	s29 =	smov.u32 s31;
	s28 =	sshra.s32 s30, $0x2;
	[sflag:s16] =	ssyncset.done $0x0  }
0xaa: {  	s0 =	sadd.s32 $0x80, s28;
	[sflag:s16] =	ssyncadd.s32 $0xFFFFC000  }
0xab: {  	[tilespmem:s20], [sflag:$0x2] =	stream.indirect.gather [hbm4b:s4+s18], $0x80, s0, s18, $0xb8;
	[tilespmem:$0x1E800] =	vst v63  }
0xac: {  	_ =	swait.ge [sflag:s21], $0x4000  }
0xad: {  	[sflag:s21] =	ssyncset.done $0x0  }
0xae: {  	s30 =	sadd.s32 $0x1400, s28;
	[sflag:s21] =	ssyncadd.s32 $0xFFFFC000  }
0xaf: {  	[spmem:s1] =	stream.indirect.scatter.add.f32 [tilespmem:s19], [sflag:$0x3], $0x80, s30, s18, $0xb8;
	[tilespmem:$0x1E800] =	vst v63  }
0xb0: {  	_ =	swait.ge [sflag:s16], $0x4000  }
0xb1: {  	[sflag:s16] =	ssyncset.done $0x0  }
0xb2: {  	s31 =	sadd.s32 $0x100, s28;
	[sflag:s16] =	ssyncadd.s32 $0xFFFFC000  }
0xb3: {  	[tilespmem:s19], [sflag:$0x1] =	stream.indirect.gather [hbm4b:s4+s18], $0x80, s31, s18, $0xb8;
	[tilespmem:$0x1E800] =	vst v63  }
0xb4: {  	_ =	swait.ge [sflag:s22], $0x4000  }
0xb5: {  	[sflag:s22] =	ssyncset.done $0x0  }
0xb6: {  	s29 =	sadd.s32 $0x1480, s28;
	[sflag:s22] =	ssyncadd.s32 $0xFFFFC000  }
0xb7: {  	[spmem:s1] =	stream.indirect.scatter.add.f32 [tilespmem:s20], [sflag:$0x3], $0x80, s29, s18, $0xb8;
	[tilespmem:$0x1E800] =	vst v63  }
0xb8: {  	_ =	swait.ge [sflag:s16], $0x4000  }
0xb9: {  	[sflag:s16] =	ssyncset.done $0x0  }
0xba: {  	[sflag:s16] =	ssyncadd.s32 $0xFFFFC000  }
0xbb: {  	[tilespmem:s20], [sflag:$0x2] =	stream.indirect.gather [hbm4b:s4+s18], $0x80, s23, s18, $0xb8;
	[tilespmem:$0x1E800] =	vst v63  }
0xbc: {  	_ =	swait.ge [sflag:s21], $0x4000  }
0xbd: {  	[sflag:s21] =	ssyncset.done $0x0  }
0xbe: {  	[sflag:s21] =	ssyncadd.s32 $0xFFFFC000  }
0xbf: {  	[spmem:s1] =	stream.indirect.scatter.add.f32 [tilespmem:s19], [sflag:$0x3], $0x80, s24, s18, $0xb8;
	[tilespmem:$0x1E800] =	vst v63  }
0xc0: {  	_ =	swait.ge [sflag:s16], $0x4000  }
0xc1: {  	[sflag:s16] =	ssyncset.done $0x0  }
0xc2: {  	[sflag:s16] =	ssyncadd.s32 $0xFFFFC000  }
0xc3: {  	_ =	swait.ge [sflag:s22], $0x4000  }
0xc4: {  	[sflag:s22] =	ssyncset.done $0x0  }
0xc5: {  	[sflag:s22] =	ssyncadd.s32 $0xFFFFC000  }
0xc6: {  	[spmem:s1] =	stream.indirect.scatter.add.f32 [tilespmem:s20], [sflag:$0x3], $0x80, s25, s18, $0xb8;
	[tilespmem:$0x1E800] =	vst v63  }
0xc7: {  	_ =	swait.ge [sflag:s16], $0x4000  }
0xc8: {  	s26 =	sadd.s32 $0x1, s26;
	s30 =	sshll.u32 s2, $0x6;
	[sflag:s16] =	ssyncset.done $0x0  }
0xc9: {  	p0 =	sne.s32 s26, s15;
	s0 =	sor.u32 $0x1C03, s30;
	[sflag:s16] =	ssyncadd.s32 $0xFFFFC000  }
.Ltmp3:
0xca: {  	s31 =	sshrl.u32 s6, $0x3;
	[bflag:$0x0] =	sbarrier.arrive $0xFFFF;
	(pc) =	sbr.rel @p0 .LBB2_1-.Ltmp3, $4  }
0xcb: {  	[hbm:s14], [sflag:s0] =	dma.local [spmem:s31], $0x2800  }
0xcc: {  	_ =	swait.ge [sflag:s16], $0x2800  }
0xcd: {  	[sflag:s16] =	ssyncset.done $0x0  }
0xce: {  	[sflag:s16] =	ssyncadd.s32 $0xFFFFD800  }
0xcf: {  	_ =	sfence.sel $0x180000  }
0xd0: {  	[bflag:$0x0] =	sbarrier.arrive $0xFFFF  }
0xd1: {  	_ =	strace $0x90000047  }
0xd2: {  	[bflag:$0x2] =	sbarrier.arrive $0xFFFF  }
0xd3: {  	p0 =	sne.s32 s2, $0x0;
	s0 =	rddreg [dreg:$0x2]  }
0xd4: {  	s0 =	sadd.s32 @!p0 $0x100000, s0  }
0xd5: {  	[sflag:s0] =	ssyncadd.tile.s32 @!p0 $0x1;
	_ =	shalt  }
.Lfunc_end2:
_tile_overlayer_lowered:
.L_overlay_start_2:
0xd6: {  	(tag) =	ssettag $0x2  }
0xd7: {  	s0 =	rddreg [dreg:$0x0];
	s2 =	stileid.u32  }
0xd8: {  	s1 =	rddreg [dreg:$0x1];
	p0 =	sne.s32 s2, $0x0  }
0xd9: {  	s3 =	rddreg [dreg:$0x2];
	[bflag:$0x3] =	sbarrier.arrive $0xFFFF;
	s2 =	simm.s32 @!p0 $0x1C03  }
0xda: {  	[timem:s3], [sflag:s2] =	dma.local @!p0 [hbm:s0], s1  }
0xdb: {  	s0 =	simm.s32 @!p0 $0x3  }
0xdc: {  	_ =	swait.ge @!p0 [sflag:s0], s1  }
0xdd: {  	s1 =	ssub.s32 @!p0 $0x0, s1;
	[sflag:s0] =	ssyncset.done @!p0 $0x0  }
0xde: {  	[sflag:s0] =	ssyncadd.s32 @!p0 s1  }
0xdf: {  	[bflag:$0x3] =	sbarrier.arrive $0xFFFF  }
0xe0: {  	_ =	shalt  }

</sc_bundles>
